<compile_context>
chip_gen: v7x
topology: tpu7x:2x2x1
jax: 0.10.2.dev20260603
libtpu: 0.0.44.dev20260713+nightly
codegen_flags: <defaults>
</compile_context>

<pallas_src>
import jax
import jax.numpy as jnp
from jax import lax
from jax.experimental import pallas as pl
from jax.experimental.pallas import tpu as pltpu
from jax.experimental.pallas import tpu_sc as plsc

_NC = 2
_NS = 16
_C = 128


def _ceil_to(v, m):
    return (v + m - 1) // m * m


def _mesh():
    return plsc.VectorSubcoreMesh(
        core_axis_name="c", subcore_axis_name="s",
        num_cores=_NC, num_subcores=_NS)


def _sc_degree(n_tab, e_pad):
    chunks = e_pad // (_NC * _NS * _C)
    rows = n_tab // _NS

    def body(dst_hbm, deg_out, dstv, onev, stagev, degacc):
        c = lax.axis_index("c")
        s = lax.axis_index("s")
        r0 = s * rows
        for i in range(rows // 16):
            stagev[pl.ds(i * 16, 16)] = jnp.zeros((16,), jnp.float32)
        for i in range(_C // 16):
            onev[pl.ds(i * 16, 16)] = jnp.ones((16,), jnp.float32)
        pltpu.sync_copy(stagev, degacc.at[pl.ds(r0, rows)])
        w = c * _NS + s
        pltpu.sync_copy(dst_hbm.at[pl.ds(w * chunks, chunks)], dstv)
        plsc.subcore_barrier()

        def chunk(j, carry):
            pltpu.sync_copy(onev, degacc.at[dstv.at[j]], add=True)
            return carry

        lax.fori_loop(0, chunks, chunk, 0)
        plsc.subcore_barrier()
        pltpu.sync_copy(degacc.at[pl.ds(r0, rows)], stagev)
        pltpu.sync_copy(stagev, deg_out.at[pl.ds(c * n_tab + r0, rows)])

    return pl.kernel(
        body,
        out_type=jax.ShapeDtypeStruct((_NC * n_tab,), jnp.float32),
        mesh=_mesh(),
        scratch_types=[
            pltpu.VMEM((chunks, _C), jnp.int32),
            pltpu.VMEM((_C,), jnp.float32),
            pltpu.VMEM((rows,), jnp.float32),
            pltpu.VMEM_SHARED((n_tab,), jnp.float32),
        ],
    )


def _sc_aggregate(h, n_tab, k0, k1):
    kmax = max(k0, k1)
    rows = n_tab // _NS

    def body(hs_hbm, src_hbm, dst_hbm, acc_out,
             srcv, dst0, dst1, rows0, rows1, acc,
             si0, si1, sg0, sg1, ss0, ss1):
        c = lax.axis_index("c")
        s = lax.axis_index("s")
        r0 = s * rows
        row0 = lax.select(c == 0, s * k0, _NS * k0 + s * k1)
        my_pairs = lax.select(c == 0, k0 // 2, k1 // 2)

        def zrow(i, carry):
            for k in range(h // 16):
                rows0[i, pl.ds(k * 16, 16)] = jnp.zeros((16,), jnp.float32)
            return carry

        lax.fori_loop(0, _C, zrow, 0)

        def zcp(i, carry):
            pltpu.sync_copy(rows0, acc.at[pl.ds(r0 + i * _C, _C)])
            return carry

        lax.fori_loop(0, rows // _C, zcp, 0)
        pltpu.sync_copy(src_hbm.at[pl.ds(row0, kmax)], srcv)
        plsc.subcore_barrier()

        def i_start(j, buf, sem):
            pltpu.async_copy(dst_hbm.at[row0 + j], buf, sem)

        def i_wait(j, buf, sem):
            pltpu.make_async_copy(dst_hbm.at[row0 + j], buf, sem).wait()

        def g_start(j, buf, sem):
            pltpu.async_copy(hs_hbm.at[srcv.at[j]], buf, sem)

        def g_wait(j, buf, sem):
            pltpu.make_async_copy(hs_hbm.at[srcv.at[j]], buf, sem).wait()

        def s_start(buf, idx, sem):
            pltpu.async_copy(buf, acc.at[idx], sem, add=True)

        def s_wait(buf, idx, sem):
            pltpu.make_async_copy(buf, acc.at[idx], sem).wait()

        def _pair(p, carry):
            j0 = 2 * p
            j1 = j0 + 1
            g_wait(j0, rows0, sg0)
            @pl.when(p > 0)
            def _():
                s_wait(rows1, dst1, ss1)
            i_start(j1, dst1, si1)
            g_start(j1, rows1, sg1)
            i_wait(j0, dst0, si0)
            s_start(rows0, dst0, ss0)
            g_wait(j1, rows1, sg1)
            s_wait(rows0, dst0, ss0)
            @pl.when(p + 1 < my_pairs)
            def _():
                i_start(j0 + 2, dst0, si0)
                g_start(j0 + 2, rows0, sg0)
            i_wait(j1, dst1, si1)
            s_start(rows1, dst1, ss1)
            return carry

        i_start(0, dst0, si0)
        g_start(0, rows0, sg0)
        lax.fori_loop(0, my_pairs, _pair, 0)
        s_wait(rows1, dst1, ss1)
        plsc.subcore_barrier()

        def wb(i, carry):
            pltpu.sync_copy(acc.at[pl.ds(r0 + i * _C, _C)],
                            acc_out.at[pl.ds(c * n_tab + r0 + i * _C, _C)])
            return carry

        lax.fori_loop(0, rows // _C, wb, 0)

    return pl.kernel(
        body,
        out_type=jax.ShapeDtypeStruct((_NC * n_tab, h), jnp.float32),
        mesh=_mesh(),
        scratch_types=[
            pltpu.VMEM((kmax, _C), jnp.int32),
            pltpu.VMEM((_C,), jnp.int32),
            pltpu.VMEM((_C,), jnp.int32),
            pltpu.VMEM((_C, h), jnp.float32),
            pltpu.VMEM((_C, h), jnp.float32),
            pltpu.VMEM_SHARED((n_tab, h), jnp.float32),
            pltpu.SemaphoreType.DMA,
            pltpu.SemaphoreType.DMA,
            pltpu.SemaphoreType.DMA,
            pltpu.SemaphoreType.DMA,
            pltpu.SemaphoreType.DMA,
            pltpu.SemaphoreType.DMA,
        ],
    )


def _tc_mm(x, w1):
    n, _ = x.shape
    h = w1.shape[1]

    def body(x_ref, w1_ref, xw_ref):
        xw_ref[...] = jnp.dot(x_ref[...], w1_ref[...],
                              preferred_element_type=jnp.float32)

    return pl.pallas_call(
        body, out_shape=jax.ShapeDtypeStruct((n, h), jnp.float32))(x, w1)


def _tc_scale(degp, xw, n_tab):
    n, h = xw.shape

    def body(degp_ref, xw_ref, dinv_ref, hs_ref):
        deg = degp_ref[0, :] + degp_ref[1, :] + 1.0
        dinv = lax.rsqrt(deg)
        dinv_ref[...] = dinv[:, None]
        v = xw_ref[...] * dinv[:n, None]
        hs_ref[0] = v
        hs_ref[1] = v

    return pl.pallas_call(
        body,
        out_shape=(jax.ShapeDtypeStruct((n_tab, 1), jnp.float32),
                   jax.ShapeDtypeStruct((2, n, h), jnp.float32)),
    )(degp, xw)


def _tc_layer(accp, hs, dinv, b, w2):
    _, n, h = hs.shape
    r = 2000 if n % 2000 == 0 else n
    grid = (n // r,)

    def body(accp_ref, hs_ref, dinv_ref, b_ref, w2_ref, out_ref):
        agg = accp_ref[0] + accp_ref[1] + hs_ref[0]
        dv = dinv_ref[...]
        h1 = jnp.maximum(agg * dv + b_ref[...], 0.0)
        v = jnp.dot(h1, w2_ref[...], preferred_element_type=jnp.float32) * dv
        out_ref[0] = v
        out_ref[1] = v

    return pl.pallas_call(
        body,
        grid=grid,
        in_specs=[
            pl.BlockSpec((2, r, h), lambda i: (0, i, 0)),
            pl.BlockSpec((1, r, h), lambda i: (0, i, 0)),
            pl.BlockSpec((r, 1), lambda i: (i, 0)),
            pl.BlockSpec((1, h), lambda i: (0, 0)),
            pl.BlockSpec((h, h), lambda i: (0, 0)),
        ],
        out_specs=pl.BlockSpec((2, r, h), lambda i: (0, i, 0)),
        out_shape=jax.ShapeDtypeStruct((2, n, h), jnp.float32),
    )(accp, hs, dinv, b, w2)


def _tc_head(accp, hs, dinv, b, wout, bout):
    _, n, h = hs.shape
    a = wout.shape[0]
    r = 2000 if n % 2000 == 0 else n
    grid = (n // r,)

    def body(accp_ref, hs_ref, dinv_ref, b_ref, wout_ref, bout_ref, q_ref):
        agg = accp_ref[0] + accp_ref[1] + hs_ref[0]
        dv = dinv_ref[...]
        h2 = jnp.maximum(agg * dv + b_ref[...], 0.0)
        q_ref[...] = lax.dot_general(
            h2, wout_ref[...], (((1,), (1,)), ((), ())),
            preferred_element_type=jnp.float32) + bout_ref[...]

    return pl.pallas_call(
        body,
        grid=grid,
        in_specs=[
            pl.BlockSpec((2, r, h), lambda i: (0, i, 0)),
            pl.BlockSpec((1, r, h), lambda i: (0, i, 0)),
            pl.BlockSpec((r, 1), lambda i: (i, 0)),
            pl.BlockSpec((1, h), lambda i: (0, 0)),
            pl.BlockSpec((a, h), lambda i: (0, 0)),
            pl.BlockSpec((1, a), lambda i: (0, 0)),
        ],
        out_specs=pl.BlockSpec((r, a), lambda i: (i, 0)),
        out_shape=jax.ShapeDtypeStruct((n, a), jnp.float32),
    )(accp, hs, dinv, b, wout, bout)


def kernel(x, edge_index, W1, b1, W2, b2, Wout, bout):
    n, _ = x.shape
    e = edge_index.shape[1]
    h = W1.shape[1]

    n_tab = _ceil_to(n, _NS * 16)
    e_pad = _ceil_to(e, _NC * _NS * _C * 2)

    per_tile = e_pad // (_C * _NS)
    k0 = per_tile // 2
    k1 = per_tile - k0
    arr_rows = _NS * k0 + (_NS - 1) * k1 + max(k0, k1)

    src = edge_index[0].astype(jnp.int32)
    dst = edge_index[1].astype(jnp.int32)
    pad = arr_rows * _C - e
    pad_dst = n + jnp.arange(pad, dtype=jnp.int32) % (n_tab - n)
    src_f = jnp.concatenate([src, jnp.zeros((pad,), jnp.int32)])
    src_f = jnp.where(jnp.arange(src_f.shape[0]) >= _NS * k0 * _C,
                      src_f + n, src_f)
    src_p = src_f.reshape(-1, _C)
    dst_p = jnp.concatenate([dst, pad_dst]).reshape(-1, _C)
    b1r = b1.reshape(1, -1)
    b2r = b2.reshape(1, -1)
    boutr = bout.reshape(1, -1)

    xw = _tc_mm(x, W1)
    degp = _sc_degree(n_tab, e_pad)(dst_p).reshape(_NC, n_tab)
    dinv, hs1 = _tc_scale(degp, xw, n_tab)
    agg = _sc_aggregate(h, n_tab, k0, k1)
    acc1 = agg(hs1.reshape(2 * n, h), src_p, dst_p)
    hs2 = _tc_layer(acc1.reshape(_NC, n_tab, h), hs1, dinv, b1r, W2)
    acc2 = agg(hs2.reshape(2 * n, h), src_p, dst_p)
    q = _tc_head(acc2.reshape(_NC, n_tab, h), hs2, dinv, b2r, Wout, boutr)
    return q

# --- scband reference (transcript-rebuilt; emitter-appended) ---
"""Pipeline reference for scband-qfunction-2671469658662 (READ-ONLY COPY).

The authoritative reference and input builder live on the scoring server;
editing this copy changes nothing except your own understanding.
"""

import jax, jax.numpy as jnp
import numpy as np

N = 10000
E = 320000
D = 128
H = 128
A = 8


def setup_inputs(seed: int = 0) -> dict:
    key = jax.random.key(seed)
    ks = jax.random.split(key, 9)
    x = jax.random.normal(ks[0], (N, D), dtype=jnp.float32)
    edge_index = jax.random.randint(ks[1], (2, E), 0, N).astype(jnp.int64)
    W1 = jax.random.normal(ks[2], (D, H), dtype=jnp.float32) * 0.05
    b1 = jnp.zeros((H,), dtype=jnp.float32)
    W2 = jax.random.normal(ks[3], (H, H), dtype=jnp.float32) * 0.05
    b2 = jnp.zeros((H,), dtype=jnp.float32)
    Wout = jax.random.normal(ks[4], (A, H), dtype=jnp.float32) * 0.05
    bout = jnp.zeros((A,), dtype=jnp.float32)
    return {"x": x, "edge_index": edge_index, "W1": W1, "b1": b1, "W2": W2, "b2": b2, "Wout": Wout, "bout": bout}


def gcn_conv(x, edge_index, W, b):
    # PyG-style GCNConv: x' = D^{-1/2} (A + I) D^{-1/2} (X W) + b
    n = x.shape[0]
    loop = jnp.arange(n, dtype=edge_index.dtype)
    src = jnp.concatenate([edge_index[0], loop])
    dst = jnp.concatenate([edge_index[1], loop])
    deg = jnp.zeros((n,), dtype=x.dtype).at[dst].add(1.0)
    dinv = jax.lax.rsqrt(deg)
    norm = dinv[src] * dinv[dst]
    h = x @ W
    msg = h[src] * norm[:, None]
    out = jnp.zeros((n, W.shape[1]), dtype=x.dtype).at[dst].add(msg)
    return out + b


def reference(x, edge_index, W1, b1, W2, b2, Wout, bout):
    h = jax.nn.relu(gcn_conv(x, edge_index, W1, b1))
    h = jax.nn.relu(gcn_conv(h, edge_index, W2, b2))
    q = h @ Wout.T + bout
    return q

if __name__ == "__main__":
    import jax
    _d = setup_inputs()
    print(jax.jit(kernel)(*tuple(_d.values())))

</pallas_src>

<mosaic_0001>
#map = affine_map<(d0, d1) -> (0, 0)>
#map1 = affine_map<(d0, d1) -> (0)>
module attributes {stable_mosaic.version = 14 : i64} {
  func.func @body(%arg0: i32, %arg1: i32, %arg2: memref<2560x128xi32, #tpu.memory_space<hbm>>, %arg3: memref<20480xf32, #tpu.memory_space<hbm>>, %arg4: memref<80x128xi32, #tpu.memory_space<vmem>>, %arg5: memref<128xf32, #tpu.memory_space<vmem>>, %arg6: memref<640xf32, #tpu.memory_space<vmem>>, %arg7: memref<10240xf32, #tpu.memory_space<vmem_shared>>) attributes {dimension_semantics = [#tpu.dimension_semantics<core_parallel>, #tpu.dimension_semantics<subcore_parallel>], iteration_bounds = array<i64: 2, 16>, scalar_prefetch = 0 : i64, scratch_operands = 4 : i64, tpu.core_type = #tpu.core_type<sc_vector_subcore>, window_params = [{transform_indices = #map}, {transform_indices = #map1}]} {
    %mul3A = arith.constant 640 : i32
    %mul3A_0 = arith.muli %arg1, %mul3A : i32
    %broadcast_in_dim3A = arith.constant 0.000000e+00 : f32
    %broadcast_in_dim3A_1 = vector.broadcast %broadcast_in_dim3A : f32 to vector<16xf32>
    %swap3A = arith.constant 0 : index
    %swap3A_2 = tpu.vector_load %arg6[%swap3A] {strides = array<i32>} : memref<640xf32, #tpu.memory_space<vmem>>, vector<16xf32>,
    %swap3A_3 = vector.shape_cast %swap3A_2 : vector<16xf32> to vector<16xf32>
    %swap3A_4 = vector.shape_cast %broadcast_in_dim3A_1 : vector<16xf32> to vector<16xf32>
    tpu.vector_store %arg6[%swap3A], %swap3A_4 {strides = array<i32>} : memref<640xf32, #tpu.memory_space<vmem>>, vector<16xf32>,
    %broadcast_in_dim3A_5 = arith.constant 0.000000e+00 : f32
    %broadcast_in_dim3A_6 = vector.broadcast %broadcast_in_dim3A_5 : f32 to vector<16xf32>
    %swap3A_7 = arith.constant 16 : index
    %swap3A_8 = tpu.vector_load %arg6[%swap3A_7] {strides = array<i32>} : memref<640xf32, #tpu.memory_space<vmem>>, vector<16xf32>,
    %swap3A_9 = vector.shape_cast %swap3A_8 : vector<16xf32> to vector<16xf32>
    %swap3A_10 = vector.shape_cast %broadcast_in_dim3A_6 : vector<16xf32> to vector<16xf32>
    tpu.vector_store %arg6[%swap3A_7], %swap3A_10 {strides = array<i32>} : memref<640xf32, #tpu.memory_space<vmem>>, vector<16xf32>,
    %broadcast_in_dim3A_11 = arith.constant 0.000000e+00 : f32
    %broadcast_in_dim3A_12 = vector.broadcast %broadcast_in_dim3A_11 : f32 to vector<16xf32>
    %swap3A_13 = arith.constant 32 : index
    %swap3A_14 = tpu.vector_load %arg6[%swap3A_13] {strides = array<i32>} : memref<640xf32, #tpu.memory_space<vmem>>, vector<16xf32>,
    %swap3A_15 = vector.shape_cast %swap3A_14 : vector<16xf32> to vector<16xf32>
    %swap3A_16 = vector.shape_cast %broadcast_in_dim3A_12 : vector<16xf32> to vector<16xf32>
    tpu.vector_store %arg6[%swap3A_13], %swap3A_16 {strides = array<i32>} : memref<640xf32, #tpu.memory_space<vmem>>, vector<16xf32>,
    %broadcast_in_dim3A_17 = arith.constant 0.000000e+00 : f32
    %broadcast_in_dim3A_18 = vector.broadcast %broadcast_in_dim3A_17 : f32 to vector<16xf32>
    %swap3A_19 = arith.constant 48 : index
    %swap3A_20 = tpu.vector_load %arg6[%swap3A_19] {strides = array<i32>} : memref<640xf32, #tpu.memory_space<vmem>>, vector<16xf32>,
    %swap3A_21 = vector.shape_cast %swap3A_20 : vector<16xf32> to vector<16xf32>
    %swap3A_22 = vector.shape_cast %broadcast_in_dim3A_18 : vector<16xf32> to vector<16xf32>
    tpu.vector_store %arg6[%swap3A_19], %swap3A_22 {strides = array<i32>} : memref<640xf32, #tpu.memory_space<vmem>>, vector<16xf32>,
    %broadcast_in_dim3A_23 = arith.constant 0.000000e+00 : f32
    %broadcast_in_dim3A_24 = vector.broadcast %broadcast_in_dim3A_23 : f32 to vector<16xf32>
    %swap3A_25 = arith.constant 64 : index
    %swap3A_26 = tpu.vector_load %arg6[%swap3A_25] {strides = array<i32>} : memref<640xf32, #tpu.memory_space<vmem>>, vector<16xf32>,
    %swap3A_27 = vector.shape_cast %swap3A_26 : vector<16xf32> to vector<16xf32>
    %swap3A_28 = vector.shape_cast %broadcast_in_dim3A_24 : vector<16xf32> to vector<16xf32>
    tpu.vector_store %arg6[%swap3A_25], %swap3A_28 {strides = array<i32>} : memref<640xf32, #tpu.memory_space<vmem>>, vector<16xf32>,
    %broadcast_in_dim3A_29 = arith.constant 0.000000e+00 : f32
    %broadcast_in_dim3A_30 = vector.broadcast %broadcast_in_dim3A_29 : f32 to vector<16xf32>
    %swap3A_31 = arith.constant 80 : index
    %swap3A_32 = tpu.vector_load %arg6[%swap3A_31] {strides = array<i32>} : memref<640xf32, #tpu.memory_space<vmem>>, vector<16xf32>,
    %swap3A_33 = vector.shape_cast %swap3A_32 : vector<16xf32> to vector<16xf32>
    %swap3A_34 = vector.shape_cast %broadcast_in_dim3A_30 : vector<16xf32> to vector<16xf32>
    tpu.vector_store %arg6[%swap3A_31], %swap3A_34 {strides = array<i32>} : memref<640xf32, #tpu.memory_space<vmem>>, vector<16xf32>,
    %broadcast_in_dim3A_35 = arith.constant 0.000000e+00 : f32
    %broadcast_in_dim3A_36 = vector.broadcast %broadcast_in_dim3A_35 : f32 to vector<16xf32>
    %swap3A_37 = arith.constant 96 : index
    %swap3A_38 = tpu.vector_load %arg6[%swap3A_37] {strides = array<i32>} : memref<640xf32, #tpu.memory_space<vmem>>, vector<16xf32>,
    %swap3A_39 = vector.shape_cast %swap3A_38 : vector<16xf32> to vector<16xf32>
    %swap3A_40 = vector.shape_cast %broadcast_in_dim3A_36 : vector<16xf32> to vector<16xf32>
    tpu.vector_store %arg6[%swap3A_37], %swap3A_40 {strides = array<i32>} : memref<640xf32, #tpu.memory_space<vmem>>, vector<16xf32>,
    %broadcast_in_dim3A_41 = arith.constant 0.000000e+00 : f32
    %broadcast_in_dim3A_42 = vector.broadcast %broadcast_in_dim3A_41 : f32 to vector<16xf32>
    %swap3A_43 = arith.constant 112 : index
    %swap3A_44 = tpu.vector_load %arg6[%swap3A_43] {strides = array<i32>} : memref<640xf32, #tpu.memory_space<vmem>>, vector<16xf32>,
    %swap3A_45 = vector.shape_cast %swap3A_44 : vector<16xf32> to vector<16xf32>
    %swap3A_46 = vector.shape_cast %broadcast_in_dim3A_42 : vector<16xf32> to vector<16xf32>
    tpu.vector_store %arg6[%swap3A_43], %swap3A_46 {strides = array<i32>} : memref<640xf32, #tpu.memory_space<vmem>>, vector<16xf32>,
    %broadcast_in_dim3A_47 = arith.constant 0.000000e+00 : f32
    %broadcast_in_dim3A_48 = vector.broadcast %broadcast_in_dim3A_47 : f32 to vector<16xf32>
    %swap3A_49 = arith.constant 128 : index
    %swap3A_50 = tpu.vector_load %arg6[%swap3A_49] {strides = array<i32>} : memref<640xf32, #tpu.memory_space<vmem>>, vector<16xf32>,
    %swap3A_51 = vector.shape_cast %swap3A_50 : vector<16xf32> to vector<16xf32>
    %swap3A_52 = vector.shape_cast %broadcast_in_dim3A_48 : vector<16xf32> to vector<16xf32>
    tpu.vector_store %arg6[%swap3A_49], %swap3A_52 {strides = array<i32>} : memref<640xf32, #tpu.memory_space<vmem>>, vector<16xf32>,
    %broadcast_in_dim3A_53 = arith.constant 0.000000e+00 : f32
    %broadcast_in_dim3A_54 = vector.broadcast %broadcast_in_dim3A_53 : f32 to vector<16xf32>
    %swap3A_55 = arith.constant 144 : index
    %swap3A_56 = tpu.vector_load %arg6[%swap3A_55] {strides = array<i32>} : memref<640xf32, #tpu.memory_space<vmem>>, vector<16xf32>,
    %swap3A_57 = vector.shape_cast %swap3A_56 : vector<16xf32> to vector<16xf32>
    %swap3A_58 = vector.shape_cast %broadcast_in_dim3A_54 : vector<16xf32> to vector<16xf32>
    tpu.vector_store %arg6[%swap3A_55], %swap3A_58 {strides = array<i32>} : memref<640xf32, #tpu.memory_space<vmem>>, vector<16xf32>,
    %broadcast_in_dim3A_59 = arith.constant 0.000000e+00 : f32
    %broadcast_in_dim3A_60 = vector.broadcast %broadcast_in_dim3A_59 : f32 to vector<16xf32>
    %swap3A_61 = arith.constant 160 : index
    %swap3A_62 = tpu.vector_load %arg6[%swap3A_61] {strides = array<i32>} : memref<640xf32, #tpu.memory_space<vmem>>, vector<16xf32>,
    %swap3A_63 = vector.shape_cast %swap3A_62 : vector<16xf32> to vector<16xf32>
    %swap3A_64 = vector.shape_cast %broadcast_in_dim3A_60 : vector<16xf32> to vector<16xf32>
    tpu.vector_store %arg6[%swap3A_61], %swap3A_64 {strides = array<i32>} : memref<640xf32, #tpu.memory_space<vmem>>, vector<16xf32>,
    %broadcast_in_dim3A_65 = arith.constant 0.000000e+00 : f32
    %broadcast_in_dim3A_66 = vector.broadcast %broadcast_in_dim3A_65 : f32 to vector<16xf32>
    %swap3A_67 = arith.constant 176 : index
    %swap3A_68 = tpu.vector_load %arg6[%swap3A_67] {strides = array<i32>} : memref<640xf32, #tpu.memory_space<vmem>>, vector<16xf32>,
    %swap3A_69 = vector.shape_cast %swap3A_68 : vector<16xf32> to vector<16xf32>
    %swap3A_70 = vector.shape_cast %broadcast_in_dim3A_66 : vector<16xf32> to vector<16xf32>
    tpu.vector_store %arg6[%swap3A_67], %swap3A_70 {strides = array<i32>} : memref<640xf32, #tpu.memory_space<vmem>>, vector<16xf32>,
    %broadcast_in_dim3A_71 = arith.constant 0.000000e+00 : f32
    %broadcast_in_dim3A_72 = vector.broadcast %broadcast_in_dim3A_71 : f32 to vector<16xf32>
    %swap3A_73 = arith.constant 192 : index
    %swap3A_74 = tpu.vector_load %arg6[%swap3A_73] {strides = array<i32>} : memref<640xf32, #tpu.memory_space<vmem>>, vector<16xf32>,
    %swap3A_75 = vector.shape_cast %swap3A_74 : vector<16xf32> to vector<16xf32>
    %swap3A_76 = vector.shape_cast %broadcast_in_dim3A_72 : vector<16xf32> to vector<16xf32>
    tpu.vector_store %arg6[%swap3A_73], %swap3A_76 {strides = array<i32>} : memref<640xf32, #tpu.memory_space<vmem>>, vector<16xf32>,
    %broadcast_in_dim3A_77 = arith.constant 0.000000e+00 : f32
    %broadcast_in_dim3A_78 = vector.broadcast %broadcast_in_dim3A_77 : f32 to vector<16xf32>
    %swap3A_79 = arith.constant 208 : index
    %swap3A_80 = tpu.vector_load %arg6[%swap3A_79] {strides = array<i32>} : memref<640xf32, #tpu.memory_space<vmem>>, vector<16xf32>,
    %swap3A_81 = vector.shape_cast %swap3A_80 : vector<16xf32> to vector<16xf32>
    %swap3A_82 = vector.shape_cast %broadcast_in_dim3A_78 : vector<16xf32> to vector<16xf32>
    tpu.vector_store %arg6[%swap3A_79], %swap3A_82 {strides = array<i32>} : memref<640xf32, #tpu.memory_space<vmem>>, vector<16xf32>,
    %broadcast_in_dim3A_83 = arith.constant 0.000000e+00 : f32
    %broadcast_in_dim3A_84 = vector.broadcast %broadcast_in_dim3A_83 : f32 to vector<16xf32>
    %swap3A_85 = arith.constant 224 : index
    %swap3A_86 = tpu.vector_load %arg6[%swap3A_85] {strides = array<i32>} : memref<640xf32, #tpu.memory_space<vmem>>, vector<16xf32>,
    %swap3A_87 = vector.shape_cast %swap3A_86 : vector<16xf32> to vector<16xf32>
    %swap3A_88 = vector.shape_cast %broadcast_in_dim3A_84 : vector<16xf32> to vector<16xf32>
    tpu.vector_store %arg6[%swap3A_85], %swap3A_88 {strides = array<i32>} : memref<640xf32, #tpu.memory_space<vmem>>, vector<16xf32>,
    %broadcast_in_dim3A_89 = arith.constant 0.000000e+00 : f32
    %broadcast_in_dim3A_90 = vector.broadcast %broadcast_in_dim3A_89 : f32 to vector<16xf32>
    %swap3A_91 = arith.constant 240 : index
    %swap3A_92 = tpu.vector_load %arg6[%swap3A_91] {strides = array<i32>} : memref<640xf32, #tpu.memory_space<vmem>>, vector<16xf32>,
    %swap3A_93 = vector.shape_cast %swap3A_92 : vector<16xf32> to vector<16xf32>
    %swap3A_94 = vector.shape_cast %broadcast_in_dim3A_90 : vector<16xf32> to vector<16xf32>
    tpu.vector_store %arg6[%swap3A_91], %swap3A_94 {strides = array<i32>} : memref<640xf32, #tpu.memory_space<vmem>>, vector<16xf32>,
    %broadcast_in_dim3A_95 = arith.constant 0.000000e+00 : f32
    %broadcast_in_dim3A_96 = vector.broadcast %broadcast_in_dim3A_95 : f32 to vector<16xf32>
    %swap3A_97 = arith.constant 256 : index
    %swap3A_98 = tpu.vector_load %arg6[%swap3A_97] {strides = array<i32>} : memref<640xf32, #tpu.memory_space<vmem>>, vector<16xf32>,
    %swap3A_99 = vector.shape_cast %swap3A_98 : vector<16xf32> to vector<16xf32>
    %swap3A_100 = vector.shape_cast %broadcast_in_dim3A_96 : vector<16xf32> to vector<16xf32>
    tpu.vector_store %arg6[%swap3A_97], %swap3A_100 {strides = array<i32>} : memref<640xf32, #tpu.memory_space<vmem>>, vector<16xf32>,
    %broadcast_in_dim3A_101 = arith.constant 0.000000e+00 : f32
    %broadcast_in_dim3A_102 = vector.broadcast %broadcast_in_dim3A_101 : f32 to vector<16xf32>
    %swap3A_103 = arith.constant 272 : index
    %swap3A_104 = tpu.vector_load %arg6[%swap3A_103] {strides = array<i32>} : memref<640xf32, #tpu.memory_space<vmem>>, vector<16xf32>,
    %swap3A_105 = vector.shape_cast %swap3A_104 : vector<16xf32> to vector<16xf32>
    %swap3A_106 = vector.shape_cast %broadcast_in_dim3A_102 : vector<16xf32> to vector<16xf32>
    tpu.vector_store %arg6[%swap3A_103], %swap3A_106 {strides = array<i32>} : memref<640xf32, #tpu.memory_space<vmem>>, vector<16xf32>,
    %broadcast_in_dim3A_107 = arith.constant 0.000000e+00 : f32
    %broadcast_in_dim3A_108 = vector.broadcast %broadcast_in_dim3A_107 : f32 to vector<16xf32>
    %swap3A_109 = arith.constant 288 : index
    %swap3A_110 = tpu.vector_load %arg6[%swap3A_109] {strides = array<i32>} : memref<640xf32, #tpu.memory_space<vmem>>, vector<16xf32>,
    %swap3A_111 = vector.shape_cast %swap3A_110 : vector<16xf32> to vector<16xf32>
    %swap3A_112 = vector.shape_cast %broadcast_in_dim3A_108 : vector<16xf32> to vector<16xf32>
    tpu.vector_store %arg6[%swap3A_109], %swap3A_112 {strides = array<i32>} : memref<640xf32, #tpu.memory_space<vmem>>, vector<16xf32>,
    %broadcast_in_dim3A_113 = arith.constant 0.000000e+00 : f32
    %broadcast_in_dim3A_114 = vector.broadcast %broadcast_in_dim3A_113 : f32 to vector<16xf32>
    %swap3A_115 = arith.constant 304 : index
    %swap3A_116 = tpu.vector_load %arg6[%swap3A_115] {strides = array<i32>} : memref<640xf32, #tpu.memory_space<vmem>>, vector<16xf32>,
    %swap3A_117 = vector.shape_cast %swap3A_116 : vector<16xf32> to vector<16xf32>
    %swap3A_118 = vector.shape_cast %broadcast_in_dim3A_114 : vector<16xf32> to vector<16xf32>
    tpu.vector_store %arg6[%swap3A_115], %swap3A_118 {strides = array<i32>} : memref<640xf32, #tpu.memory_space<vmem>>, vector<16xf32>,
    %broadcast_in_dim3A_119 = arith.constant 0.000000e+00 : f32
    %broadcast_in_dim3A_120 = vector.broadcast %broadcast_in_dim3A_119 : f32 to vector<16xf32>
    %swap3A_121 = arith.constant 320 : index
    %swap3A_122 = tpu.vector_load %arg6[%swap3A_121] {strides = array<i32>} : memref<640xf32, #tpu.memory_space<vmem>>, vector<16xf32>,
    %swap3A_123 = vector.shape_cast %swap3A_122 : vector<16xf32> to vector<16xf32>
    %swap3A_124 = vector.shape_cast %broadcast_in_dim3A_120 : vector<16xf32> to vector<16xf32>
    tpu.vector_store %arg6[%swap3A_121], %swap3A_124 {strides = array<i32>} : memref<640xf32, #tpu.memory_space<vmem>>, vector<16xf32>,
    %broadcast_in_dim3A_125 = arith.constant 0.000000e+00 : f32
    %broadcast_in_dim3A_126 = vector.broadcast %broadcast_in_dim3A_125 : f32 to vector<16xf32>
    %swap3A_127 = arith.constant 336 : index
    %swap3A_128 = tpu.vector_load %arg6[%swap3A_127] {strides = array<i32>} : memref<640xf32, #tpu.memory_space<vmem>>, vector<16xf32>,
    %swap3A_129 = vector.shape_cast %swap3A_128 : vector<16xf32> to vector<16xf32>
    %swap3A_130 = vector.shape_cast %broadcast_in_dim3A_126 : vector<16xf32> to vector<16xf32>
    tpu.vector_store %arg6[%swap3A_127], %swap3A_130 {strides = array<i32>} : memref<640xf32, #tpu.memory_space<vmem>>, vector<16xf32>,
    %broadcast_in_dim3A_131 = arith.constant 0.000000e+00 : f32
    %broadcast_in_dim3A_132 = vector.broadcast %broadcast_in_dim3A_131 : f32 to vector<16xf32>
    %swap3A_133 = arith.constant 352 : index
    %swap3A_134 = tpu.vector_load %arg6[%swap3A_133] {strides = array<i32>} : memref<640xf32, #tpu.memory_space<vmem>>, vector<16xf32>,
    %swap3A_135 = vector.shape_cast %swap3A_134 : vector<16xf32> to vector<16xf32>
    %swap3A_136 = vector.shape_cast %broadcast_in_dim3A_132 : vector<16xf32> to vector<16xf32>
    tpu.vector_store %arg6[%swap3A_133], %swap3A_136 {strides = array<i32>} : memref<640xf32, #tpu.memory_space<vmem>>, vector<16xf32>,
    %broadcast_in_dim3A_137 = arith.constant 0.000000e+00 : f32
    %broadcast_in_dim3A_138 = vector.broadcast %broadcast_in_dim3A_137 : f32 to vector<16xf32>
    %swap3A_139 = arith.constant 368 : index
    %swap3A_140 = tpu.vector_load %arg6[%swap3A_139] {strides = array<i32>} : memref<640xf32, #tpu.memory_space<vmem>>, vector<16xf32>,
    %swap3A_141 = vector.shape_cast %swap3A_140 : vector<16xf32> to vector<16xf32>
    %swap3A_142 = vector.shape_cast %broadcast_in_dim3A_138 : vector<16xf32> to vector<16xf32>
    tpu.vector_store %arg6[%swap3A_139], %swap3A_142 {strides = array<i32>} : memref<640xf32, #tpu.memory_space<vmem>>, vector<16xf32>,
    %broadcast_in_dim3A_143 = arith.constant 0.000000e+00 : f32
    %broadcast_in_dim3A_144 = vector.broadcast %broadcast_in_dim3A_143 : f32 to vector<16xf32>
    %swap3A_145 = arith.constant 384 : index
    %swap3A_146 = tpu.vector_load %arg6[%swap3A_145] {strides = array<i32>} : memref<640xf32, #tpu.memory_space<vmem>>, vector<16xf32>,
    %swap3A_147 = vector.shape_cast %swap3A_146 : vector<16xf32> to vector<16xf32>
    %swap3A_148 = vector.shape_cast %broadcast_in_dim3A_144 : vector<16xf32> to vector<16xf32>
    tpu.vector_store %arg6[%swap3A_145], %swap3A_148 {strides = array<i32>} : memref<640xf32, #tpu.memory_space<vmem>>, vector<16xf32>,
    %broadcast_in_dim3A_149 = arith.constant 0.000000e+00 : f32
    %broadcast_in_dim3A_150 = vector.broadcast %broadcast_in_dim3A_149 : f32 to vector<16xf32>
    %swap3A_151 = arith.constant 400 : index
    %swap3A_152 = tpu.vector_load %arg6[%swap3A_151] {strides = array<i32>} : memref<640xf32, #tpu.memory_space<vmem>>, vector<16xf32>,
    %swap3A_153 = vector.shape_cast %swap3A_152 : vector<16xf32> to vector<16xf32>
    %swap3A_154 = vector.shape_cast %broadcast_in_dim3A_150 : vector<16xf32> to vector<16xf32>
    tpu.vector_store %arg6[%swap3A_151], %swap3A_154 {strides = array<i32>} : memref<640xf32, #tpu.memory_space<vmem>>, vector<16xf32>,
    %broadcast_in_dim3A_155 = arith.constant 0.000000e+00 : f32
    %broadcast_in_dim3A_156 = vector.broadcast %broadcast_in_dim3A_155 : f32 to vector<16xf32>
    %swap3A_157 = arith.constant 416 : index
    %swap3A_158 = tpu.vector_load %arg6[%swap3A_157] {strides = array<i32>} : memref<640xf32, #tpu.memory_space<vmem>>, vector<16xf32>,
    %swap3A_159 = vector.shape_cast %swap3A_158 : vector<16xf32> to vector<16xf32>
    %swap3A_160 = vector.shape_cast %broadcast_in_dim3A_156 : vector<16xf32> to vector<16xf32>
    tpu.vector_store %arg6[%swap3A_157], %swap3A_160 {strides = array<i32>} : memref<640xf32, #tpu.memory_space<vmem>>, vector<16xf32>,
    %broadcast_in_dim3A_161 = arith.constant 0.000000e+00 : f32
    %broadcast_in_dim3A_162 = vector.broadcast %broadcast_in_dim3A_161 : f32 to vector<16xf32>
    %swap3A_163 = arith.constant 432 : index
    %swap3A_164 = tpu.vector_load %arg6[%swap3A_163] {strides = array<i32>} : memref<640xf32, #tpu.memory_space<vmem>>, vector<16xf32>,
    %swap3A_165 = vector.shape_cast %swap3A_164 : vector<16xf32> to vector<16xf32>
    %swap3A_166 = vector.shape_cast %broadcast_in_dim3A_162 : vector<16xf32> to vector<16xf32>
    tpu.vector_store %arg6[%swap3A_163], %swap3A_166 {strides = array<i32>} : memref<640xf32, #tpu.memory_space<vmem>>, vector<16xf32>,
    %broadcast_in_dim3A_167 = arith.constant 0.000000e+00 : f32
    %broadcast_in_dim3A_168 = vector.broadcast %broadcast_in_dim3A_167 : f32 to vector<16xf32>
    %swap3A_169 = arith.constant 448 : index
    %swap3A_170 = tpu.vector_load %arg6[%swap3A_169] {strides = array<i32>} : memref<640xf32, #tpu.memory_space<vmem>>, vector<16xf32>,
    %swap3A_171 = vector.shape_cast %swap3A_170 : vector<16xf32> to vector<16xf32>
    %swap3A_172 = vector.shape_cast %broadcast_in_dim3A_168 : vector<16xf32> to vector<16xf32>
    tpu.vector_store %arg6[%swap3A_169], %swap3A_172 {strides = array<i32>} : memref<640xf32, #tpu.memory_space<vmem>>, vector<16xf32>,
    %broadcast_in_dim3A_173 = arith.constant 0.000000e+00 : f32
    %broadcast_in_dim3A_174 = vector.broadcast %broadcast_in_dim3A_173 : f32 to vector<16xf32>
    %swap3A_175 = arith.constant 464 : index
    %swap3A_176 = tpu.vector_load %arg6[%swap3A_175] {strides = array<i32>} : memref<640xf32, #tpu.memory_space<vmem>>, vector<16xf32>,
    %swap3A_177 = vector.shape_cast %swap3A_176 : vector<16xf32> to vector<16xf32>
    %swap3A_178 = vector.shape_cast %broadcast_in_dim3A_174 : vector<16xf32> to vector<16xf32>
    tpu.vector_store %arg6[%swap3A_175], %swap3A_178 {strides = array<i32>} : memref<640xf32, #tpu.memory_space<vmem>>, vector<16xf32>,
    %broadcast_in_dim3A_179 = arith.constant 0.000000e+00 : f32
    %broadcast_in_dim3A_180 = vector.broadcast %broadcast_in_dim3A_179 : f32 to vector<16xf32>
    %swap3A_181 = arith.constant 480 : index
    %swap3A_182 = tpu.vector_load %arg6[%swap3A_181] {strides = array<i32>} : memref<640xf32, #tpu.memory_space<vmem>>, vector<16xf32>,
    %swap3A_183 = vector.shape_cast %swap3A_182 : vector<16xf32> to vector<16xf32>
    %swap3A_184 = vector.shape_cast %broadcast_in_dim3A_180 : vector<16xf32> to vector<16xf32>
    tpu.vector_store %arg6[%swap3A_181], %swap3A_184 {strides = array<i32>} : memref<640xf32, #tpu.memory_space<vmem>>, vector<16xf32>,
    %broadcast_in_dim3A_185 = arith.constant 0.000000e+00 : f32
    %broadcast_in_dim3A_186 = vector.broadcast %broadcast_in_dim3A_185 : f32 to vector<16xf32>
    %swap3A_187 = arith.constant 496 : index
    %swap3A_188 = tpu.vector_load %arg6[%swap3A_187] {strides = array<i32>} : memref<640xf32, #tpu.memory_space<vmem>>, vector<16xf32>,
    %swap3A_189 = vector.shape_cast %swap3A_188 : vector<16xf32> to vector<16xf32>
    %swap3A_190 = vector.shape_cast %broadcast_in_dim3A_186 : vector<16xf32> to vector<16xf32>
    tpu.vector_store %arg6[%swap3A_187], %swap3A_190 {strides = array<i32>} : memref<640xf32, #tpu.memory_space<vmem>>, vector<16xf32>,
    %broadcast_in_dim3A_191 = arith.constant 0.000000e+00 : f32
    %broadcast_in_dim3A_192 = vector.broadcast %broadcast_in_dim3A_191 : f32 to vector<16xf32>
    %swap3A_193 = arith.constant 512 : index
    %swap3A_194 = tpu.vector_load %arg6[%swap3A_193] {strides = array<i32>} : memref<640xf32, #tpu.memory_space<vmem>>, vector<16xf32>,
    %swap3A_195 = vector.shape_cast %swap3A_194 : vector<16xf32> to vector<16xf32>
    %swap3A_196 = vector.shape_cast %broadcast_in_dim3A_192 : vector<16xf32> to vector<16xf32>
    tpu.vector_store %arg6[%swap3A_193], %swap3A_196 {strides = array<i32>} : memref<640xf32, #tpu.memory_space<vmem>>, vector<16xf32>,
    %broadcast_in_dim3A_197 = arith.constant 0.000000e+00 : f32
    %broadcast_in_dim3A_198 = vector.broadcast %broadcast_in_dim3A_197 : f32 to vector<16xf32>
    %swap3A_199 = arith.constant 528 : index
    %swap3A_200 = tpu.vector_load %arg6[%swap3A_199] {strides = array<i32>} : memref<640xf32, #tpu.memory_space<vmem>>, vector<16xf32>,
    %swap3A_201 = vector.shape_cast %swap3A_200 : vector<16xf32> to vector<16xf32>
    %swap3A_202 = vector.shape_cast %broadcast_in_dim3A_198 : vector<16xf32> to vector<16xf32>
    tpu.vector_store %arg6[%swap3A_199], %swap3A_202 {strides = array<i32>} : memref<640xf32, #tpu.memory_space<vmem>>, vector<16xf32>,
    %broadcast_in_dim3A_203 = arith.constant 0.000000e+00 : f32
    %broadcast_in_dim3A_204 = vector.broadcast %broadcast_in_dim3A_203 : f32 to vector<16xf32>
    %swap3A_205 = arith.constant 544 : index
    %swap3A_206 = tpu.vector_load %arg6[%swap3A_205] {strides = array<i32>} : memref<640xf32, #tpu.memory_space<vmem>>, vector<16xf32>,
    %swap3A_207 = vector.shape_cast %swap3A_206 : vector<16xf32> to vector<16xf32>
    %swap3A_208 = vector.shape_cast %broadcast_in_dim3A_204 : vector<16xf32> to vector<16xf32>
    tpu.vector_store %arg6[%swap3A_205], %swap3A_208 {strides = array<i32>} : memref<640xf32, #tpu.memory_space<vmem>>, vector<16xf32>,
    %broadcast_in_dim3A_209 = arith.constant 0.000000e+00 : f32
    %broadcast_in_dim3A_210 = vector.broadcast %broadcast_in_dim3A_209 : f32 to vector<16xf32>
    %swap3A_211 = arith.constant 560 : index
    %swap3A_212 = tpu.vector_load %arg6[%swap3A_211] {strides = array<i32>} : memref<640xf32, #tpu.memory_space<vmem>>, vector<16xf32>,
    %swap3A_213 = vector.shape_cast %swap3A_212 : vector<16xf32> to vector<16xf32>
    %swap3A_214 = vector.shape_cast %broadcast_in_dim3A_210 : vector<16xf32> to vector<16xf32>
    tpu.vector_store %arg6[%swap3A_211], %swap3A_214 {strides = array<i32>} : memref<640xf32, #tpu.memory_space<vmem>>, vector<16xf32>,
    %broadcast_in_dim3A_215 = arith.constant 0.000000e+00 : f32
    %broadcast_in_dim3A_216 = vector.broadcast %broadcast_in_dim3A_215 : f32 to vector<16xf32>
    %swap3A_217 = arith.constant 576 : index
    %swap3A_218 = tpu.vector_load %arg6[%swap3A_217] {strides = array<i32>} : memref<640xf32, #tpu.memory_space<vmem>>, vector<16xf32>,
    %swap3A_219 = vector.shape_cast %swap3A_218 : vector<16xf32> to vector<16xf32>
    %swap3A_220 = vector.shape_cast %broadcast_in_dim3A_216 : vector<16xf32> to vector<16xf32>
    tpu.vector_store %arg6[%swap3A_217], %swap3A_220 {strides = array<i32>} : memref<640xf32, #tpu.memory_space<vmem>>, vector<16xf32>,
    %broadcast_in_dim3A_221 = arith.constant 0.000000e+00 : f32
    %broadcast_in_dim3A_222 = vector.broadcast %broadcast_in_dim3A_221 : f32 to vector<16xf32>
    %swap3A_223 = arith.constant 592 : index
    %swap3A_224 = tpu.vector_load %arg6[%swap3A_223] {strides = array<i32>} : memref<640xf32, #tpu.memory_space<vmem>>, vector<16xf32>,
    %swap3A_225 = vector.shape_cast %swap3A_224 : vector<16xf32> to vector<16xf32>
    %swap3A_226 = vector.shape_cast %broadcast_in_dim3A_222 : vector<16xf32> to vector<16xf32>
    tpu.vector_store %arg6[%swap3A_223], %swap3A_226 {strides = array<i32>} : memref<640xf32, #tpu.memory_space<vmem>>, vector<16xf32>,
    %broadcast_in_dim3A_227 = arith.constant 0.000000e+00 : f32
    %broadcast_in_dim3A_228 = vector.broadcast %broadcast_in_dim3A_227 : f32 to vector<16xf32>
    %swap3A_229 = arith.constant 608 : index
    %swap3A_230 = tpu.vector_load %arg6[%swap3A_229] {strides = array<i32>} : memref<640xf32, #tpu.memory_space<vmem>>, vector<16xf32>,
    %swap3A_231 = vector.shape_cast %swap3A_230 : vector<16xf32> to vector<16xf32>
    %swap3A_232 = vector.shape_cast %broadcast_in_dim3A_228 : vector<16xf32> to vector<16xf32>
    tpu.vector_store %arg6[%swap3A_229], %swap3A_232 {strides = array<i32>} : memref<640xf32, #tpu.memory_space<vmem>>, vector<16xf32>,
    %broadcast_in_dim3A_233 = arith.constant 0.000000e+00 : f32
    %broadcast_in_dim3A_234 = vector.broadcast %broadcast_in_dim3A_233 : f32 to vector<16xf32>
    %swap3A_235 = arith.constant 624 : index
    %swap3A_236 = tpu.vector_load %arg6[%swap3A_235] {strides = array<i32>} : memref<640xf32, #tpu.memory_space<vmem>>, vector<16xf32>,
    %swap3A_237 = vector.shape_cast %swap3A_236 : vector<16xf32> to vector<16xf32>
    %swap3A_238 = vector.shape_cast %broadcast_in_dim3A_234 : vector<16xf32> to vector<16xf32>
    tpu.vector_store %arg6[%swap3A_235], %swap3A_238 {strides = array<i32>} : memref<640xf32, #tpu.memory_space<vmem>>, vector<16xf32>,
    %broadcast_in_dim3A_239 = arith.constant 1.000000e+00 : f32
    %broadcast_in_dim3A_240 = vector.broadcast %broadcast_in_dim3A_239 : f32 to vector<16xf32>
    %swap3A_241 = arith.constant 0 : index
    %swap3A_242 = tpu.vector_load %arg5[%swap3A_241] {strides = array<i32>} : memref<128xf32, #tpu.memory_space<vmem>>, vector<16xf32>,
    %swap3A_243 = vector.shape_cast %swap3A_242 : vector<16xf32> to vector<16xf32>
    %swap3A_244 = vector.shape_cast %broadcast_in_dim3A_240 : vector<16xf32> to vector<16xf32>
    tpu.vector_store %arg5[%swap3A_241], %swap3A_244 {strides = array<i32>} : memref<128xf32, #tpu.memory_space<vmem>>, vector<16xf32>,
    %broadcast_in_dim3A_245 = arith.constant 1.000000e+00 : f32
    %broadcast_in_dim3A_246 = vector.broadcast %broadcast_in_dim3A_245 : f32 to vector<16xf32>
    %swap3A_247 = arith.constant 16 : index
    %swap3A_248 = tpu.vector_load %arg5[%swap3A_247] {strides = array<i32>} : memref<128xf32, #tpu.memory_space<vmem>>, vector<16xf32>,
    %swap3A_249 = vector.shape_cast %swap3A_248 : vector<16xf32> to vector<16xf32>
    %swap3A_250 = vector.shape_cast %broadcast_in_dim3A_246 : vector<16xf32> to vector<16xf32>
    tpu.vector_store %arg5[%swap3A_247], %swap3A_250 {strides = array<i32>} : memref<128xf32, #tpu.memory_space<vmem>>, vector<16xf32>,
    %broadcast_in_dim3A_251 = arith.constant 1.000000e+00 : f32
    %broadcast_in_dim3A_252 = vector.broadcast %broadcast_in_dim3A_251 : f32 to vector<16xf32>
    %swap3A_253 = arith.constant 32 : index
    %swap3A_254 = tpu.vector_load %arg5[%swap3A_253] {strides = array<i32>} : memref<128xf32, #tpu.memory_space<vmem>>, vector<16xf32>,
    %swap3A_255 = vector.shape_cast %swap3A_254 : vector<16xf32> to vector<16xf32>
    %swap3A_256 = vector.shape_cast %broadcast_in_dim3A_252 : vector<16xf32> to vector<16xf32>
    tpu.vector_store %arg5[%swap3A_253], %swap3A_256 {strides = array<i32>} : memref<128xf32, #tpu.memory_space<vmem>>, vector<16xf32>,
    %broadcast_in_dim3A_257 = arith.constant 1.000000e+00 : f32
    %broadcast_in_dim3A_258 = vector.broadcast %broadcast_in_dim3A_257 : f32 to vector<16xf32>
    %swap3A_259 = arith.constant 48 : index
    %swap3A_260 = tpu.vector_load %arg5[%swap3A_259] {strides = array<i32>} : memref<128xf32, #tpu.memory_space<vmem>>, vector<16xf32>,
    %swap3A_261 = vector.shape_cast %swap3A_260 : vector<16xf32> to vector<16xf32>
    %swap3A_262 = vector.shape_cast %broadcast_in_dim3A_258 : vector<16xf32> to vector<16xf32>
    tpu.vector_store %arg5[%swap3A_259], %swap3A_262 {strides = array<i32>} : memref<128xf32, #tpu.memory_space<vmem>>, vector<16xf32>,
    %broadcast_in_dim3A_263 = arith.constant 1.000000e+00 : f32
    %broadcast_in_dim3A_264 = vector.broadcast %broadcast_in_dim3A_263 : f32 to vector<16xf32>
    %swap3A_265 = arith.constant 64 : index
    %swap3A_266 = tpu.vector_load %arg5[%swap3A_265] {strides = array<i32>} : memref<128xf32, #tpu.memory_space<vmem>>, vector<16xf32>,
    %swap3A_267 = vector.shape_cast %swap3A_266 : vector<16xf32> to vector<16xf32>
    %swap3A_268 = vector.shape_cast %broadcast_in_dim3A_264 : vector<16xf32> to vector<16xf32>
    tpu.vector_store %arg5[%swap3A_265], %swap3A_268 {strides = array<i32>} : memref<128xf32, #tpu.memory_space<vmem>>, vector<16xf32>,
    %broadcast_in_dim3A_269 = arith.constant 1.000000e+00 : f32
    %broadcast_in_dim3A_270 = vector.broadcast %broadcast_in_dim3A_269 : f32 to vector<16xf32>
    %swap3A_271 = arith.constant 80 : index
    %swap3A_272 = tpu.vector_load %arg5[%swap3A_271] {strides = array<i32>} : memref<128xf32, #tpu.memory_space<vmem>>, vector<16xf32>,
    %swap3A_273 = vector.shape_cast %swap3A_272 : vector<16xf32> to vector<16xf32>
    %swap3A_274 = vector.shape_cast %broadcast_in_dim3A_270 : vector<16xf32> to vector<16xf32>
    tpu.vector_store %arg5[%swap3A_271], %swap3A_274 {strides = array<i32>} : memref<128xf32, #tpu.memory_space<vmem>>, vector<16xf32>,
    %broadcast_in_dim3A_275 = arith.constant 1.000000e+00 : f32
    %broadcast_in_dim3A_276 = vector.broadcast %broadcast_in_dim3A_275 : f32 to vector<16xf32>
    %swap3A_277 = arith.constant 96 : index
    %swap3A_278 = tpu.vector_load %arg5[%swap3A_277] {strides = array<i32>} : memref<128xf32, #tpu.memory_space<vmem>>, vector<16xf32>,
    %swap3A_279 = vector.shape_cast %swap3A_278 : vector<16xf32> to vector<16xf32>
    %swap3A_280 = vector.shape_cast %broadcast_in_dim3A_276 : vector<16xf32> to vector<16xf32>
    tpu.vector_store %arg5[%swap3A_277], %swap3A_280 {strides = array<i32>} : memref<128xf32, #tpu.memory_space<vmem>>, vector<16xf32>,
    %broadcast_in_dim3A_281 = arith.constant 1.000000e+00 : f32
    %broadcast_in_dim3A_282 = vector.broadcast %broadcast_in_dim3A_281 : f32 to vector<16xf32>
    %swap3A_283 = arith.constant 112 : index
    %swap3A_284 = tpu.vector_load %arg5[%swap3A_283] {strides = array<i32>} : memref<128xf32, #tpu.memory_space<vmem>>, vector<16xf32>,
    %swap3A_285 = vector.shape_cast %swap3A_284 : vector<16xf32> to vector<16xf32>
    %swap3A_286 = vector.shape_cast %broadcast_in_dim3A_282 : vector<16xf32> to vector<16xf32>
    tpu.vector_store %arg5[%swap3A_283], %swap3A_286 {strides = array<i32>} : memref<128xf32, #tpu.memory_space<vmem>>, vector<16xf32>,
    "tpu.region"() ({
      %run_scoped3A = tpu.sem_alloc : memref<!tpu.dma_semaphore, #tpu.memory_space<semaphore_mem>>
      %dma_start3A = tpu.memref_slice %arg7[%mul3A_0] : memref<10240xf32, #tpu.memory_space<vmem_shared>> -> memref<640xf32, #tpu.memory_space<vmem_shared>>
      %dma_start3A_300 = tpu.memref_slice %arg7[%mul3A_0] : memref<10240xf32, #tpu.memory_space<vmem_shared>> -> memref<640xf32, #tpu.memory_space<vmem_shared>>
      tpu.enqueue_dma source(%arg6 : memref<640xf32, #tpu.memory_space<vmem>>) target(%dma_start3A_300 : memref<640xf32, #tpu.memory_space<vmem_shared>>) target_semaphore(%run_scoped3A : memref<!tpu.dma_semaphore, #tpu.memory_space<semaphore_mem>>)
      %dma_wait3A = tpu.memref_slice %arg7[%mul3A_0] : memref<10240xf32, #tpu.memory_space<vmem_shared>> -> memref<640xf32, #tpu.memory_space<vmem_shared>>
      %dma_wait3A_301 = tpu.memref_slice %arg7[%mul3A_0] : memref<10240xf32, #tpu.memory_space<vmem_shared>> -> memref<640xf32, #tpu.memory_space<vmem_shared>>
      tpu.wait_dma2 semaphore(%run_scoped3A : memref<!tpu.dma_semaphore, #tpu.memory_space<semaphore_mem>>) src(%arg6 : memref<640xf32, #tpu.memory_space<vmem>>) dst(%dma_wait3A_301 : memref<640xf32, #tpu.memory_space<vmem_shared>>)
      tpu.yield
    }) : () -> ()
    %mul3A_287 = arith.constant 16 : i32
    %mul3A_288 = arith.muli %arg0, %mul3A_287 : i32
    %add3A = arith.addi %mul3A_288, %arg1 : i32
    %mul3A_289 = arith.constant 80 : i32
    %mul3A_290 = arith.muli %add3A, %mul3A_289 : i32
    "tpu.region"() ({
      %run_scoped3A = tpu.sem_alloc : memref<!tpu.dma_semaphore, #tpu.memory_space<semaphore_mem>>
      %dma_start3A = arith.constant 0 : i32
      %dma_start3A_300 = tpu.memref_slice %arg2[%mul3A_290, %dma_start3A] : memref<2560x128xi32, #tpu.memory_space<hbm>> -> memref<80x128xi32, #tpu.memory_space<hbm>>
      %dma_start3A_301 = arith.constant 0 : i32
      %dma_start3A_302 = tpu.memref_slice %arg2[%mul3A_290, %dma_start3A_301] : memref<2560x128xi32, #tpu.memory_space<hbm>> -> memref<80x128xi32, #tpu.memory_space<hbm>>
      tpu.enqueue_dma source(%dma_start3A_302 : memref<80x128xi32, #tpu.memory_space<hbm>>) target(%arg4 : memref<80x128xi32, #tpu.memory_space<vmem>>) target_semaphore(%run_scoped3A : memref<!tpu.dma_semaphore, #tpu.memory_space<semaphore_mem>>)
      %dma_wait3A = arith.constant 0 : i32
      %dma_wait3A_303 = tpu.memref_slice %arg2[%mul3A_290, %dma_wait3A] : memref<2560x128xi32, #tpu.memory_space<hbm>> -> memref<80x128xi32, #tpu.memory_space<hbm>>
      %dma_wait3A_304 = arith.constant 0 : i32
      %dma_wait3A_305 = tpu.memref_slice %arg2[%mul3A_290, %dma_wait3A_304] : memref<2560x128xi32, #tpu.memory_space<hbm>> -> memref<80x128xi32, #tpu.memory_space<hbm>>
      tpu.wait_dma2 semaphore(%run_scoped3A : memref<!tpu.dma_semaphore, #tpu.memory_space<semaphore_mem>>) src(%dma_wait3A_305 : memref<80x128xi32, #tpu.memory_space<hbm>>) dst(%arg4 : memref<80x128xi32, #tpu.memory_space<vmem>>)
      tpu.yield
    }) : () -> ()
    %barrier3A = arith.constant 0 : index
    tpu.barrier barrier_id(%barrier3A)
    %scan3A = arith.constant 0 : i32
    %scan3A_291 = arith.constant 0 : i32
    %scan3A_292 = arith.constant 80 : i32
    %scan3A_293 = arith.addi %scan3A_291, %scan3A_292 : i32
    %scan3A_294 = arith.constant 1 : i32
    scf.for %scan3A_300 = %scan3A_291 to %scan3A_293 step %scan3A_294  : i32 {
      "tpu.region"() ({
        %run_scoped3A = tpu.sem_alloc : memref<!tpu.dma_semaphore, #tpu.memory_space<semaphore_mem>>
        %dma_start3A = arith.constant 0 : i32
        %dma_start3A_301 = tpu.memref_slice %arg4[%scan3A_300, %dma_start3A] : memref<80x128xi32, #tpu.memory_space<vmem>> -> memref<1x128xi32, #tpu.memory_space<vmem>>
        %dma_start3A_302 = tpu.memref_squeeze %dma_start3A_301 : memref<1x128xi32, #tpu.memory_space<vmem>> -> memref<128xi32, #tpu.memory_space<vmem>>
        %dma_start3A_303 = arith.constant 0 : i32
        %dma_start3A_304 = tpu.memref_slice %arg7[%dma_start3A_303] : memref<10240xf32, #tpu.memory_space<vmem_shared>> -> memref<10240xf32, #tpu.memory_space<vmem_shared>>
        tpu.enqueue_indirect_dma source(%arg5 : memref<128xf32, #tpu.memory_space<vmem>>) target(%dma_start3A_304 : memref<10240xf32, #tpu.memory_space<vmem_shared>>) offsets(%dma_start3A_302 : memref<128xi32, #tpu.memory_space<vmem>>) semaphore(%run_scoped3A : memref<!tpu.dma_semaphore, #tpu.memory_space<semaphore_mem>>) {add = true}
        %dma_wait3A = arith.constant 0 : i32
        %dma_wait3A_305 = tpu.memref_slice %arg4[%scan3A_300, %dma_wait3A] : memref<80x128xi32, #tpu.memory_space<vmem>> -> memref<1x128xi32, #tpu.memory_space<vmem>>
        %dma_wait3A_306 = tpu.memref_squeeze %dma_wait3A_305 : memref<1x128xi32, #tpu.memory_space<vmem>> -> memref<128xi32, #tpu.memory_space<vmem>>
        %dma_wait3A_307 = arith.constant 0 : i32
        %dma_wait3A_308 = tpu.memref_slice %arg7[%dma_wait3A_307] : memref<10240xf32, #tpu.memory_space<vmem_shared>> -> memref<10240xf32, #tpu.memory_space<vmem_shared>>
        tpu.wait_indirect_dma semaphore(%run_scoped3A : memref<!tpu.dma_semaphore, #tpu.memory_space<semaphore_mem>>) src(%arg5 : memref<128xf32, #tpu.memory_space<vmem>>) dst(%dma_wait3A_308 : memref<10240xf32, #tpu.memory_space<vmem_shared>>)
        tpu.yield
      }) : () -> ()
    }
    %scan3A_295 = arith.constant 80 : i32
    %barrier3A_296 = arith.constant 0 : index
    tpu.barrier barrier_id(%barrier3A_296)
    "tpu.region"() ({
      %run_scoped3A = tpu.sem_alloc : memref<!tpu.dma_semaphore, #tpu.memory_space<semaphore_mem>>
      %dma_start3A = tpu.memref_slice %arg7[%mul3A_0] : memref<10240xf32, #tpu.memory_space<vmem_shared>> -> memref<640xf32, #tpu.memory_space<vmem_shared>>
      %dma_start3A_300 = tpu.memref_slice %arg7[%mul3A_0] : memref<10240xf32, #tpu.memory_space<vmem_shared>> -> memref<640xf32, #tpu.memory_space<vmem_shared>>
      tpu.enqueue_dma source(%dma_start3A_300 : memref<640xf32, #tpu.memory_space<vmem_shared>>) target(%arg6 : memref<640xf32, #tpu.memory_space<vmem>>) target_semaphore(%run_scoped3A : memref<!tpu.dma_semaphore, #tpu.memory_space<semaphore_mem>>)
      %dma_wait3A = tpu.memref_slice %arg7[%mul3A_0] : memref<10240xf32, #tpu.memory_space<vmem_shared>> -> memref<640xf32, #tpu.memory_space<vmem_shared>>
      %dma_wait3A_301 = tpu.memref_slice %arg7[%mul3A_0] : memref<10240xf32, #tpu.memory_space<vmem_shared>> -> memref<640xf32, #tpu.memory_space<vmem_shared>>
      tpu.wait_dma2 semaphore(%run_scoped3A : memref<!tpu.dma_semaphore, #tpu.memory_space<semaphore_mem>>) src(%dma_wait3A_301 : memref<640xf32, #tpu.memory_space<vmem_shared>>) dst(%arg6 : memref<640xf32, #tpu.memory_space<vmem>>)
      tpu.yield
    }) : () -> ()
    %mul3A_297 = arith.constant 10240 : i32
    %mul3A_298 = arith.muli %arg0, %mul3A_297 : i32
    %add3A_299 = arith.addi %mul3A_298, %mul3A_0 : i32
    "tpu.region"() ({
      %run_scoped3A = tpu.sem_alloc : memref<!tpu.dma_semaphore, #tpu.memory_space<semaphore_mem>>
      %dma_start3A = tpu.memref_slice %arg3[%add3A_299] : memref<20480xf32, #tpu.memory_space<hbm>> -> memref<640xf32, #tpu.memory_space<hbm>>
      %dma_start3A_300 = tpu.memref_slice %arg3[%add3A_299] : memref<20480xf32, #tpu.memory_space<hbm>> -> memref<640xf32, #tpu.memory_space<hbm>>
      tpu.enqueue_dma source(%arg6 : memref<640xf32, #tpu.memory_space<vmem>>) target(%dma_start3A_300 : memref<640xf32, #tpu.memory_space<hbm>>) target_semaphore(%run_scoped3A : memref<!tpu.dma_semaphore, #tpu.memory_space<semaphore_mem>>)
      %dma_wait3A = tpu.memref_slice %arg3[%add3A_299] : memref<20480xf32, #tpu.memory_space<hbm>> -> memref<640xf32, #tpu.memory_space<hbm>>
      %dma_wait3A_301 = tpu.memref_slice %arg3[%add3A_299] : memref<20480xf32, #tpu.memory_space<hbm>> -> memref<640xf32, #tpu.memory_space<hbm>>
      tpu.wait_dma2 semaphore(%run_scoped3A : memref<!tpu.dma_semaphore, #tpu.memory_space<semaphore_mem>>) src(%arg6 : memref<640xf32, #tpu.memory_space<vmem>>) dst(%dma_wait3A_301 : memref<640xf32, #tpu.memory_space<hbm>>)
      tpu.yield
    }) : () -> ()
    return
  }
}

#map = affine_map<(d0, d1) -> (0, 0)>
module attributes {stable_mosaic.version = 14 : i64} {
  func.func @body(%arg0: i32, %arg1: i32, %arg2: memref<20000x128xf32, #tpu.memory_space<hbm>>, %arg3: memref<2560x128xi32, #tpu.memory_space<hbm>>, %arg4: memref<2560x128xi32, #tpu.memory_space<hbm>>, %arg5: memref<20480x128xf32, #tpu.memory_space<hbm>>, %arg6: memref<80x128xi32, #tpu.memory_space<vmem>>, %arg7: memref<128xi32, #tpu.memory_space<vmem>>, %arg8: memref<128xi32, #tpu.memory_space<vmem>>, %arg9: memref<128x128xf32, #tpu.memory_space<vmem>>, %arg10: memref<128x128xf32, #tpu.memory_space<vmem>>, %arg11: memref<10240x128xf32, #tpu.memory_space<vmem_shared>>, %arg12: memref<!tpu.dma_semaphore, #tpu.memory_space<semaphore_mem>>, %arg13: memref<!tpu.dma_semaphore, #tpu.memory_space<semaphore_mem>>, %arg14: memref<!tpu.dma_semaphore, #tpu.memory_space<semaphore_mem>>, %arg15: memref<!tpu.dma_semaphore, #tpu.memory_space<semaphore_mem>>, %arg16: memref<!tpu.dma_semaphore, #tpu.memory_space<semaphore_mem>>, %arg17: memref<!tpu.dma_semaphore, #tpu.memory_space<semaphore_mem>>) attributes {dimension_semantics = [#tpu.dimension_semantics<core_parallel>, #tpu.dimension_semantics<subcore_parallel>], iteration_bounds = array<i64: 2, 16>, scalar_prefetch = 0 : i64, scratch_operands = 12 : i64, tpu.core_type = #tpu.core_type<sc_vector_subcore>, window_params = [{transform_indices = #map}, {transform_indices = #map}, {transform_indices = #map}, {transform_indices = #map}]} {
    %mul3A = arith.constant 640 : i32
    %mul3A_0 = arith.muli %arg1, %mul3A : i32
    %eq3A = arith.constant 0 : i32
    %eq3A_1 = arith.cmpi eq, %arg0, %eq3A : i32
    %mul3A_2 = arith.constant 80 : i32
    %mul3A_3 = arith.muli %arg1, %mul3A_2 : i32
    %mul3A_4 = arith.constant 80 : i32
    %mul3A_5 = arith.muli %arg1, %mul3A_4 : i32
    %add3A = arith.constant 1280 : i32
    %add3A_6 = arith.addi %add3A, %mul3A_5 : i32
    %select_n3A = arith.select %eq3A_1, %mul3A_3, %add3A_6 : i32
    %eq3A_7 = arith.constant 0 : i32
    %eq3A_8 = arith.cmpi eq, %arg0, %eq3A_7 : i32
    %select_n3A_9 = arith.constant 40 : i32
    %select_n3A_10 = arith.constant 40 : i32
    %select_n3A_11 = arith.select %eq3A_8, %select_n3A_10, %select_n3A_9 : i32
    %scan3A = arith.constant 0 : i32
    %scan3A_12 = arith.constant 0 : i32
    %scan3A_13 = arith.constant 128 : i32
    %scan3A_14 = arith.addi %scan3A_12, %scan3A_13 : i32
    %scan3A_15 = arith.constant 1 : i32
    scf.for %scan3A_55 = %scan3A_12 to %scan3A_14 step %scan3A_15  : i32 {
      %broadcast_in_dim3A = arith.constant 0.000000e+00 : f32
      %broadcast_in_dim3A_56 = vector.broadcast %broadcast_in_dim3A : f32 to vector<16xf32>
      %swap3A = arith.index_cast %scan3A_55 : i32 to index
      %swap3A_57 = arith.constant 0 : index
      %swap3A_58 = tpu.vector_load %arg9[%swap3A, %swap3A_57] {strides = array<i32>} : memref<128x128xf32, #tpu.memory_space<vmem>>, vector<1x16xf32>,
      %swap3A_59 = vector.shape_cast %swap3A_58 : vector<1x16xf32> to vector<16xf32>
      %swap3A_60 = vector.shape_cast %broadcast_in_dim3A_56 : vector<16xf32> to vector<1x16xf32>
      tpu.vector_store %arg9[%swap3A, %swap3A_57], %swap3A_60 {strides = array<i32>} : memref<128x128xf32, #tpu.memory_space<vmem>>, vector<1x16xf32>,
      %broadcast_in_dim3A_61 = arith.constant 0.000000e+00 : f32
      %broadcast_in_dim3A_62 = vector.broadcast %broadcast_in_dim3A_61 : f32 to vector<16xf32>
      %swap3A_63 = arith.index_cast %scan3A_55 : i32 to index
      %swap3A_64 = arith.constant 16 : index
      %swap3A_65 = tpu.vector_load %arg9[%swap3A_63, %swap3A_64] {strides = array<i32>} : memref<128x128xf32, #tpu.memory_space<vmem>>, vector<1x16xf32>,
      %swap3A_66 = vector.shape_cast %swap3A_65 : vector<1x16xf32> to vector<16xf32>
      %swap3A_67 = vector.shape_cast %broadcast_in_dim3A_62 : vector<16xf32> to vector<1x16xf32>
      tpu.vector_store %arg9[%swap3A_63, %swap3A_64], %swap3A_67 {strides = array<i32>} : memref<128x128xf32, #tpu.memory_space<vmem>>, vector<1x16xf32>,
      %broadcast_in_dim3A_68 = arith.constant 0.000000e+00 : f32
      %broadcast_in_dim3A_69 = vector.broadcast %broadcast_in_dim3A_68 : f32 to vector<16xf32>
      %swap3A_70 = arith.index_cast %scan3A_55 : i32 to index
      %swap3A_71 = arith.constant 32 : index
      %swap3A_72 = tpu.vector_load %arg9[%swap3A_70, %swap3A_71] {strides = array<i32>} : memref<128x128xf32, #tpu.memory_space<vmem>>, vector<1x16xf32>,
      %swap3A_73 = vector.shape_cast %swap3A_72 : vector<1x16xf32> to vector<16xf32>
      %swap3A_74 = vector.shape_cast %broadcast_in_dim3A_69 : vector<16xf32> to vector<1x16xf32>
      tpu.vector_store %arg9[%swap3A_70, %swap3A_71], %swap3A_74 {strides = array<i32>} : memref<128x128xf32, #tpu.memory_space<vmem>>, vector<1x16xf32>,
      %broadcast_in_dim3A_75 = arith.constant 0.000000e+00 : f32
      %broadcast_in_dim3A_76 = vector.broadcast %broadcast_in_dim3A_75 : f32 to vector<16xf32>
      %swap3A_77 = arith.index_cast %scan3A_55 : i32 to index
      %swap3A_78 = arith.constant 48 : index
      %swap3A_79 = tpu.vector_load %arg9[%swap3A_77, %swap3A_78] {strides = array<i32>} : memref<128x128xf32, #tpu.memory_space<vmem>>, vector<1x16xf32>,
      %swap3A_80 = vector.shape_cast %swap3A_79 : vector<1x16xf32> to vector<16xf32>
      %swap3A_81 = vector.shape_cast %broadcast_in_dim3A_76 : vector<16xf32> to vector<1x16xf32>
      tpu.vector_store %arg9[%swap3A_77, %swap3A_78], %swap3A_81 {strides = array<i32>} : memref<128x128xf32, #tpu.memory_space<vmem>>, vector<1x16xf32>,
      %broadcast_in_dim3A_82 = arith.constant 0.000000e+00 : f32
      %broadcast_in_dim3A_83 = vector.broadcast %broadcast_in_dim3A_82 : f32 to vector<16xf32>
      %swap3A_84 = arith.index_cast %scan3A_55 : i32 to index
      %swap3A_85 = arith.constant 64 : index
      %swap3A_86 = tpu.vector_load %arg9[%swap3A_84, %swap3A_85] {strides = array<i32>} : memref<128x128xf32, #tpu.memory_space<vmem>>, vector<1x16xf32>,
      %swap3A_87 = vector.shape_cast %swap3A_86 : vector<1x16xf32> to vector<16xf32>
      %swap3A_88 = vector.shape_cast %broadcast_in_dim3A_83 : vector<16xf32> to vector<1x16xf32>
      tpu.vector_store %arg9[%swap3A_84, %swap3A_85], %swap3A_88 {strides = array<i32>} : memref<128x128xf32, #tpu.memory_space<vmem>>, vector<1x16xf32>,
      %broadcast_in_dim3A_89 = arith.constant 0.000000e+00 : f32
      %broadcast_in_dim3A_90 = vector.broadcast %broadcast_in_dim3A_89 : f32 to vector<16xf32>
      %swap3A_91 = arith.index_cast %scan3A_55 : i32 to index
      %swap3A_92 = arith.constant 80 : index
      %swap3A_93 = tpu.vector_load %arg9[%swap3A_91, %swap3A_92] {strides = array<i32>} : memref<128x128xf32, #tpu.memory_space<vmem>>, vector<1x16xf32>,
      %swap3A_94 = vector.shape_cast %swap3A_93 : vector<1x16xf32> to vector<16xf32>
      %swap3A_95 = vector.shape_cast %broadcast_in_dim3A_90 : vector<16xf32> to vector<1x16xf32>
      tpu.vector_store %arg9[%swap3A_91, %swap3A_92], %swap3A_95 {strides = array<i32>} : memref<128x128xf32, #tpu.memory_space<vmem>>, vector<1x16xf32>,
      %broadcast_in_dim3A_96 = arith.constant 0.000000e+00 : f32
      %broadcast_in_dim3A_97 = vector.broadcast %broadcast_in_dim3A_96 : f32 to vector<16xf32>
      %swap3A_98 = arith.index_cast %scan3A_55 : i32 to index
      %swap3A_99 = arith.constant 96 : index
      %swap3A_100 = tpu.vector_load %arg9[%swap3A_98, %swap3A_99] {strides = array<i32>} : memref<128x128xf32, #tpu.memory_space<vmem>>, vector<1x16xf32>,
      %swap3A_101 = vector.shape_cast %swap3A_100 : vector<1x16xf32> to vector<16xf32>
      %swap3A_102 = vector.shape_cast %broadcast_in_dim3A_97 : vector<16xf32> to vector<1x16xf32>
      tpu.vector_store %arg9[%swap3A_98, %swap3A_99], %swap3A_102 {strides = array<i32>} : memref<128x128xf32, #tpu.memory_space<vmem>>, vector<1x16xf32>,
      %broadcast_in_dim3A_103 = arith.constant 0.000000e+00 : f32
      %broadcast_in_dim3A_104 = vector.broadcast %broadcast_in_dim3A_103 : f32 to vector<16xf32>
      %swap3A_105 = arith.index_cast %scan3A_55 : i32 to index
      %swap3A_106 = arith.constant 112 : index
      %swap3A_107 = tpu.vector_load %arg9[%swap3A_105, %swap3A_106] {strides = array<i32>} : memref<128x128xf32, #tpu.memory_space<vmem>>, vector<1x16xf32>,
      %swap3A_108 = vector.shape_cast %swap3A_107 : vector<1x16xf32> to vector<16xf32>
      %swap3A_109 = vector.shape_cast %broadcast_in_dim3A_104 : vector<16xf32> to vector<1x16xf32>
      tpu.vector_store %arg9[%swap3A_105, %swap3A_106], %swap3A_109 {strides = array<i32>} : memref<128x128xf32, #tpu.memory_space<vmem>>, vector<1x16xf32>,
    }
    %scan3A_16 = arith.constant 128 : i32
    %scan3A_17 = arith.constant 0 : i32
    %scan3A_18 = arith.constant 0 : i32
    %scan3A_19 = arith.constant 5 : i32
    %scan3A_20 = arith.addi %scan3A_18, %scan3A_19 : i32
    %scan3A_21 = arith.constant 1 : i32
    scf.for %scan3A_55 = %scan3A_18 to %scan3A_20 step %scan3A_21  : i32 {
      %mul3A_56 = arith.constant 128 : i32
      %mul3A_57 = arith.muli %scan3A_55, %mul3A_56 : i32
      %add3A_58 = arith.addi %mul3A_0, %mul3A_57 : i32
      "tpu.region"() ({
        %run_scoped3A = tpu.sem_alloc : memref<!tpu.dma_semaphore, #tpu.memory_space<semaphore_mem>>
        %dma_start3A_59 = arith.constant 0 : i32
        %dma_start3A_60 = tpu.memref_slice %arg11[%add3A_58, %dma_start3A_59] : memref<10240x128xf32, #tpu.memory_space<vmem_shared>> -> memref<128x128xf32, #tpu.memory_space<vmem_shared>>
        %dma_start3A_61 = arith.constant 0 : i32
        %dma_start3A_62 = tpu.memref_slice %arg11[%add3A_58, %dma_start3A_61] : memref<10240x128xf32, #tpu.memory_space<vmem_shared>> -> memref<128x128xf32, #tpu.memory_space<vmem_shared>>
        tpu.enqueue_dma source(%arg9 : memref<128x128xf32, #tpu.memory_space<vmem>>) target(%dma_start3A_62 : memref<128x128xf32, #tpu.memory_space<vmem_shared>>) target_semaphore(%run_scoped3A : memref<!tpu.dma_semaphore, #tpu.memory_space<semaphore_mem>>)
        %dma_wait3A_63 = arith.constant 0 : i32
        %dma_wait3A_64 = tpu.memref_slice %arg11[%add3A_58, %dma_wait3A_63] : memref<10240x128xf32, #tpu.memory_space<vmem_shared>> -> memref<128x128xf32, #tpu.memory_space<vmem_shared>>
        %dma_wait3A_65 = arith.constant 0 : i32
        %dma_wait3A_66 = tpu.memref_slice %arg11[%add3A_58, %dma_wait3A_65] : memref<10240x128xf32, #tpu.memory_space<vmem_shared>> -> memref<128x128xf32, #tpu.memory_space<vmem_shared>>
        tpu.wait_dma2 semaphore(%run_scoped3A : memref<!tpu.dma_semaphore, #tpu.memory_space<semaphore_mem>>) src(%arg9 : memref<128x128xf32, #tpu.memory_space<vmem>>) dst(%dma_wait3A_66 : memref<128x128xf32, #tpu.memory_space<vmem_shared>>)
        tpu.yield
      }) : () -> ()
    }
    %scan3A_22 = arith.constant 5 : i32
    "tpu.region"() ({
      %run_scoped3A = tpu.sem_alloc : memref<!tpu.dma_semaphore, #tpu.memory_space<semaphore_mem>>
      %dma_start3A_55 = arith.constant 0 : i32
      %dma_start3A_56 = tpu.memref_slice %arg3[%select_n3A, %dma_start3A_55] : memref<2560x128xi32, #tpu.memory_space<hbm>> -> memref<80x128xi32, #tpu.memory_space<hbm>>
      %dma_start3A_57 = arith.constant 0 : i32
      %dma_start3A_58 = tpu.memref_slice %arg3[%select_n3A, %dma_start3A_57] : memref<2560x128xi32, #tpu.memory_space<hbm>> -> memref<80x128xi32, #tpu.memory_space<hbm>>
      tpu.enqueue_dma source(%dma_start3A_58 : memref<80x128xi32, #tpu.memory_space<hbm>>) target(%arg6 : memref<80x128xi32, #tpu.memory_space<vmem>>) target_semaphore(%run_scoped3A : memref<!tpu.dma_semaphore, #tpu.memory_space<semaphore_mem>>)
      %dma_wait3A_59 = arith.constant 0 : i32
      %dma_wait3A_60 = tpu.memref_slice %arg3[%select_n3A, %dma_wait3A_59] : memref<2560x128xi32, #tpu.memory_space<hbm>> -> memref<80x128xi32, #tpu.memory_space<hbm>>
      %dma_wait3A_61 = arith.constant 0 : i32
      %dma_wait3A_62 = tpu.memref_slice %arg3[%select_n3A, %dma_wait3A_61] : memref<2560x128xi32, #tpu.memory_space<hbm>> -> memref<80x128xi32, #tpu.memory_space<hbm>>
      tpu.wait_dma2 semaphore(%run_scoped3A : memref<!tpu.dma_semaphore, #tpu.memory_space<semaphore_mem>>) src(%dma_wait3A_62 : memref<80x128xi32, #tpu.memory_space<hbm>>) dst(%arg6 : memref<80x128xi32, #tpu.memory_space<vmem>>)
      tpu.yield
    }) : () -> ()
    %barrier3A = arith.constant 0 : index
    tpu.barrier barrier_id(%barrier3A)
    %add3A_23 = arith.constant 0 : i32
    %add3A_24 = arith.addi %select_n3A, %add3A_23 : i32
    %dma_start3A = arith.constant 0 : i32
    %dma_start3A_25 = tpu.memref_slice %arg4[%add3A_24, %dma_start3A] : memref<2560x128xi32, #tpu.memory_space<hbm>> -> memref<1x128xi32, #tpu.memory_space<hbm>>
    %dma_start3A_26 = tpu.memref_squeeze %dma_start3A_25 : memref<1x128xi32, #tpu.memory_space<hbm>> -> memref<128xi32, #tpu.memory_space<hbm>>
    %dma_start3A_27 = arith.constant 0 : i32
    %dma_start3A_28 = tpu.memref_slice %arg4[%add3A_24, %dma_start3A_27] : memref<2560x128xi32, #tpu.memory_space<hbm>> -> memref<1x128xi32, #tpu.memory_space<hbm>>
    %dma_start3A_29 = tpu.memref_squeeze %dma_start3A_28 : memref<1x128xi32, #tpu.memory_space<hbm>> -> memref<128xi32, #tpu.memory_space<hbm>>
    tpu.enqueue_dma source(%dma_start3A_29 : memref<128xi32, #tpu.memory_space<hbm>>) target(%arg7 : memref<128xi32, #tpu.memory_space<vmem>>) target_semaphore(%arg12 : memref<!tpu.dma_semaphore, #tpu.memory_space<semaphore_mem>>)
    %dma_start3A_30 = arith.constant 0 : i32
    %dma_start3A_31 = arith.constant 0 : i32
    %dma_start3A_32 = tpu.memref_slice %arg6[%dma_start3A_30, %dma_start3A_31] : memref<80x128xi32, #tpu.memory_space<vmem>> -> memref<1x128xi32, #tpu.memory_space<vmem>>
    %dma_start3A_33 = tpu.memref_squeeze %dma_start3A_32 : memref<1x128xi32, #tpu.memory_space<vmem>> -> memref<128xi32, #tpu.memory_space<vmem>>
    %dma_start3A_34 = arith.constant 0 : i32
    %dma_start3A_35 = arith.constant 0 : i32
    %dma_start3A_36 = tpu.memref_slice %arg2[%dma_start3A_34, %dma_start3A_35] : memref<20000x128xf32, #tpu.memory_space<hbm>> -> memref<20000x128xf32, #tpu.memory_space<hbm>>
    tpu.enqueue_indirect_dma source(%dma_start3A_36 : memref<20000x128xf32, #tpu.memory_space<hbm>>) target(%arg9 : memref<128x128xf32, #tpu.memory_space<vmem>>) offsets(%dma_start3A_33 : memref<128xi32, #tpu.memory_space<vmem>>) semaphore(%arg14 : memref<!tpu.dma_semaphore, #tpu.memory_space<semaphore_mem>>)
    %while3A = arith.constant 0 : i32
    %while3A_37 = arith.constant 0 : i32
    %while3A_38 = arith.subi %select_n3A_11, %while3A_37 : i32
    %while3A_39 = arith.addi %while3A_37, %while3A_38 : i32
    %while3A_40 = arith.constant 1 : i32
    %while3A_41 = arith.divsi %while3A_38, %while3A_40 : i32
    %while3A_42 = arith.muli %while3A_41, %while3A_40 : i32
    %while3A_43 = arith.addi %while3A_37, %while3A_42 : i32
    %while3A_44 = arith.constant 1 : i32
    scf.for %while3A_55 = %while3A_37 to %while3A_43 step %while3A_44  : i32 {
      %mul3A_56 = arith.constant 2 : i32
      %mul3A_57 = arith.muli %mul3A_56, %while3A_55 : i32
      %add3A_58 = arith.constant 1 : i32
      %add3A_59 = arith.addi %mul3A_57, %add3A_58 : i32
      %dma_wait3A_60 = arith.constant 0 : i32
      %dma_wait3A_61 = tpu.memref_slice %arg6[%mul3A_57, %dma_wait3A_60] : memref<80x128xi32, #tpu.memory_space<vmem>> -> memref<1x128xi32, #tpu.memory_space<vmem>>
      %dma_wait3A_62 = tpu.memref_squeeze %dma_wait3A_61 : memref<1x128xi32, #tpu.memory_space<vmem>> -> memref<128xi32, #tpu.memory_space<vmem>>
      %dma_wait3A_63 = arith.constant 0 : i32
      %dma_wait3A_64 = arith.constant 0 : i32
      %dma_wait3A_65 = tpu.memref_slice %arg2[%dma_wait3A_63, %dma_wait3A_64] : memref<20000x128xf32, #tpu.memory_space<hbm>> -> memref<20000x128xf32, #tpu.memory_space<hbm>>
      tpu.wait_indirect_dma semaphore(%arg14 : memref<!tpu.dma_semaphore, #tpu.memory_space<semaphore_mem>>) src(%dma_wait3A_65 : memref<20000x128xf32, #tpu.memory_space<hbm>>) dst(%arg9 : memref<128x128xf32, #tpu.memory_space<vmem>>)
      %gt3A = arith.constant 0 : i32
      %gt3A_66 = arith.cmpi sgt, %while3A_55, %gt3A : i32
      %convert_element_type3A = arith.extui %gt3A_66 : i1 to i32
      %cond3A = arith.constant 0 : i32
      %cond3A_67 = arith.cmpi ne, %convert_element_type3A, %cond3A : i32
      scf.if %cond3A_67 {
        %dma_wait3A_115 = arith.constant 0 : i32
        %dma_wait3A_116 = arith.constant 0 : i32
        %dma_wait3A_117 = tpu.memref_slice %arg11[%dma_wait3A_115, %dma_wait3A_116] : memref<10240x128xf32, #tpu.memory_space<vmem_shared>> -> memref<10240x128xf32, #tpu.memory_space<vmem_shared>>
        tpu.wait_indirect_dma semaphore(%arg17 : memref<!tpu.dma_semaphore, #tpu.memory_space<semaphore_mem>>) src(%arg10 : memref<128x128xf32, #tpu.memory_space<vmem>>) dst(%dma_wait3A_117 : memref<10240x128xf32, #tpu.memory_space<vmem_shared>>)
      } else {
      }
      %add3A_68 = arith.addi %select_n3A, %add3A_59 : i32
      %dma_start3A_69 = arith.constant 0 : i32
      %dma_start3A_70 = tpu.memref_slice %arg4[%add3A_68, %dma_start3A_69] : memref<2560x128xi32, #tpu.memory_space<hbm>> -> memref<1x128xi32, #tpu.memory_space<hbm>>
      %dma_start3A_71 = tpu.memref_squeeze %dma_start3A_70 : memref<1x128xi32, #tpu.memory_space<hbm>> -> memref<128xi32, #tpu.memory_space<hbm>>
      %dma_start3A_72 = arith.constant 0 : i32
      %dma_start3A_73 = tpu.memref_slice %arg4[%add3A_68, %dma_start3A_72] : memref<2560x128xi32, #tpu.memory_space<hbm>> -> memref<1x128xi32, #tpu.memory_space<hbm>>
      %dma_start3A_74 = tpu.memref_squeeze %dma_start3A_73 : memref<1x128xi32, #tpu.memory_space<hbm>> -> memref<128xi32, #tpu.memory_space<hbm>>
      tpu.enqueue_dma source(%dma_start3A_74 : memref<128xi32, #tpu.memory_space<hbm>>) target(%arg8 : memref<128xi32, #tpu.memory_space<vmem>>) target_semaphore(%arg13 : memref<!tpu.dma_semaphore, #tpu.memory_space<semaphore_mem>>)
      %dma_start3A_75 = arith.constant 0 : i32
      %dma_start3A_76 = tpu.memref_slice %arg6[%add3A_59, %dma_start3A_75] : memref<80x128xi32, #tpu.memory_space<vmem>> -> memref<1x128xi32, #tpu.memory_space<vmem>>
      %dma_start3A_77 = tpu.memref_squeeze %dma_start3A_76 : memref<1x128xi32, #tpu.memory_space<vmem>> -> memref<128xi32, #tpu.memory_space<vmem>>
      %dma_start3A_78 = arith.constant 0 : i32
      %dma_start3A_79 = arith.constant 0 : i32
      %dma_start3A_80 = tpu.memref_slice %arg2[%dma_start3A_78, %dma_start3A_79] : memref<20000x128xf32, #tpu.memory_space<hbm>> -> memref<20000x128xf32, #tpu.memory_space<hbm>>
      tpu.enqueue_indirect_dma source(%dma_start3A_80 : memref<20000x128xf32, #tpu.memory_space<hbm>>) target(%arg10 : memref<128x128xf32, #tpu.memory_space<vmem>>) offsets(%dma_start3A_77 : memref<128xi32, #tpu.memory_space<vmem>>) semaphore(%arg15 : memref<!tpu.dma_semaphore, #tpu.memory_space<semaphore_mem>>)
      %add3A_81 = arith.addi %select_n3A, %mul3A_57 : i32
      %dma_wait3A_82 = arith.constant 0 : i32
      %dma_wait3A_83 = tpu.memref_slice %arg4[%add3A_81, %dma_wait3A_82] : memref<2560x128xi32, #tpu.memory_space<hbm>> -> memref<1x128xi32, #tpu.memory_space<hbm>>
      %dma_wait3A_84 = tpu.memref_squeeze %dma_wait3A_83 : memref<1x128xi32, #tpu.memory_space<hbm>> -> memref<128xi32, #tpu.memory_space<hbm>>
      %dma_wait3A_85 = arith.constant 0 : i32
      %dma_wait3A_86 = tpu.memref_slice %arg4[%add3A_81, %dma_wait3A_85] : memref<2560x128xi32, #tpu.memory_space<hbm>> -> memref<1x128xi32, #tpu.memory_space<hbm>>
      %dma_wait3A_87 = tpu.memref_squeeze %dma_wait3A_86 : memref<1x128xi32, #tpu.memory_space<hbm>> -> memref<128xi32, #tpu.memory_space<hbm>>
      tpu.wait_dma2 semaphore(%arg12 : memref<!tpu.dma_semaphore, #tpu.memory_space<semaphore_mem>>) src(%dma_wait3A_87 : memref<128xi32, #tpu.memory_space<hbm>>) dst(%arg7 : memref<128xi32, #tpu.memory_space<vmem>>)
      %dma_start3A_88 = arith.constant 0 : i32
      %dma_start3A_89 = arith.constant 0 : i32
      %dma_start3A_90 = tpu.memref_slice %arg11[%dma_start3A_88, %dma_start3A_89] : memref<10240x128xf32, #tpu.memory_space<vmem_shared>> -> memref<10240x128xf32, #tpu.memory_space<vmem_shared>>
      tpu.enqueue_indirect_dma source(%arg9 : memref<128x128xf32, #tpu.memory_space<vmem>>) target(%dma_start3A_90 : memref<10240x128xf32, #tpu.memory_space<vmem_shared>>) offsets(%arg7 : memref<128xi32, #tpu.memory_space<vmem>>) semaphore(%arg16 : memref<!tpu.dma_semaphore, #tpu.memory_space<semaphore_mem>>) {add = true}
      %dma_wait3A_91 = arith.constant 0 : i32
      %dma_wait3A_92 = tpu.memref_slice %arg6[%add3A_59, %dma_wait3A_91] : memref<80x128xi32, #tpu.memory_space<vmem>> -> memref<1x128xi32, #tpu.memory_space<vmem>>
      %dma_wait3A_93 = tpu.memref_squeeze %dma_wait3A_92 : memref<1x128xi32, #tpu.memory_space<vmem>> -> memref<128xi32, #tpu.memory_space<vmem>>
      %dma_wait3A_94 = arith.constant 0 : i32
      %dma_wait3A_95 = arith.constant 0 : i32
      %dma_wait3A_96 = tpu.memref_slice %arg2[%dma_wait3A_94, %dma_wait3A_95] : memref<20000x128xf32, #tpu.memory_space<hbm>> -> memref<20000x128xf32, #tpu.memory_space<hbm>>
      tpu.wait_indirect_dma semaphore(%arg15 : memref<!tpu.dma_semaphore, #tpu.memory_space<semaphore_mem>>) src(%dma_wait3A_96 : memref<20000x128xf32, #tpu.memory_space<hbm>>) dst(%arg10 : memref<128x128xf32, #tpu.memory_space<vmem>>)
      %dma_wait3A_97 = arith.constant 0 : i32
      %dma_wait3A_98 = arith.constant 0 : i32
      %dma_wait3A_99 = tpu.memref_slice %arg11[%dma_wait3A_97, %dma_wait3A_98] : memref<10240x128xf32, #tpu.memory_space<vmem_shared>> -> memref<10240x128xf32, #tpu.memory_space<vmem_shared>>
      tpu.wait_indirect_dma semaphore(%arg16 : memref<!tpu.dma_semaphore, #tpu.memory_space<semaphore_mem>>) src(%arg9 : memref<128x128xf32, #tpu.memory_space<vmem>>) dst(%dma_wait3A_99 : memref<10240x128xf32, #tpu.memory_space<vmem_shared>>)
      %add3A_100 = arith.constant 1 : i32
      %add3A_101 = arith.addi %while3A_55, %add3A_100 : i32
      %lt3A = arith.cmpi slt, %add3A_101, %select_n3A_11 : i32
      %convert_element_type3A_102 = arith.extui %lt3A : i1 to i32
      %cond3A_103 = arith.constant 0 : i32
      %cond3A_104 = arith.cmpi ne, %convert_element_type3A_102, %cond3A_103 : i32
      scf.if %cond3A_104 {
        %add3A_115 = arith.constant 2 : i32
        %add3A_116 = arith.addi %mul3A_57, %add3A_115 : i32
        %add3A_117 = arith.addi %select_n3A, %add3A_116 : i32
        %dma_start3A_118 = arith.constant 0 : i32
        %dma_start3A_119 = tpu.memref_slice %arg4[%add3A_117, %dma_start3A_118] : memref<2560x128xi32, #tpu.memory_space<hbm>> -> memref<1x128xi32, #tpu.memory_space<hbm>>
        %dma_start3A_120 = tpu.memref_squeeze %dma_start3A_119 : memref<1x128xi32, #tpu.memory_space<hbm>> -> memref<128xi32, #tpu.memory_space<hbm>>
        %dma_start3A_121 = arith.constant 0 : i32
        %dma_start3A_122 = tpu.memref_slice %arg4[%add3A_117, %dma_start3A_121] : memref<2560x128xi32, #tpu.memory_space<hbm>> -> memref<1x128xi32, #tpu.memory_space<hbm>>
        %dma_start3A_123 = tpu.memref_squeeze %dma_start3A_122 : memref<1x128xi32, #tpu.memory_space<hbm>> -> memref<128xi32, #tpu.memory_space<hbm>>
        tpu.enqueue_dma source(%dma_start3A_123 : memref<128xi32, #tpu.memory_space<hbm>>) target(%arg7 : memref<128xi32, #tpu.memory_space<vmem>>) target_semaphore(%arg12 : memref<!tpu.dma_semaphore, #tpu.memory_space<semaphore_mem>>)
        %add3A_124 = arith.constant 2 : i32
        %add3A_125 = arith.addi %mul3A_57, %add3A_124 : i32
        %dma_start3A_126 = arith.constant 0 : i32
        %dma_start3A_127 = tpu.memref_slice %arg6[%add3A_125, %dma_start3A_126] : memref<80x128xi32, #tpu.memory_space<vmem>> -> memref<1x128xi32, #tpu.memory_space<vmem>>
        %dma_start3A_128 = tpu.memref_squeeze %dma_start3A_127 : memref<1x128xi32, #tpu.memory_space<vmem>> -> memref<128xi32, #tpu.memory_space<vmem>>
        %dma_start3A_129 = arith.constant 0 : i32
        %dma_start3A_130 = arith.constant 0 : i32
        %dma_start3A_131 = tpu.memref_slice %arg2[%dma_start3A_129, %dma_start3A_130] : memref<20000x128xf32, #tpu.memory_space<hbm>> -> memref<20000x128xf32, #tpu.memory_space<hbm>>
        tpu.enqueue_indirect_dma source(%dma_start3A_131 : memref<20000x128xf32, #tpu.memory_space<hbm>>) target(%arg9 : memref<128x128xf32, #tpu.memory_space<vmem>>) offsets(%dma_start3A_128 : memref<128xi32, #tpu.memory_space<vmem>>) semaphore(%arg14 : memref<!tpu.dma_semaphore, #tpu.memory_space<semaphore_mem>>)
      } else {
      }
      %add3A_105 = arith.addi %select_n3A, %add3A_59 : i32
      %dma_wait3A_106 = arith.constant 0 : i32
      %dma_wait3A_107 = tpu.memref_slice %arg4[%add3A_105, %dma_wait3A_106] : memref<2560x128xi32, #tpu.memory_space<hbm>> -> memref<1x128xi32, #tpu.memory_space<hbm>>
      %dma_wait3A_108 = tpu.memref_squeeze %dma_wait3A_107 : memref<1x128xi32, #tpu.memory_space<hbm>> -> memref<128xi32, #tpu.memory_space<hbm>>
      %dma_wait3A_109 = arith.constant 0 : i32
      %dma_wait3A_110 = tpu.memref_slice %arg4[%add3A_105, %dma_wait3A_109] : memref<2560x128xi32, #tpu.memory_space<hbm>> -> memref<1x128xi32, #tpu.memory_space<hbm>>
      %dma_wait3A_111 = tpu.memref_squeeze %dma_wait3A_110 : memref<1x128xi32, #tpu.memory_space<hbm>> -> memref<128xi32, #tpu.memory_space<hbm>>
      tpu.wait_dma2 semaphore(%arg13 : memref<!tpu.dma_semaphore, #tpu.memory_space<semaphore_mem>>) src(%dma_wait3A_111 : memref<128xi32, #tpu.memory_space<hbm>>) dst(%arg8 : memref<128xi32, #tpu.memory_space<vmem>>)
      %dma_start3A_112 = arith.constant 0 : i32
      %dma_start3A_113 = arith.constant 0 : i32
      %dma_start3A_114 = tpu.memref_slice %arg11[%dma_start3A_112, %dma_start3A_113] : memref<10240x128xf32, #tpu.memory_space<vmem_shared>> -> memref<10240x128xf32, #tpu.memory_space<vmem_shared>>
      tpu.enqueue_indirect_dma source(%arg10 : memref<128x128xf32, #tpu.memory_space<vmem>>) target(%dma_start3A_114 : memref<10240x128xf32, #tpu.memory_space<vmem_shared>>) offsets(%arg8 : memref<128xi32, #tpu.memory_space<vmem>>) semaphore(%arg17 : memref<!tpu.dma_semaphore, #tpu.memory_space<semaphore_mem>>) {add = true}
    }
    %while3A_45 = arith.constant 1 : i32
    scf.for %while3A_55 = %while3A_43 to %while3A_39 step %while3A_45  : i32 {
      %mul3A_56 = arith.constant 2 : i32
      %mul3A_57 = arith.muli %mul3A_56, %while3A_55 : i32
      %add3A_58 = arith.constant 1 : i32
      %add3A_59 = arith.addi %mul3A_57, %add3A_58 : i32
      %dma_wait3A_60 = arith.constant 0 : i32
      %dma_wait3A_61 = tpu.memref_slice %arg6[%mul3A_57, %dma_wait3A_60] : memref<80x128xi32, #tpu.memory_space<vmem>> -> memref<1x128xi32, #tpu.memory_space<vmem>>
      %dma_wait3A_62 = tpu.memref_squeeze %dma_wait3A_61 : memref<1x128xi32, #tpu.memory_space<vmem>> -> memref<128xi32, #tpu.memory_space<vmem>>
      %dma_wait3A_63 = arith.constant 0 : i32
      %dma_wait3A_64 = arith.constant 0 : i32
      %dma_wait3A_65 = tpu.memref_slice %arg2[%dma_wait3A_63, %dma_wait3A_64] : memref<20000x128xf32, #tpu.memory_space<hbm>> -> memref<20000x128xf32, #tpu.memory_space<hbm>>
      tpu.wait_indirect_dma semaphore(%arg14 : memref<!tpu.dma_semaphore, #tpu.memory_space<semaphore_mem>>) src(%dma_wait3A_65 : memref<20000x128xf32, #tpu.memory_space<hbm>>) dst(%arg9 : memref<128x128xf32, #tpu.memory_space<vmem>>)
      %gt3A = arith.constant 0 : i32
      %gt3A_66 = arith.cmpi sgt, %while3A_55, %gt3A : i32
      %convert_element_type3A = arith.extui %gt3A_66 : i1 to i32
      %cond3A = arith.constant 0 : i32
      %cond3A_67 = arith.cmpi ne, %convert_element_type3A, %cond3A : i32
      scf.if %cond3A_67 {
        %dma_wait3A_115 = arith.constant 0 : i32
        %dma_wait3A_116 = arith.constant 0 : i32
        %dma_wait3A_117 = tpu.memref_slice %arg11[%dma_wait3A_115, %dma_wait3A_116] : memref<10240x128xf32, #tpu.memory_space<vmem_shared>> -> memref<10240x128xf32, #tpu.memory_space<vmem_shared>>
        tpu.wait_indirect_dma semaphore(%arg17 : memref<!tpu.dma_semaphore, #tpu.memory_space<semaphore_mem>>) src(%arg10 : memref<128x128xf32, #tpu.memory_space<vmem>>) dst(%dma_wait3A_117 : memref<10240x128xf32, #tpu.memory_space<vmem_shared>>)
      } else {
      }
      %add3A_68 = arith.addi %select_n3A, %add3A_59 : i32
      %dma_start3A_69 = arith.constant 0 : i32
      %dma_start3A_70 = tpu.memref_slice %arg4[%add3A_68, %dma_start3A_69] : memref<2560x128xi32, #tpu.memory_space<hbm>> -> memref<1x128xi32, #tpu.memory_space<hbm>>
      %dma_start3A_71 = tpu.memref_squeeze %dma_start3A_70 : memref<1x128xi32, #tpu.memory_space<hbm>> -> memref<128xi32, #tpu.memory_space<hbm>>
      %dma_start3A_72 = arith.constant 0 : i32
      %dma_start3A_73 = tpu.memref_slice %arg4[%add3A_68, %dma_start3A_72] : memref<2560x128xi32, #tpu.memory_space<hbm>> -> memref<1x128xi32, #tpu.memory_space<hbm>>
      %dma_start3A_74 = tpu.memref_squeeze %dma_start3A_73 : memref<1x128xi32, #tpu.memory_space<hbm>> -> memref<128xi32, #tpu.memory_space<hbm>>
      tpu.enqueue_dma source(%dma_start3A_74 : memref<128xi32, #tpu.memory_space<hbm>>) target(%arg8 : memref<128xi32, #tpu.memory_space<vmem>>) target_semaphore(%arg13 : memref<!tpu.dma_semaphore, #tpu.memory_space<semaphore_mem>>)
      %dma_start3A_75 = arith.constant 0 : i32
      %dma_start3A_76 = tpu.memref_slice %arg6[%add3A_59, %dma_start3A_75] : memref<80x128xi32, #tpu.memory_space<vmem>> -> memref<1x128xi32, #tpu.memory_space<vmem>>
      %dma_start3A_77 = tpu.memref_squeeze %dma_start3A_76 : memref<1x128xi32, #tpu.memory_space<vmem>> -> memref<128xi32, #tpu.memory_space<vmem>>
      %dma_start3A_78 = arith.constant 0 : i32
      %dma_start3A_79 = arith.constant 0 : i32
      %dma_start3A_80 = tpu.memref_slice %arg2[%dma_start3A_78, %dma_start3A_79] : memref<20000x128xf32, #tpu.memory_space<hbm>> -> memref<20000x128xf32, #tpu.memory_space<hbm>>
      tpu.enqueue_indirect_dma source(%dma_start3A_80 : memref<20000x128xf32, #tpu.memory_space<hbm>>) target(%arg10 : memref<128x128xf32, #tpu.memory_space<vmem>>) offsets(%dma_start3A_77 : memref<128xi32, #tpu.memory_space<vmem>>) semaphore(%arg15 : memref<!tpu.dma_semaphore, #tpu.memory_space<semaphore_mem>>)
      %add3A_81 = arith.addi %select_n3A, %mul3A_57 : i32
      %dma_wait3A_82 = arith.constant 0 : i32
      %dma_wait3A_83 = tpu.memref_slice %arg4[%add3A_81, %dma_wait3A_82] : memref<2560x128xi32, #tpu.memory_space<hbm>> -> memref<1x128xi32, #tpu.memory_space<hbm>>
      %dma_wait3A_84 = tpu.memref_squeeze %dma_wait3A_83 : memref<1x128xi32, #tpu.memory_space<hbm>> -> memref<128xi32, #tpu.memory_space<hbm>>
      %dma_wait3A_85 = arith.constant 0 : i32
      %dma_wait3A_86 = tpu.memref_slice %arg4[%add3A_81, %dma_wait3A_85] : memref<2560x128xi32, #tpu.memory_space<hbm>> -> memref<1x128xi32, #tpu.memory_space<hbm>>
      %dma_wait3A_87 = tpu.memref_squeeze %dma_wait3A_86 : memref<1x128xi32, #tpu.memory_space<hbm>> -> memref<128xi32, #tpu.memory_space<hbm>>
      tpu.wait_dma2 semaphore(%arg12 : memref<!tpu.dma_semaphore, #tpu.memory_space<semaphore_mem>>) src(%dma_wait3A_87 : memref<128xi32, #tpu.memory_space<hbm>>) dst(%arg7 : memref<128xi32, #tpu.memory_space<vmem>>)
      %dma_start3A_88 = arith.constant 0 : i32
      %dma_start3A_89 = arith.constant 0 : i32
      %dma_start3A_90 = tpu.memref_slice %arg11[%dma_start3A_88, %dma_start3A_89] : memref<10240x128xf32, #tpu.memory_space<vmem_shared>> -> memref<10240x128xf32, #tpu.memory_space<vmem_shared>>
      tpu.enqueue_indirect_dma source(%arg9 : memref<128x128xf32, #tpu.memory_space<vmem>>) target(%dma_start3A_90 : memref<10240x128xf32, #tpu.memory_space<vmem_shared>>) offsets(%arg7 : memref<128xi32, #tpu.memory_space<vmem>>) semaphore(%arg16 : memref<!tpu.dma_semaphore, #tpu.memory_space<semaphore_mem>>) {add = true}
      %dma_wait3A_91 = arith.constant 0 : i32
      %dma_wait3A_92 = tpu.memref_slice %arg6[%add3A_59, %dma_wait3A_91] : memref<80x128xi32, #tpu.memory_space<vmem>> -> memref<1x128xi32, #tpu.memory_space<vmem>>
      %dma_wait3A_93 = tpu.memref_squeeze %dma_wait3A_92 : memref<1x128xi32, #tpu.memory_space<vmem>> -> memref<128xi32, #tpu.memory_space<vmem>>
      %dma_wait3A_94 = arith.constant 0 : i32
      %dma_wait3A_95 = arith.constant 0 : i32
      %dma_wait3A_96 = tpu.memref_slice %arg2[%dma_wait3A_94, %dma_wait3A_95] : memref<20000x128xf32, #tpu.memory_space<hbm>> -> memref<20000x128xf32, #tpu.memory_space<hbm>>
      tpu.wait_indirect_dma semaphore(%arg15 : memref<!tpu.dma_semaphore, #tpu.memory_space<semaphore_mem>>) src(%dma_wait3A_96 : memref<20000x128xf32, #tpu.memory_space<hbm>>) dst(%arg10 : memref<128x128xf32, #tpu.memory_space<vmem>>)
      %dma_wait3A_97 = arith.constant 0 : i32
      %dma_wait3A_98 = arith.constant 0 : i32
      %dma_wait3A_99 = tpu.memref_slice %arg11[%dma_wait3A_97, %dma_wait3A_98] : memref<10240x128xf32, #tpu.memory_space<vmem_shared>> -> memref<10240x128xf32, #tpu.memory_space<vmem_shared>>
      tpu.wait_indirect_dma semaphore(%arg16 : memref<!tpu.dma_semaphore, #tpu.memory_space<semaphore_mem>>) src(%arg9 : memref<128x128xf32, #tpu.memory_space<vmem>>) dst(%dma_wait3A_99 : memref<10240x128xf32, #tpu.memory_space<vmem_shared>>)
      %add3A_100 = arith.constant 1 : i32
      %add3A_101 = arith.addi %while3A_55, %add3A_100 : i32
      %lt3A = arith.cmpi slt, %add3A_101, %select_n3A_11 : i32
      %convert_element_type3A_102 = arith.extui %lt3A : i1 to i32
      %cond3A_103 = arith.constant 0 : i32
      %cond3A_104 = arith.cmpi ne, %convert_element_type3A_102, %cond3A_103 : i32
      scf.if %cond3A_104 {
        %add3A_115 = arith.constant 2 : i32
        %add3A_116 = arith.addi %mul3A_57, %add3A_115 : i32
        %add3A_117 = arith.addi %select_n3A, %add3A_116 : i32
        %dma_start3A_118 = arith.constant 0 : i32
        %dma_start3A_119 = tpu.memref_slice %arg4[%add3A_117, %dma_start3A_118] : memref<2560x128xi32, #tpu.memory_space<hbm>> -> memref<1x128xi32, #tpu.memory_space<hbm>>
        %dma_start3A_120 = tpu.memref_squeeze %dma_start3A_119 : memref<1x128xi32, #tpu.memory_space<hbm>> -> memref<128xi32, #tpu.memory_space<hbm>>
        %dma_start3A_121 = arith.constant 0 : i32
        %dma_start3A_122 = tpu.memref_slice %arg4[%add3A_117, %dma_start3A_121] : memref<2560x128xi32, #tpu.memory_space<hbm>> -> memref<1x128xi32, #tpu.memory_space<hbm>>
        %dma_start3A_123 = tpu.memref_squeeze %dma_start3A_122 : memref<1x128xi32, #tpu.memory_space<hbm>> -> memref<128xi32, #tpu.memory_space<hbm>>
        tpu.enqueue_dma source(%dma_start3A_123 : memref<128xi32, #tpu.memory_space<hbm>>) target(%arg7 : memref<128xi32, #tpu.memory_space<vmem>>) target_semaphore(%arg12 : memref<!tpu.dma_semaphore, #tpu.memory_space<semaphore_mem>>)
        %add3A_124 = arith.constant 2 : i32
        %add3A_125 = arith.addi %mul3A_57, %add3A_124 : i32
        %dma_start3A_126 = arith.constant 0 : i32
        %dma_start3A_127 = tpu.memref_slice %arg6[%add3A_125, %dma_start3A_126] : memref<80x128xi32, #tpu.memory_space<vmem>> -> memref<1x128xi32, #tpu.memory_space<vmem>>
        %dma_start3A_128 = tpu.memref_squeeze %dma_start3A_127 : memref<1x128xi32, #tpu.memory_space<vmem>> -> memref<128xi32, #tpu.memory_space<vmem>>
        %dma_start3A_129 = arith.constant 0 : i32
        %dma_start3A_130 = arith.constant 0 : i32
        %dma_start3A_131 = tpu.memref_slice %arg2[%dma_start3A_129, %dma_start3A_130] : memref<20000x128xf32, #tpu.memory_space<hbm>> -> memref<20000x128xf32, #tpu.memory_space<hbm>>
        tpu.enqueue_indirect_dma source(%dma_start3A_131 : memref<20000x128xf32, #tpu.memory_space<hbm>>) target(%arg9 : memref<128x128xf32, #tpu.memory_space<vmem>>) offsets(%dma_start3A_128 : memref<128xi32, #tpu.memory_space<vmem>>) semaphore(%arg14 : memref<!tpu.dma_semaphore, #tpu.memory_space<semaphore_mem>>)
      } else {
      }
      %add3A_105 = arith.addi %select_n3A, %add3A_59 : i32
      %dma_wait3A_106 = arith.constant 0 : i32
      %dma_wait3A_107 = tpu.memref_slice %arg4[%add3A_105, %dma_wait3A_106] : memref<2560x128xi32, #tpu.memory_space<hbm>> -> memref<1x128xi32, #tpu.memory_space<hbm>>
      %dma_wait3A_108 = tpu.memref_squeeze %dma_wait3A_107 : memref<1x128xi32, #tpu.memory_space<hbm>> -> memref<128xi32, #tpu.memory_space<hbm>>
      %dma_wait3A_109 = arith.constant 0 : i32
      %dma_wait3A_110 = tpu.memref_slice %arg4[%add3A_105, %dma_wait3A_109] : memref<2560x128xi32, #tpu.memory_space<hbm>> -> memref<1x128xi32, #tpu.memory_space<hbm>>
      %dma_wait3A_111 = tpu.memref_squeeze %dma_wait3A_110 : memref<1x128xi32, #tpu.memory_space<hbm>> -> memref<128xi32, #tpu.memory_space<hbm>>
      tpu.wait_dma2 semaphore(%arg13 : memref<!tpu.dma_semaphore, #tpu.memory_space<semaphore_mem>>) src(%dma_wait3A_111 : memref<128xi32, #tpu.memory_space<hbm>>) dst(%arg8 : memref<128xi32, #tpu.memory_space<vmem>>)
      %dma_start3A_112 = arith.constant 0 : i32
      %dma_start3A_113 = arith.constant 0 : i32
      %dma_start3A_114 = tpu.memref_slice %arg11[%dma_start3A_112, %dma_start3A_113] : memref<10240x128xf32, #tpu.memory_space<vmem_shared>> -> memref<10240x128xf32, #tpu.memory_space<vmem_shared>>
      tpu.enqueue_indirect_dma source(%arg10 : memref<128x128xf32, #tpu.memory_space<vmem>>) target(%dma_start3A_114 : memref<10240x128xf32, #tpu.memory_space<vmem_shared>>) offsets(%arg8 : memref<128xi32, #tpu.memory_space<vmem>>) semaphore(%arg17 : memref<!tpu.dma_semaphore, #tpu.memory_space<semaphore_mem>>) {add = true}
    }
    %dma_wait3A = arith.constant 0 : i32
    %dma_wait3A_46 = arith.constant 0 : i32
    %dma_wait3A_47 = tpu.memref_slice %arg11[%dma_wait3A, %dma_wait3A_46] : memref<10240x128xf32, #tpu.memory_space<vmem_shared>> -> memref<10240x128xf32, #tpu.memory_space<vmem_shared>>
    tpu.wait_indirect_dma semaphore(%arg17 : memref<!tpu.dma_semaphore, #tpu.memory_space<semaphore_mem>>) src(%arg10 : memref<128x128xf32, #tpu.memory_space<vmem>>) dst(%dma_wait3A_47 : memref<10240x128xf32, #tpu.memory_space<vmem_shared>>)
    %barrier3A_48 = arith.constant 0 : index
    tpu.barrier barrier_id(%barrier3A_48)
    %scan3A_49 = arith.constant 0 : i32
    %scan3A_50 = arith.constant 0 : i32
    %scan3A_51 = arith.constant 5 : i32
    %scan3A_52 = arith.addi %scan3A_50, %scan3A_51 : i32
    %scan3A_53 = arith.constant 1 : i32
    scf.for %scan3A_55 = %scan3A_50 to %scan3A_52 step %scan3A_53  : i32 {
      %mul3A_56 = arith.constant 128 : i32
      %mul3A_57 = arith.muli %scan3A_55, %mul3A_56 : i32
      %add3A_58 = arith.addi %mul3A_0, %mul3A_57 : i32
      %mul3A_59 = arith.constant 10240 : i32
      %mul3A_60 = arith.muli %arg0, %mul3A_59 : i32
      %add3A_61 = arith.addi %mul3A_60, %mul3A_0 : i32
      %mul3A_62 = arith.constant 128 : i32
      %mul3A_63 = arith.muli %scan3A_55, %mul3A_62 : i32
      %add3A_64 = arith.addi %add3A_61, %mul3A_63 : i32
      "tpu.region"() ({
        %run_scoped3A = tpu.sem_alloc : memref<!tpu.dma_semaphore, #tpu.memory_space<semaphore_mem>>
        %dma_start3A_65 = arith.constant 0 : i32
        %dma_start3A_66 = tpu.memref_slice %arg5[%add3A_64, %dma_start3A_65] : memref<20480x128xf32, #tpu.memory_space<hbm>> -> memref<128x128xf32, #tpu.memory_space<hbm>>
        %dma_start3A_67 = arith.constant 0 : i32
        %dma_start3A_68 = tpu.memref_slice %arg11[%add3A_58, %dma_start3A_67] : memref<10240x128xf32, #tpu.memory_space<vmem_shared>> -> memref<128x128xf32, #tpu.memory_space<vmem_shared>>
        tpu.enqueue_dma source(%dma_start3A_68 : memref<128x128xf32, #tpu.memory_space<vmem_shared>>) target(%dma_start3A_66 : memref<128x128xf32, #tpu.memory_space<hbm>>) target_semaphore(%run_scoped3A : memref<!tpu.dma_semaphore, #tpu.memory_space<semaphore_mem>>)
        %dma_wait3A_69 = arith.constant 0 : i32
        %dma_wait3A_70 = tpu.memref_slice %arg5[%add3A_64, %dma_wait3A_69] : memref<20480x128xf32, #tpu.memory_space<hbm>> -> memref<128x128xf32, #tpu.memory_space<hbm>>
        %dma_wait3A_71 = arith.constant 0 : i32
        %dma_wait3A_72 = tpu.memref_slice %arg11[%add3A_58, %dma_wait3A_71] : memref<10240x128xf32, #tpu.memory_space<vmem_shared>> -> memref<128x128xf32, #tpu.memory_space<vmem_shared>>
        tpu.wait_dma2 semaphore(%run_scoped3A : memref<!tpu.dma_semaphore, #tpu.memory_space<semaphore_mem>>) src(%dma_wait3A_72 : memref<128x128xf32, #tpu.memory_space<vmem_shared>>) dst(%dma_wait3A_70 : memref<128x128xf32, #tpu.memory_space<hbm>>)
        tpu.yield
      }) : () -> ()
    }
    %scan3A_54 = arith.constant 5 : i32
    return
  }
}

#map = affine_map<(d0, d1) -> (0, 0)>
module attributes {stable_mosaic.version = 14 : i64} {
  func.func @body(%arg0: i32, %arg1: i32, %arg2: memref<20000x128xf32, #tpu.memory_space<hbm>>, %arg3: memref<2560x128xi32, #tpu.memory_space<hbm>>, %arg4: memref<2560x128xi32, #tpu.memory_space<hbm>>, %arg5: memref<20480x128xf32, #tpu.memory_space<hbm>>, %arg6: memref<80x128xi32, #tpu.memory_space<vmem>>, %arg7: memref<128xi32, #tpu.memory_space<vmem>>, %arg8: memref<128xi32, #tpu.memory_space<vmem>>, %arg9: memref<128x128xf32, #tpu.memory_space<vmem>>, %arg10: memref<128x128xf32, #tpu.memory_space<vmem>>, %arg11: memref<10240x128xf32, #tpu.memory_space<vmem_shared>>, %arg12: memref<!tpu.dma_semaphore, #tpu.memory_space<semaphore_mem>>, %arg13: memref<!tpu.dma_semaphore, #tpu.memory_space<semaphore_mem>>, %arg14: memref<!tpu.dma_semaphore, #tpu.memory_space<semaphore_mem>>, %arg15: memref<!tpu.dma_semaphore, #tpu.memory_space<semaphore_mem>>, %arg16: memref<!tpu.dma_semaphore, #tpu.memory_space<semaphore_mem>>, %arg17: memref<!tpu.dma_semaphore, #tpu.memory_space<semaphore_mem>>) attributes {dimension_semantics = [#tpu.dimension_semantics<core_parallel>, #tpu.dimension_semantics<subcore_parallel>], iteration_bounds = array<i64: 2, 16>, scalar_prefetch = 0 : i64, scratch_operands = 12 : i64, tpu.core_type = #tpu.core_type<sc_vector_subcore>, window_params = [{transform_indices = #map}, {transform_indices = #map}, {transform_indices = #map}, {transform_indices = #map}]} {
    %mul3A = arith.constant 640 : i32
    %mul3A_0 = arith.muli %arg1, %mul3A : i32
    %eq3A = arith.constant 0 : i32
    %eq3A_1 = arith.cmpi eq, %arg0, %eq3A : i32
    %mul3A_2 = arith.constant 80 : i32
    %mul3A_3 = arith.muli %arg1, %mul3A_2 : i32
    %mul3A_4 = arith.constant 80 : i32
    %mul3A_5 = arith.muli %arg1, %mul3A_4 : i32
    %add3A = arith.constant 1280 : i32
    %add3A_6 = arith.addi %add3A, %mul3A_5 : i32
    %select_n3A = arith.select %eq3A_1, %mul3A_3, %add3A_6 : i32
    %eq3A_7 = arith.constant 0 : i32
    %eq3A_8 = arith.cmpi eq, %arg0, %eq3A_7 : i32
    %select_n3A_9 = arith.constant 40 : i32
    %select_n3A_10 = arith.constant 40 : i32
    %select_n3A_11 = arith.select %eq3A_8, %select_n3A_10, %select_n3A_9 : i32
    %scan3A = arith.constant 0 : i32
    %scan3A_12 = arith.constant 0 : i32
    %scan3A_13 = arith.constant 128 : i32
    %scan3A_14 = arith.addi %scan3A_12, %scan3A_13 : i32
    %scan3A_15 = arith.constant 1 : i32
    scf.for %scan3A_55 = %scan3A_12 to %scan3A_14 step %scan3A_15  : i32 {
      %broadcast_in_dim3A = arith.constant 0.000000e+00 : f32
      %broadcast_in_dim3A_56 = vector.broadcast %broadcast_in_dim3A : f32 to vector<16xf32>
      %swap3A = arith.index_cast %scan3A_55 : i32 to index
      %swap3A_57 = arith.constant 0 : index
      %swap3A_58 = tpu.vector_load %arg9[%swap3A, %swap3A_57] {strides = array<i32>} : memref<128x128xf32, #tpu.memory_space<vmem>>, vector<1x16xf32>,
      %swap3A_59 = vector.shape_cast %swap3A_58 : vector<1x16xf32> to vector<16xf32>
      %swap3A_60 = vector.shape_cast %broadcast_in_dim3A_56 : vector<16xf32> to vector<1x16xf32>
      tpu.vector_store %arg9[%swap3A, %swap3A_57], %swap3A_60 {strides = array<i32>} : memref<128x128xf32, #tpu.memory_space<vmem>>, vector<1x16xf32>,
      %broadcast_in_dim3A_61 = arith.constant 0.000000e+00 : f32
      %broadcast_in_dim3A_62 = vector.broadcast %broadcast_in_dim3A_61 : f32 to vector<16xf32>
      %swap3A_63 = arith.index_cast %scan3A_55 : i32 to index
      %swap3A_64 = arith.constant 16 : index
      %swap3A_65 = tpu.vector_load %arg9[%swap3A_63, %swap3A_64] {strides = array<i32>} : memref<128x128xf32, #tpu.memory_space<vmem>>, vector<1x16xf32>,
      %swap3A_66 = vector.shape_cast %swap3A_65 : vector<1x16xf32> to vector<16xf32>
      %swap3A_67 = vector.shape_cast %broadcast_in_dim3A_62 : vector<16xf32> to vector<1x16xf32>
      tpu.vector_store %arg9[%swap3A_63, %swap3A_64], %swap3A_67 {strides = array<i32>} : memref<128x128xf32, #tpu.memory_space<vmem>>, vector<1x16xf32>,
      %broadcast_in_dim3A_68 = arith.constant 0.000000e+00 : f32
      %broadcast_in_dim3A_69 = vector.broadcast %broadcast_in_dim3A_68 : f32 to vector<16xf32>
      %swap3A_70 = arith.index_cast %scan3A_55 : i32 to index
      %swap3A_71 = arith.constant 32 : index
      %swap3A_72 = tpu.vector_load %arg9[%swap3A_70, %swap3A_71] {strides = array<i32>} : memref<128x128xf32, #tpu.memory_space<vmem>>, vector<1x16xf32>,
      %swap3A_73 = vector.shape_cast %swap3A_72 : vector<1x16xf32> to vector<16xf32>
      %swap3A_74 = vector.shape_cast %broadcast_in_dim3A_69 : vector<16xf32> to vector<1x16xf32>
      tpu.vector_store %arg9[%swap3A_70, %swap3A_71], %swap3A_74 {strides = array<i32>} : memref<128x128xf32, #tpu.memory_space<vmem>>, vector<1x16xf32>,
      %broadcast_in_dim3A_75 = arith.constant 0.000000e+00 : f32
      %broadcast_in_dim3A_76 = vector.broadcast %broadcast_in_dim3A_75 : f32 to vector<16xf32>
      %swap3A_77 = arith.index_cast %scan3A_55 : i32 to index
      %swap3A_78 = arith.constant 48 : index
      %swap3A_79 = tpu.vector_load %arg9[%swap3A_77, %swap3A_78] {strides = array<i32>} : memref<128x128xf32, #tpu.memory_space<vmem>>, vector<1x16xf32>,
      %swap3A_80 = vector.shape_cast %swap3A_79 : vector<1x16xf32> to vector<16xf32>
      %swap3A_81 = vector.shape_cast %broadcast_in_dim3A_76 : vector<16xf32> to vector<1x16xf32>
      tpu.vector_store %arg9[%swap3A_77, %swap3A_78], %swap3A_81 {strides = array<i32>} : memref<128x128xf32, #tpu.memory_space<vmem>>, vector<1x16xf32>,
      %broadcast_in_dim3A_82 = arith.constant 0.000000e+00 : f32
      %broadcast_in_dim3A_83 = vector.broadcast %broadcast_in_dim3A_82 : f32 to vector<16xf32>
      %swap3A_84 = arith.index_cast %scan3A_55 : i32 to index
      %swap3A_85 = arith.constant 64 : index
      %swap3A_86 = tpu.vector_load %arg9[%swap3A_84, %swap3A_85] {strides = array<i32>} : memref<128x128xf32, #tpu.memory_space<vmem>>, vector<1x16xf32>,
      %swap3A_87 = vector.shape_cast %swap3A_86 : vector<1x16xf32> to vector<16xf32>
      %swap3A_88 = vector.shape_cast %broadcast_in_dim3A_83 : vector<16xf32> to vector<1x16xf32>
      tpu.vector_store %arg9[%swap3A_84, %swap3A_85], %swap3A_88 {strides = array<i32>} : memref<128x128xf32, #tpu.memory_space<vmem>>, vector<1x16xf32>,
      %broadcast_in_dim3A_89 = arith.constant 0.000000e+00 : f32
      %broadcast_in_dim3A_90 = vector.broadcast %broadcast_in_dim3A_89 : f32 to vector<16xf32>
      %swap3A_91 = arith.index_cast %scan3A_55 : i32 to index
      %swap3A_92 = arith.constant 80 : index
      %swap3A_93 = tpu.vector_load %arg9[%swap3A_91, %swap3A_92] {strides = array<i32>} : memref<128x128xf32, #tpu.memory_space<vmem>>, vector<1x16xf32>,
      %swap3A_94 = vector.shape_cast %swap3A_93 : vector<1x16xf32> to vector<16xf32>
      %swap3A_95 = vector.shape_cast %broadcast_in_dim3A_90 : vector<16xf32> to vector<1x16xf32>
      tpu.vector_store %arg9[%swap3A_91, %swap3A_92], %swap3A_95 {strides = array<i32>} : memref<128x128xf32, #tpu.memory_space<vmem>>, vector<1x16xf32>,
      %broadcast_in_dim3A_96 = arith.constant 0.000000e+00 : f32
      %broadcast_in_dim3A_97 = vector.broadcast %broadcast_in_dim3A_96 : f32 to vector<16xf32>
      %swap3A_98 = arith.index_cast %scan3A_55 : i32 to index
      %swap3A_99 = arith.constant 96 : index
      %swap3A_100 = tpu.vector_load %arg9[%swap3A_98, %swap3A_99] {strides = array<i32>} : memref<128x128xf32, #tpu.memory_space<vmem>>, vector<1x16xf32>,
      %swap3A_101 = vector.shape_cast %swap3A_100 : vector<1x16xf32> to vector<16xf32>
      %swap3A_102 = vector.shape_cast %broadcast_in_dim3A_97 : vector<16xf32> to vector<1x16xf32>
      tpu.vector_store %arg9[%swap3A_98, %swap3A_99], %swap3A_102 {strides = array<i32>} : memref<128x128xf32, #tpu.memory_space<vmem>>, vector<1x16xf32>,
      %broadcast_in_dim3A_103 = arith.constant 0.000000e+00 : f32
      %broadcast_in_dim3A_104 = vector.broadcast %broadcast_in_dim3A_103 : f32 to vector<16xf32>
      %swap3A_105 = arith.index_cast %scan3A_55 : i32 to index
      %swap3A_106 = arith.constant 112 : index
      %swap3A_107 = tpu.vector_load %arg9[%swap3A_105, %swap3A_106] {strides = array<i32>} : memref<128x128xf32, #tpu.memory_space<vmem>>, vector<1x16xf32>,
      %swap3A_108 = vector.shape_cast %swap3A_107 : vector<1x16xf32> to vector<16xf32>
      %swap3A_109 = vector.shape_cast %broadcast_in_dim3A_104 : vector<16xf32> to vector<1x16xf32>
      tpu.vector_store %arg9[%swap3A_105, %swap3A_106], %swap3A_109 {strides = array<i32>} : memref<128x128xf32, #tpu.memory_space<vmem>>, vector<1x16xf32>,
    }
    %scan3A_16 = arith.constant 128 : i32
    %scan3A_17 = arith.constant 0 : i32
    %scan3A_18 = arith.constant 0 : i32
    %scan3A_19 = arith.constant 5 : i32
    %scan3A_20 = arith.addi %scan3A_18, %scan3A_19 : i32
    %scan3A_21 = arith.constant 1 : i32
    scf.for %scan3A_55 = %scan3A_18 to %scan3A_20 step %scan3A_21  : i32 {
      %mul3A_56 = arith.constant 128 : i32
      %mul3A_57 = arith.muli %scan3A_55, %mul3A_56 : i32
      %add3A_58 = arith.addi %mul3A_0, %mul3A_57 : i32
      "tpu.region"() ({
        %run_scoped3A = tpu.sem_alloc : memref<!tpu.dma_semaphore, #tpu.memory_space<semaphore_mem>>
        %dma_start3A_59 = arith.constant 0 : i32
        %dma_start3A_60 = tpu.memref_slice %arg11[%add3A_58, %dma_start3A_59] : memref<10240x128xf32, #tpu.memory_space<vmem_shared>> -> memref<128x128xf32, #tpu.memory_space<vmem_shared>>
        %dma_start3A_61 = arith.constant 0 : i32
        %dma_start3A_62 = tpu.memref_slice %arg11[%add3A_58, %dma_start3A_61] : memref<10240x128xf32, #tpu.memory_space<vmem_shared>> -> memref<128x128xf32, #tpu.memory_space<vmem_shared>>
        tpu.enqueue_dma source(%arg9 : memref<128x128xf32, #tpu.memory_space<vmem>>) target(%dma_start3A_62 : memref<128x128xf32, #tpu.memory_space<vmem_shared>>) target_semaphore(%run_scoped3A : memref<!tpu.dma_semaphore, #tpu.memory_space<semaphore_mem>>)
        %dma_wait3A_63 = arith.constant 0 : i32
        %dma_wait3A_64 = tpu.memref_slice %arg11[%add3A_58, %dma_wait3A_63] : memref<10240x128xf32, #tpu.memory_space<vmem_shared>> -> memref<128x128xf32, #tpu.memory_space<vmem_shared>>
        %dma_wait3A_65 = arith.constant 0 : i32
        %dma_wait3A_66 = tpu.memref_slice %arg11[%add3A_58, %dma_wait3A_65] : memref<10240x128xf32, #tpu.memory_space<vmem_shared>> -> memref<128x128xf32, #tpu.memory_space<vmem_shared>>
        tpu.wait_dma2 semaphore(%run_scoped3A : memref<!tpu.dma_semaphore, #tpu.memory_space<semaphore_mem>>) src(%arg9 : memref<128x128xf32, #tpu.memory_space<vmem>>) dst(%dma_wait3A_66 : memref<128x128xf32, #tpu.memory_space<vmem_shared>>)
        tpu.yield
      }) : () -> ()
    }
    %scan3A_22 = arith.constant 5 : i32
    "tpu.region"() ({
      %run_scoped3A = tpu.sem_alloc : memref<!tpu.dma_semaphore, #tpu.memory_space<semaphore_mem>>
      %dma_start3A_55 = arith.constant 0 : i32
      %dma_start3A_56 = tpu.memref_slice %arg3[%select_n3A, %dma_start3A_55] : memref<2560x128xi32, #tpu.memory_space<hbm>> -> memref<80x128xi32, #tpu.memory_space<hbm>>
      %dma_start3A_57 = arith.constant 0 : i32
      %dma_start3A_58 = tpu.memref_slice %arg3[%select_n3A, %dma_start3A_57] : memref<2560x128xi32, #tpu.memory_space<hbm>> -> memref<80x128xi32, #tpu.memory_space<hbm>>
      tpu.enqueue_dma source(%dma_start3A_58 : memref<80x128xi32, #tpu.memory_space<hbm>>) target(%arg6 : memref<80x128xi32, #tpu.memory_space<vmem>>) target_semaphore(%run_scoped3A : memref<!tpu.dma_semaphore, #tpu.memory_space<semaphore_mem>>)
      %dma_wait3A_59 = arith.constant 0 : i32
      %dma_wait3A_60 = tpu.memref_slice %arg3[%select_n3A, %dma_wait3A_59] : memref<2560x128xi32, #tpu.memory_space<hbm>> -> memref<80x128xi32, #tpu.memory_space<hbm>>
      %dma_wait3A_61 = arith.constant 0 : i32
      %dma_wait3A_62 = tpu.memref_slice %arg3[%select_n3A, %dma_wait3A_61] : memref<2560x128xi32, #tpu.memory_space<hbm>> -> memref<80x128xi32, #tpu.memory_space<hbm>>
      tpu.wait_dma2 semaphore(%run_scoped3A : memref<!tpu.dma_semaphore, #tpu.memory_space<semaphore_mem>>) src(%dma_wait3A_62 : memref<80x128xi32, #tpu.memory_space<hbm>>) dst(%arg6 : memref<80x128xi32, #tpu.memory_space<vmem>>)
      tpu.yield
    }) : () -> ()
    %barrier3A = arith.constant 0 : index
    tpu.barrier barrier_id(%barrier3A)
    %add3A_23 = arith.constant 0 : i32
    %add3A_24 = arith.addi %select_n3A, %add3A_23 : i32
    %dma_start3A = arith.constant 0 : i32
    %dma_start3A_25 = tpu.memref_slice %arg4[%add3A_24, %dma_start3A] : memref<2560x128xi32, #tpu.memory_space<hbm>> -> memref<1x128xi32, #tpu.memory_space<hbm>>
    %dma_start3A_26 = tpu.memref_squeeze %dma_start3A_25 : memref<1x128xi32, #tpu.memory_space<hbm>> -> memref<128xi32, #tpu.memory_space<hbm>>
    %dma_start3A_27 = arith.constant 0 : i32
    %dma_start3A_28 = tpu.memref_slice %arg4[%add3A_24, %dma_start3A_27] : memref<2560x128xi32, #tpu.memory_space<hbm>> -> memref<1x128xi32, #tpu.memory_space<hbm>>
    %dma_start3A_29 = tpu.memref_squeeze %dma_start3A_28 : memref<1x128xi32, #tpu.memory_space<hbm>> -> memref<128xi32, #tpu.memory_space<hbm>>
    tpu.enqueue_dma source(%dma_start3A_29 : memref<128xi32, #tpu.memory_space<hbm>>) target(%arg7 : memref<128xi32, #tpu.memory_space<vmem>>) target_semaphore(%arg12 : memref<!tpu.dma_semaphore, #tpu.memory_space<semaphore_mem>>)
    %dma_start3A_30 = arith.constant 0 : i32
    %dma_start3A_31 = arith.constant 0 : i32
    %dma_start3A_32 = tpu.memref_slice %arg6[%dma_start3A_30, %dma_start3A_31] : memref<80x128xi32, #tpu.memory_space<vmem>> -> memref<1x128xi32, #tpu.memory_space<vmem>>
    %dma_start3A_33 = tpu.memref_squeeze %dma_start3A_32 : memref<1x128xi32, #tpu.memory_space<vmem>> -> memref<128xi32, #tpu.memory_space<vmem>>
    %dma_start3A_34 = arith.constant 0 : i32
    %dma_start3A_35 = arith.constant 0 : i32
    %dma_start3A_36 = tpu.memref_slice %arg2[%dma_start3A_34, %dma_start3A_35] : memref<20000x128xf32, #tpu.memory_space<hbm>> -> memref<20000x128xf32, #tpu.memory_space<hbm>>
    tpu.enqueue_indirect_dma source(%dma_start3A_36 : memref<20000x128xf32, #tpu.memory_space<hbm>>) target(%arg9 : memref<128x128xf32, #tpu.memory_space<vmem>>) offsets(%dma_start3A_33 : memref<128xi32, #tpu.memory_space<vmem>>) semaphore(%arg14 : memref<!tpu.dma_semaphore, #tpu.memory_space<semaphore_mem>>)
    %while3A = arith.constant 0 : i32
    %while3A_37 = arith.constant 0 : i32
    %while3A_38 = arith.subi %select_n3A_11, %while3A_37 : i32
    %while3A_39 = arith.addi %while3A_37, %while3A_38 : i32
    %while3A_40 = arith.constant 1 : i32
    %while3A_41 = arith.divsi %while3A_38, %while3A_40 : i32
    %while3A_42 = arith.muli %while3A_41, %while3A_40 : i32
    %while3A_43 = arith.addi %while3A_37, %while3A_42 : i32
    %while3A_44 = arith.constant 1 : i32
    scf.for %while3A_55 = %while3A_37 to %while3A_43 step %while3A_44  : i32 {
      %mul3A_56 = arith.constant 2 : i32
      %mul3A_57 = arith.muli %mul3A_56, %while3A_55 : i32
      %add3A_58 = arith.constant 1 : i32
      %add3A_59 = arith.addi %mul3A_57, %add3A_58 : i32
      %dma_wait3A_60 = arith.constant 0 : i32
      %dma_wait3A_61 = tpu.memref_slice %arg6[%mul3A_57, %dma_wait3A_60] : memref<80x128xi32, #tpu.memory_space<vmem>> -> memref<1x128xi32, #tpu.memory_space<vmem>>
      %dma_wait3A_62 = tpu.memref_squeeze %dma_wait3A_61 : memref<1x128xi32, #tpu.memory_space<vmem>> -> memref<128xi32, #tpu.memory_space<vmem>>
      %dma_wait3A_63 = arith.constant 0 : i32
      %dma_wait3A_64 = arith.constant 0 : i32
      %dma_wait3A_65 = tpu.memref_slice %arg2[%dma_wait3A_63, %dma_wait3A_64] : memref<20000x128xf32, #tpu.memory_space<hbm>> -> memref<20000x128xf32, #tpu.memory_space<hbm>>
      tpu.wait_indirect_dma semaphore(%arg14 : memref<!tpu.dma_semaphore, #tpu.memory_space<semaphore_mem>>) src(%dma_wait3A_65 : memref<20000x128xf32, #tpu.memory_space<hbm>>) dst(%arg9 : memref<128x128xf32, #tpu.memory_space<vmem>>)
      %gt3A = arith.constant 0 : i32
      %gt3A_66 = arith.cmpi sgt, %while3A_55, %gt3A : i32
      %convert_element_type3A = arith.extui %gt3A_66 : i1 to i32
      %cond3A = arith.constant 0 : i32
      %cond3A_67 = arith.cmpi ne, %convert_element_type3A, %cond3A : i32
      scf.if %cond3A_67 {
        %dma_wait3A_115 = arith.constant 0 : i32
        %dma_wait3A_116 = arith.constant 0 : i32
        %dma_wait3A_117 = tpu.memref_slice %arg11[%dma_wait3A_115, %dma_wait3A_116] : memref<10240x128xf32, #tpu.memory_space<vmem_shared>> -> memref<10240x128xf32, #tpu.memory_space<vmem_shared>>
        tpu.wait_indirect_dma semaphore(%arg17 : memref<!tpu.dma_semaphore, #tpu.memory_space<semaphore_mem>>) src(%arg10 : memref<128x128xf32, #tpu.memory_space<vmem>>) dst(%dma_wait3A_117 : memref<10240x128xf32, #tpu.memory_space<vmem_shared>>)
      } else {
      }
      %add3A_68 = arith.addi %select_n3A, %add3A_59 : i32
      %dma_start3A_69 = arith.constant 0 : i32
      %dma_start3A_70 = tpu.memref_slice %arg4[%add3A_68, %dma_start3A_69] : memref<2560x128xi32, #tpu.memory_space<hbm>> -> memref<1x128xi32, #tpu.memory_space<hbm>>
      %dma_start3A_71 = tpu.memref_squeeze %dma_start3A_70 : memref<1x128xi32, #tpu.memory_space<hbm>> -> memref<128xi32, #tpu.memory_space<hbm>>
      %dma_start3A_72 = arith.constant 0 : i32
      %dma_start3A_73 = tpu.memref_slice %arg4[%add3A_68, %dma_start3A_72] : memref<2560x128xi32, #tpu.memory_space<hbm>> -> memref<1x128xi32, #tpu.memory_space<hbm>>
      %dma_start3A_74 = tpu.memref_squeeze %dma_start3A_73 : memref<1x128xi32, #tpu.memory_space<hbm>> -> memref<128xi32, #tpu.memory_space<hbm>>
      tpu.enqueue_dma source(%dma_start3A_74 : memref<128xi32, #tpu.memory_space<hbm>>) target(%arg8 : memref<128xi32, #tpu.memory_space<vmem>>) target_semaphore(%arg13 : memref<!tpu.dma_semaphore, #tpu.memory_space<semaphore_mem>>)
      %dma_start3A_75 = arith.constant 0 : i32
      %dma_start3A_76 = tpu.memref_slice %arg6[%add3A_59, %dma_start3A_75] : memref<80x128xi32, #tpu.memory_space<vmem>> -> memref<1x128xi32, #tpu.memory_space<vmem>>
      %dma_start3A_77 = tpu.memref_squeeze %dma_start3A_76 : memref<1x128xi32, #tpu.memory_space<vmem>> -> memref<128xi32, #tpu.memory_space<vmem>>
      %dma_start3A_78 = arith.constant 0 : i32
      %dma_start3A_79 = arith.constant 0 : i32
      %dma_start3A_80 = tpu.memref_slice %arg2[%dma_start3A_78, %dma_start3A_79] : memref<20000x128xf32, #tpu.memory_space<hbm>> -> memref<20000x128xf32, #tpu.memory_space<hbm>>
      tpu.enqueue_indirect_dma source(%dma_start3A_80 : memref<20000x128xf32, #tpu.memory_space<hbm>>) target(%arg10 : memref<128x128xf32, #tpu.memory_space<vmem>>) offsets(%dma_start3A_77 : memref<128xi32, #tpu.memory_space<vmem>>) semaphore(%arg15 : memref<!tpu.dma_semaphore, #tpu.memory_space<semaphore_mem>>)
      %add3A_81 = arith.addi %select_n3A, %mul3A_57 : i32
      %dma_wait3A_82 = arith.constant 0 : i32
      %dma_wait3A_83 = tpu.memref_slice %arg4[%add3A_81, %dma_wait3A_82] : memref<2560x128xi32, #tpu.memory_space<hbm>> -> memref<1x128xi32, #tpu.memory_space<hbm>>
      %dma_wait3A_84 = tpu.memref_squeeze %dma_wait3A_83 : memref<1x128xi32, #tpu.memory_space<hbm>> -> memref<128xi32, #tpu.memory_space<hbm>>
      %dma_wait3A_85 = arith.constant 0 : i32
      %dma_wait3A_86 = tpu.memref_slice %arg4[%add3A_81, %dma_wait3A_85] : memref<2560x128xi32, #tpu.memory_space<hbm>> -> memref<1x128xi32, #tpu.memory_space<hbm>>
      %dma_wait3A_87 = tpu.memref_squeeze %dma_wait3A_86 : memref<1x128xi32, #tpu.memory_space<hbm>> -> memref<128xi32, #tpu.memory_space<hbm>>
      tpu.wait_dma2 semaphore(%arg12 : memref<!tpu.dma_semaphore, #tpu.memory_space<semaphore_mem>>) src(%dma_wait3A_87 : memref<128xi32, #tpu.memory_space<hbm>>) dst(%arg7 : memref<128xi32, #tpu.memory_space<vmem>>)
      %dma_start3A_88 = arith.constant 0 : i32
      %dma_start3A_89 = arith.constant 0 : i32
      %dma_start3A_90 = tpu.memref_slice %arg11[%dma_start3A_88, %dma_start3A_89] : memref<10240x128xf32, #tpu.memory_space<vmem_shared>> -> memref<10240x128xf32, #tpu.memory_space<vmem_shared>>
      tpu.enqueue_indirect_dma source(%arg9 : memref<128x128xf32, #tpu.memory_space<vmem>>) target(%dma_start3A_90 : memref<10240x128xf32, #tpu.memory_space<vmem_shared>>) offsets(%arg7 : memref<128xi32, #tpu.memory_space<vmem>>) semaphore(%arg16 : memref<!tpu.dma_semaphore, #tpu.memory_space<semaphore_mem>>) {add = true}
      %dma_wait3A_91 = arith.constant 0 : i32
      %dma_wait3A_92 = tpu.memref_slice %arg6[%add3A_59, %dma_wait3A_91] : memref<80x128xi32, #tpu.memory_space<vmem>> -> memref<1x128xi32, #tpu.memory_space<vmem>>
      %dma_wait3A_93 = tpu.memref_squeeze %dma_wait3A_92 : memref<1x128xi32, #tpu.memory_space<vmem>> -> memref<128xi32, #tpu.memory_space<vmem>>
      %dma_wait3A_94 = arith.constant 0 : i32
      %dma_wait3A_95 = arith.constant 0 : i32
      %dma_wait3A_96 = tpu.memref_slice %arg2[%dma_wait3A_94, %dma_wait3A_95] : memref<20000x128xf32, #tpu.memory_space<hbm>> -> memref<20000x128xf32, #tpu.memory_space<hbm>>
      tpu.wait_indirect_dma semaphore(%arg15 : memref<!tpu.dma_semaphore, #tpu.memory_space<semaphore_mem>>) src(%dma_wait3A_96 : memref<20000x128xf32, #tpu.memory_space<hbm>>) dst(%arg10 : memref<128x128xf32, #tpu.memory_space<vmem>>)
      %dma_wait3A_97 = arith.constant 0 : i32
      %dma_wait3A_98 = arith.constant 0 : i32
      %dma_wait3A_99 = tpu.memref_slice %arg11[%dma_wait3A_97, %dma_wait3A_98] : memref<10240x128xf32, #tpu.memory_space<vmem_shared>> -> memref<10240x128xf32, #tpu.memory_space<vmem_shared>>
      tpu.wait_indirect_dma semaphore(%arg16 : memref<!tpu.dma_semaphore, #tpu.memory_space<semaphore_mem>>) src(%arg9 : memref<128x128xf32, #tpu.memory_space<vmem>>) dst(%dma_wait3A_99 : memref<10240x128xf32, #tpu.memory_space<vmem_shared>>)
      %add3A_100 = arith.constant 1 : i32
      %add3A_101 = arith.addi %while3A_55, %add3A_100 : i32
      %lt3A = arith.cmpi slt, %add3A_101, %select_n3A_11 : i32
      %convert_element_type3A_102 = arith.extui %lt3A : i1 to i32
      %cond3A_103 = arith.constant 0 : i32
      %cond3A_104 = arith.cmpi ne, %convert_element_type3A_102, %cond3A_103 : i32
      scf.if %cond3A_104 {
        %add3A_115 = arith.constant 2 : i32
        %add3A_116 = arith.addi %mul3A_57, %add3A_115 : i32
        %add3A_117 = arith.addi %select_n3A, %add3A_116 : i32
        %dma_start3A_118 = arith.constant 0 : i32
        %dma_start3A_119 = tpu.memref_slice %arg4[%add3A_117, %dma_start3A_118] : memref<2560x128xi32, #tpu.memory_space<hbm>> -> memref<1x128xi32, #tpu.memory_space<hbm>>
        %dma_start3A_120 = tpu.memref_squeeze %dma_start3A_119 : memref<1x128xi32, #tpu.memory_space<hbm>> -> memref<128xi32, #tpu.memory_space<hbm>>
        %dma_start3A_121 = arith.constant 0 : i32
        %dma_start3A_122 = tpu.memref_slice %arg4[%add3A_117, %dma_start3A_121] : memref<2560x128xi32, #tpu.memory_space<hbm>> -> memref<1x128xi32, #tpu.memory_space<hbm>>
        %dma_start3A_123 = tpu.memref_squeeze %dma_start3A_122 : memref<1x128xi32, #tpu.memory_space<hbm>> -> memref<128xi32, #tpu.memory_space<hbm>>
        tpu.enqueue_dma source(%dma_start3A_123 : memref<128xi32, #tpu.memory_space<hbm>>) target(%arg7 : memref<128xi32, #tpu.memory_space<vmem>>) target_semaphore(%arg12 : memref<!tpu.dma_semaphore, #tpu.memory_space<semaphore_mem>>)
        %add3A_124 = arith.constant 2 : i32
        %add3A_125 = arith.addi %mul3A_57, %add3A_124 : i32
        %dma_start3A_126 = arith.constant 0 : i32
        %dma_start3A_127 = tpu.memref_slice %arg6[%add3A_125, %dma_start3A_126] : memref<80x128xi32, #tpu.memory_space<vmem>> -> memref<1x128xi32, #tpu.memory_space<vmem>>
        %dma_start3A_128 = tpu.memref_squeeze %dma_start3A_127 : memref<1x128xi32, #tpu.memory_space<vmem>> -> memref<128xi32, #tpu.memory_space<vmem>>
        %dma_start3A_129 = arith.constant 0 : i32
        %dma_start3A_130 = arith.constant 0 : i32
        %dma_start3A_131 = tpu.memref_slice %arg2[%dma_start3A_129, %dma_start3A_130] : memref<20000x128xf32, #tpu.memory_space<hbm>> -> memref<20000x128xf32, #tpu.memory_space<hbm>>
        tpu.enqueue_indirect_dma source(%dma_start3A_131 : memref<20000x128xf32, #tpu.memory_space<hbm>>) target(%arg9 : memref<128x128xf32, #tpu.memory_space<vmem>>) offsets(%dma_start3A_128 : memref<128xi32, #tpu.memory_space<vmem>>) semaphore(%arg14 : memref<!tpu.dma_semaphore, #tpu.memory_space<semaphore_mem>>)
      } else {
      }
      %add3A_105 = arith.addi %select_n3A, %add3A_59 : i32
      %dma_wait3A_106 = arith.constant 0 : i32
      %dma_wait3A_107 = tpu.memref_slice %arg4[%add3A_105, %dma_wait3A_106] : memref<2560x128xi32, #tpu.memory_space<hbm>> -> memref<1x128xi32, #tpu.memory_space<hbm>>
      %dma_wait3A_108 = tpu.memref_squeeze %dma_wait3A_107 : memref<1x128xi32, #tpu.memory_space<hbm>> -> memref<128xi32, #tpu.memory_space<hbm>>
      %dma_wait3A_109 = arith.constant 0 : i32
      %dma_wait3A_110 = tpu.memref_slice %arg4[%add3A_105, %dma_wait3A_109] : memref<2560x128xi32, #tpu.memory_space<hbm>> -> memref<1x128xi32, #tpu.memory_space<hbm>>
      %dma_wait3A_111 = tpu.memref_squeeze %dma_wait3A_110 : memref<1x128xi32, #tpu.memory_space<hbm>> -> memref<128xi32, #tpu.memory_space<hbm>>
      tpu.wait_dma2 semaphore(%arg13 : memref<!tpu.dma_semaphore, #tpu.memory_space<semaphore_mem>>) src(%dma_wait3A_111 : memref<128xi32, #tpu.memory_space<hbm>>) dst(%arg8 : memref<128xi32, #tpu.memory_space<vmem>>)
      %dma_start3A_112 = arith.constant 0 : i32
      %dma_start3A_113 = arith.constant 0 : i32
      %dma_start3A_114 = tpu.memref_slice %arg11[%dma_start3A_112, %dma_start3A_113] : memref<10240x128xf32, #tpu.memory_space<vmem_shared>> -> memref<10240x128xf32, #tpu.memory_space<vmem_shared>>
      tpu.enqueue_indirect_dma source(%arg10 : memref<128x128xf32, #tpu.memory_space<vmem>>) target(%dma_start3A_114 : memref<10240x128xf32, #tpu.memory_space<vmem_shared>>) offsets(%arg8 : memref<128xi32, #tpu.memory_space<vmem>>) semaphore(%arg17 : memref<!tpu.dma_semaphore, #tpu.memory_space<semaphore_mem>>) {add = true}
    }
    %while3A_45 = arith.constant 1 : i32
    scf.for %while3A_55 = %while3A_43 to %while3A_39 step %while3A_45  : i32 {
      %mul3A_56 = arith.constant 2 : i32
      %mul3A_57 = arith.muli %mul3A_56, %while3A_55 : i32
      %add3A_58 = arith.constant 1 : i32
      %add3A_59 = arith.addi %mul3A_57, %add3A_58 : i32
      %dma_wait3A_60 = arith.constant 0 : i32
      %dma_wait3A_61 = tpu.memref_slice %arg6[%mul3A_57, %dma_wait3A_60] : memref<80x128xi32, #tpu.memory_space<vmem>> -> memref<1x128xi32, #tpu.memory_space<vmem>>
      %dma_wait3A_62 = tpu.memref_squeeze %dma_wait3A_61 : memref<1x128xi32, #tpu.memory_space<vmem>> -> memref<128xi32, #tpu.memory_space<vmem>>
      %dma_wait3A_63 = arith.constant 0 : i32
      %dma_wait3A_64 = arith.constant 0 : i32
      %dma_wait3A_65 = tpu.memref_slice %arg2[%dma_wait3A_63, %dma_wait3A_64] : memref<20000x128xf32, #tpu.memory_space<hbm>> -> memref<20000x128xf32, #tpu.memory_space<hbm>>
      tpu.wait_indirect_dma semaphore(%arg14 : memref<!tpu.dma_semaphore, #tpu.memory_space<semaphore_mem>>) src(%dma_wait3A_65 : memref<20000x128xf32, #tpu.memory_space<hbm>>) dst(%arg9 : memref<128x128xf32, #tpu.memory_space<vmem>>)
      %gt3A = arith.constant 0 : i32
      %gt3A_66 = arith.cmpi sgt, %while3A_55, %gt3A : i32
      %convert_element_type3A = arith.extui %gt3A_66 : i1 to i32
      %cond3A = arith.constant 0 : i32
      %cond3A_67 = arith.cmpi ne, %convert_element_type3A, %cond3A : i32
      scf.if %cond3A_67 {
        %dma_wait3A_115 = arith.constant 0 : i32
        %dma_wait3A_116 = arith.constant 0 : i32
        %dma_wait3A_117 = tpu.memref_slice %arg11[%dma_wait3A_115, %dma_wait3A_116] : memref<10240x128xf32, #tpu.memory_space<vmem_shared>> -> memref<10240x128xf32, #tpu.memory_space<vmem_shared>>
        tpu.wait_indirect_dma semaphore(%arg17 : memref<!tpu.dma_semaphore, #tpu.memory_space<semaphore_mem>>) src(%arg10 : memref<128x128xf32, #tpu.memory_space<vmem>>) dst(%dma_wait3A_117 : memref<10240x128xf32, #tpu.memory_space<vmem_shared>>)
      } else {
      }
      %add3A_68 = arith.addi %select_n3A, %add3A_59 : i32
      %dma_start3A_69 = arith.constant 0 : i32
      %dma_start3A_70 = tpu.memref_slice %arg4[%add3A_68, %dma_start3A_69] : memref<2560x128xi32, #tpu.memory_space<hbm>> -> memref<1x128xi32, #tpu.memory_space<hbm>>
      %dma_start3A_71 = tpu.memref_squeeze %dma_start3A_70 : memref<1x128xi32, #tpu.memory_space<hbm>> -> memref<128xi32, #tpu.memory_space<hbm>>
      %dma_start3A_72 = arith.constant 0 : i32
      %dma_start3A_73 = tpu.memref_slice %arg4[%add3A_68, %dma_start3A_72] : memref<2560x128xi32, #tpu.memory_space<hbm>> -> memref<1x128xi32, #tpu.memory_space<hbm>>
      %dma_start3A_74 = tpu.memref_squeeze %dma_start3A_73 : memref<1x128xi32, #tpu.memory_space<hbm>> -> memref<128xi32, #tpu.memory_space<hbm>>
      tpu.enqueue_dma source(%dma_start3A_74 : memref<128xi32, #tpu.memory_space<hbm>>) target(%arg8 : memref<128xi32, #tpu.memory_space<vmem>>) target_semaphore(%arg13 : memref<!tpu.dma_semaphore, #tpu.memory_space<semaphore_mem>>)
      %dma_start3A_75 = arith.constant 0 : i32
      %dma_start3A_76 = tpu.memref_slice %arg6[%add3A_59, %dma_start3A_75] : memref<80x128xi32, #tpu.memory_space<vmem>> -> memref<1x128xi32, #tpu.memory_space<vmem>>
      %dma_start3A_77 = tpu.memref_squeeze %dma_start3A_76 : memref<1x128xi32, #tpu.memory_space<vmem>> -> memref<128xi32, #tpu.memory_space<vmem>>
      %dma_start3A_78 = arith.constant 0 : i32
      %dma_start3A_79 = arith.constant 0 : i32
      %dma_start3A_80 = tpu.memref_slice %arg2[%dma_start3A_78, %dma_start3A_79] : memref<20000x128xf32, #tpu.memory_space<hbm>> -> memref<20000x128xf32, #tpu.memory_space<hbm>>
      tpu.enqueue_indirect_dma source(%dma_start3A_80 : memref<20000x128xf32, #tpu.memory_space<hbm>>) target(%arg10 : memref<128x128xf32, #tpu.memory_space<vmem>>) offsets(%dma_start3A_77 : memref<128xi32, #tpu.memory_space<vmem>>) semaphore(%arg15 : memref<!tpu.dma_semaphore, #tpu.memory_space<semaphore_mem>>)
      %add3A_81 = arith.addi %select_n3A, %mul3A_57 : i32
      %dma_wait3A_82 = arith.constant 0 : i32
      %dma_wait3A_83 = tpu.memref_slice %arg4[%add3A_81, %dma_wait3A_82] : memref<2560x128xi32, #tpu.memory_space<hbm>> -> memref<1x128xi32, #tpu.memory_space<hbm>>
      %dma_wait3A_84 = tpu.memref_squeeze %dma_wait3A_83 : memref<1x128xi32, #tpu.memory_space<hbm>> -> memref<128xi32, #tpu.memory_space<hbm>>
      %dma_wait3A_85 = arith.constant 0 : i32
      %dma_wait3A_86 = tpu.memref_slice %arg4[%add3A_81, %dma_wait3A_85] : memref<2560x128xi32, #tpu.memory_space<hbm>> -> memref<1x128xi32, #tpu.memory_space<hbm>>
      %dma_wait3A_87 = tpu.memref_squeeze %dma_wait3A_86 : memref<1x128xi32, #tpu.memory_space<hbm>> -> memref<128xi32, #tpu.memory_space<hbm>>
      tpu.wait_dma2 semaphore(%arg12 : memref<!tpu.dma_semaphore, #tpu.memory_space<semaphore_mem>>) src(%dma_wait3A_87 : memref<128xi32, #tpu.memory_space<hbm>>) dst(%arg7 : memref<128xi32, #tpu.memory_space<vmem>>)
      %dma_start3A_88 = arith.constant 0 : i32
      %dma_start3A_89 = arith.constant 0 : i32
      %dma_start3A_90 = tpu.memref_slice %arg11[%dma_start3A_88, %dma_start3A_89] : memref<10240x128xf32, #tpu.memory_space<vmem_shared>> -> memref<10240x128xf32, #tpu.memory_space<vmem_shared>>
      tpu.enqueue_indirect_dma source(%arg9 : memref<128x128xf32, #tpu.memory_space<vmem>>) target(%dma_start3A_90 : memref<10240x128xf32, #tpu.memory_space<vmem_shared>>) offsets(%arg7 : memref<128xi32, #tpu.memory_space<vmem>>) semaphore(%arg16 : memref<!tpu.dma_semaphore, #tpu.memory_space<semaphore_mem>>) {add = true}
      %dma_wait3A_91 = arith.constant 0 : i32
      %dma_wait3A_92 = tpu.memref_slice %arg6[%add3A_59, %dma_wait3A_91] : memref<80x128xi32, #tpu.memory_space<vmem>> -> memref<1x128xi32, #tpu.memory_space<vmem>>
      %dma_wait3A_93 = tpu.memref_squeeze %dma_wait3A_92 : memref<1x128xi32, #tpu.memory_space<vmem>> -> memref<128xi32, #tpu.memory_space<vmem>>
      %dma_wait3A_94 = arith.constant 0 : i32
      %dma_wait3A_95 = arith.constant 0 : i32
      %dma_wait3A_96 = tpu.memref_slice %arg2[%dma_wait3A_94, %dma_wait3A_95] : memref<20000x128xf32, #tpu.memory_space<hbm>> -> memref<20000x128xf32, #tpu.memory_space<hbm>>
      tpu.wait_indirect_dma semaphore(%arg15 : memref<!tpu.dma_semaphore, #tpu.memory_space<semaphore_mem>>) src(%dma_wait3A_96 : memref<20000x128xf32, #tpu.memory_space<hbm>>) dst(%arg10 : memref<128x128xf32, #tpu.memory_space<vmem>>)
      %dma_wait3A_97 = arith.constant 0 : i32
      %dma_wait3A_98 = arith.constant 0 : i32
      %dma_wait3A_99 = tpu.memref_slice %arg11[%dma_wait3A_97, %dma_wait3A_98] : memref<10240x128xf32, #tpu.memory_space<vmem_shared>> -> memref<10240x128xf32, #tpu.memory_space<vmem_shared>>
      tpu.wait_indirect_dma semaphore(%arg16 : memref<!tpu.dma_semaphore, #tpu.memory_space<semaphore_mem>>) src(%arg9 : memref<128x128xf32, #tpu.memory_space<vmem>>) dst(%dma_wait3A_99 : memref<10240x128xf32, #tpu.memory_space<vmem_shared>>)
      %add3A_100 = arith.constant 1 : i32
      %add3A_101 = arith.addi %while3A_55, %add3A_100 : i32
      %lt3A = arith.cmpi slt, %add3A_101, %select_n3A_11 : i32
      %convert_element_type3A_102 = arith.extui %lt3A : i1 to i32
      %cond3A_103 = arith.constant 0 : i32
      %cond3A_104 = arith.cmpi ne, %convert_element_type3A_102, %cond3A_103 : i32
      scf.if %cond3A_104 {
        %add3A_115 = arith.constant 2 : i32
        %add3A_116 = arith.addi %mul3A_57, %add3A_115 : i32
        %add3A_117 = arith.addi %select_n3A, %add3A_116 : i32
        %dma_start3A_118 = arith.constant 0 : i32
        %dma_start3A_119 = tpu.memref_slice %arg4[%add3A_117, %dma_start3A_118] : memref<2560x128xi32, #tpu.memory_space<hbm>> -> memref<1x128xi32, #tpu.memory_space<hbm>>
        %dma_start3A_120 = tpu.memref_squeeze %dma_start3A_119 : memref<1x128xi32, #tpu.memory_space<hbm>> -> memref<128xi32, #tpu.memory_space<hbm>>
        %dma_start3A_121 = arith.constant 0 : i32
        %dma_start3A_122 = tpu.memref_slice %arg4[%add3A_117, %dma_start3A_121] : memref<2560x128xi32, #tpu.memory_space<hbm>> -> memref<1x128xi32, #tpu.memory_space<hbm>>
        %dma_start3A_123 = tpu.memref_squeeze %dma_start3A_122 : memref<1x128xi32, #tpu.memory_space<hbm>> -> memref<128xi32, #tpu.memory_space<hbm>>
        tpu.enqueue_dma source(%dma_start3A_123 : memref<128xi32, #tpu.memory_space<hbm>>) target(%arg7 : memref<128xi32, #tpu.memory_space<vmem>>) target_semaphore(%arg12 : memref<!tpu.dma_semaphore, #tpu.memory_space<semaphore_mem>>)
        %add3A_124 = arith.constant 2 : i32
        %add3A_125 = arith.addi %mul3A_57, %add3A_124 : i32
        %dma_start3A_126 = arith.constant 0 : i32
        %dma_start3A_127 = tpu.memref_slice %arg6[%add3A_125, %dma_start3A_126] : memref<80x128xi32, #tpu.memory_space<vmem>> -> memref<1x128xi32, #tpu.memory_space<vmem>>
        %dma_start3A_128 = tpu.memref_squeeze %dma_start3A_127 : memref<1x128xi32, #tpu.memory_space<vmem>> -> memref<128xi32, #tpu.memory_space<vmem>>
        %dma_start3A_129 = arith.constant 0 : i32
        %dma_start3A_130 = arith.constant 0 : i32
        %dma_start3A_131 = tpu.memref_slice %arg2[%dma_start3A_129, %dma_start3A_130] : memref<20000x128xf32, #tpu.memory_space<hbm>> -> memref<20000x128xf32, #tpu.memory_space<hbm>>
        tpu.enqueue_indirect_dma source(%dma_start3A_131 : memref<20000x128xf32, #tpu.memory_space<hbm>>) target(%arg9 : memref<128x128xf32, #tpu.memory_space<vmem>>) offsets(%dma_start3A_128 : memref<128xi32, #tpu.memory_space<vmem>>) semaphore(%arg14 : memref<!tpu.dma_semaphore, #tpu.memory_space<semaphore_mem>>)
      } else {
      }
      %add3A_105 = arith.addi %select_n3A, %add3A_59 : i32
      %dma_wait3A_106 = arith.constant 0 : i32
      %dma_wait3A_107 = tpu.memref_slice %arg4[%add3A_105, %dma_wait3A_106] : memref<2560x128xi32, #tpu.memory_space<hbm>> -> memref<1x128xi32, #tpu.memory_space<hbm>>
      %dma_wait3A_108 = tpu.memref_squeeze %dma_wait3A_107 : memref<1x128xi32, #tpu.memory_space<hbm>> -> memref<128xi32, #tpu.memory_space<hbm>>
      %dma_wait3A_109 = arith.constant 0 : i32
      %dma_wait3A_110 = tpu.memref_slice %arg4[%add3A_105, %dma_wait3A_109] : memref<2560x128xi32, #tpu.memory_space<hbm>> -> memref<1x128xi32, #tpu.memory_space<hbm>>
      %dma_wait3A_111 = tpu.memref_squeeze %dma_wait3A_110 : memref<1x128xi32, #tpu.memory_space<hbm>> -> memref<128xi32, #tpu.memory_space<hbm>>
      tpu.wait_dma2 semaphore(%arg13 : memref<!tpu.dma_semaphore, #tpu.memory_space<semaphore_mem>>) src(%dma_wait3A_111 : memref<128xi32, #tpu.memory_space<hbm>>) dst(%arg8 : memref<128xi32, #tpu.memory_space<vmem>>)
      %dma_start3A_112 = arith.constant 0 : i32
      %dma_start3A_113 = arith.constant 0 : i32
      %dma_start3A_114 = tpu.memref_slice %arg11[%dma_start3A_112, %dma_start3A_113] : memref<10240x128xf32, #tpu.memory_space<vmem_shared>> -> memref<10240x128xf32, #tpu.memory_space<vmem_shared>>
      tpu.enqueue_indirect_dma source(%arg10 : memref<128x128xf32, #tpu.memory_space<vmem>>) target(%dma_start3A_114 : memref<10240x128xf32, #tpu.memory_space<vmem_shared>>) offsets(%arg8 : memref<128xi32, #tpu.memory_space<vmem>>) semaphore(%arg17 : memref<!tpu.dma_semaphore, #tpu.memory_space<semaphore_mem>>) {add = true}
    }
    %dma_wait3A = arith.constant 0 : i32
    %dma_wait3A_46 = arith.constant 0 : i32
    %dma_wait3A_47 = tpu.memref_slice %arg11[%dma_wait3A, %dma_wait3A_46] : memref<10240x128xf32, #tpu.memory_space<vmem_shared>> -> memref<10240x128xf32, #tpu.memory_space<vmem_shared>>
    tpu.wait_indirect_dma semaphore(%arg17 : memref<!tpu.dma_semaphore, #tpu.memory_space<semaphore_mem>>) src(%arg10 : memref<128x128xf32, #tpu.memory_space<vmem>>) dst(%dma_wait3A_47 : memref<10240x128xf32, #tpu.memory_space<vmem_shared>>)
    %barrier3A_48 = arith.constant 0 : index
    tpu.barrier barrier_id(%barrier3A_48)
    %scan3A_49 = arith.constant 0 : i32
    %scan3A_50 = arith.constant 0 : i32
    %scan3A_51 = arith.constant 5 : i32
    %scan3A_52 = arith.addi %scan3A_50, %scan3A_51 : i32
    %scan3A_53 = arith.constant 1 : i32
    scf.for %scan3A_55 = %scan3A_50 to %scan3A_52 step %scan3A_53  : i32 {
      %mul3A_56 = arith.constant 128 : i32
      %mul3A_57 = arith.muli %scan3A_55, %mul3A_56 : i32
      %add3A_58 = arith.addi %mul3A_0, %mul3A_57 : i32
      %mul3A_59 = arith.constant 10240 : i32
      %mul3A_60 = arith.muli %arg0, %mul3A_59 : i32
      %add3A_61 = arith.addi %mul3A_60, %mul3A_0 : i32
      %mul3A_62 = arith.constant 128 : i32
      %mul3A_63 = arith.muli %scan3A_55, %mul3A_62 : i32
      %add3A_64 = arith.addi %add3A_61, %mul3A_63 : i32
      "tpu.region"() ({
        %run_scoped3A = tpu.sem_alloc : memref<!tpu.dma_semaphore, #tpu.memory_space<semaphore_mem>>
        %dma_start3A_65 = arith.constant 0 : i32
        %dma_start3A_66 = tpu.memref_slice %arg5[%add3A_64, %dma_start3A_65] : memref<20480x128xf32, #tpu.memory_space<hbm>> -> memref<128x128xf32, #tpu.memory_space<hbm>>
        %dma_start3A_67 = arith.constant 0 : i32
        %dma_start3A_68 = tpu.memref_slice %arg11[%add3A_58, %dma_start3A_67] : memref<10240x128xf32, #tpu.memory_space<vmem_shared>> -> memref<128x128xf32, #tpu.memory_space<vmem_shared>>
        tpu.enqueue_dma source(%dma_start3A_68 : memref<128x128xf32, #tpu.memory_space<vmem_shared>>) target(%dma_start3A_66 : memref<128x128xf32, #tpu.memory_space<hbm>>) target_semaphore(%run_scoped3A : memref<!tpu.dma_semaphore, #tpu.memory_space<semaphore_mem>>)
        %dma_wait3A_69 = arith.constant 0 : i32
        %dma_wait3A_70 = tpu.memref_slice %arg5[%add3A_64, %dma_wait3A_69] : memref<20480x128xf32, #tpu.memory_space<hbm>> -> memref<128x128xf32, #tpu.memory_space<hbm>>
        %dma_wait3A_71 = arith.constant 0 : i32
        %dma_wait3A_72 = tpu.memref_slice %arg11[%add3A_58, %dma_wait3A_71] : memref<10240x128xf32, #tpu.memory_space<vmem_shared>> -> memref<128x128xf32, #tpu.memory_space<vmem_shared>>
        tpu.wait_dma2 semaphore(%run_scoped3A : memref<!tpu.dma_semaphore, #tpu.memory_space<semaphore_mem>>) src(%dma_wait3A_72 : memref<128x128xf32, #tpu.memory_space<vmem_shared>>) dst(%dma_wait3A_70 : memref<128x128xf32, #tpu.memory_space<hbm>>)
        tpu.yield
      }) : () -> ()
    }
    %scan3A_54 = arith.constant 5 : i32
    return
  }
}

module attributes {stable_mosaic.version = 14 : i64} {
  func.func @body(%arg0: memref<10000x128xf32, #tpu.memory_space<vmem>>, %arg1: memref<128x128xf32, #tpu.memory_space<vmem>>, %arg2: memref<10000x128xf32, #tpu.memory_space<vmem>>) attributes {dimension_semantics = [], scalar_prefetch = 0 : i64, scratch_operands = 0 : i64, tpu.core_type = #tpu.core_type<tc>} {
    %get3A = arith.constant 0 : index
    %get3A_0 = arith.constant 0 : index
    %get3A_1 = vector.load %arg0[%get3A, %get3A_0] : memref<10000x128xf32, #tpu.memory_space<vmem>>, vector<10000x128xf32>
    %get3A_2 = arith.constant 0 : index
    %get3A_3 = arith.constant 0 : index
    %get3A_4 = vector.load %arg1[%get3A_2, %get3A_3] : memref<128x128xf32, #tpu.memory_space<vmem>>, vector<128x128xf32>
    %dot_general3A = arith.constant dense<0.000000e+00> : vector<10000x128xf32>
    %dot_general3A_5 = tpu.matmul %get3A_1, %get3A_4, %dot_general3A {dimension_numbers = #tpu.dot_dimension_numbers<[1], [0], [0], [1], [0, 0, 1, 1], [], []>, transpose_lhs_hint = false} : vector<10000x128xf32>, vector<128x128xf32>, vector<10000x128xf32> -> vector<10000x128xf32>
    %swap3A = arith.constant 0 : index
    %swap3A_6 = arith.constant 0 : index
    %swap3A_7 = vector.load %arg2[%swap3A, %swap3A_6] : memref<10000x128xf32, #tpu.memory_space<vmem>>, vector<10000x128xf32>
    tpu.vector_store %arg2[%swap3A, %swap3A_6], %dot_general3A_5 {strides = array<i32>} : memref<10000x128xf32, #tpu.memory_space<vmem>>, vector<10000x128xf32>,
    return
  }
}

module attributes {stable_mosaic.version = 14 : i64} {
  func.func @body(%arg0: memref<2x10240xf32, #tpu.memory_space<vmem>>, %arg1: memref<10000x128xf32, #tpu.memory_space<vmem>>, %arg2: memref<10240x1xf32, #tpu.memory_space<vmem>>, %arg3: memref<2x10000x128xf32, #tpu.memory_space<vmem>>) attributes {dimension_semantics = [], scalar_prefetch = 0 : i64, scratch_operands = 0 : i64, tpu.core_type = #tpu.core_type<tc>} {
    %get3A = arith.constant 0 : index
    %get3A_0 = arith.constant 0 : index
    %get3A_1 = vector.load %arg0[%get3A, %get3A_0] : memref<2x10240xf32, #tpu.memory_space<vmem>>, vector<1x10240xf32>
    %get3A_2 = vector.shape_cast %get3A_1 : vector<1x10240xf32> to vector<10240xf32>
    %get3A_3 = arith.constant 1 : index
    %get3A_4 = arith.constant 0 : index
    %get3A_5 = vector.load %arg0[%get3A_3, %get3A_4] : memref<2x10240xf32, #tpu.memory_space<vmem>>, vector<1x10240xf32>
    %get3A_6 = vector.shape_cast %get3A_5 : vector<1x10240xf32> to vector<10240xf32>
    %add3A = arith.addf %get3A_2, %get3A_6 : vector<10240xf32>
    %add3A_7 = arith.constant 1.000000e+00 : f32
    %add3A_8 = vector.broadcast %add3A_7 : f32 to vector<10240xf32>
    %add3A_9 = arith.addf %add3A, %add3A_8 : vector<10240xf32>
    %rsqrt3A = math.rsqrt %add3A_9 : vector<10240xf32>
    %broadcast_in_dim3A = vector.shape_cast %rsqrt3A : vector<10240xf32> to vector<10240x1xf32>
    %swap3A = arith.constant 0 : index
    %swap3A_10 = arith.constant 0 : index
    %swap3A_11 = vector.load %arg2[%swap3A, %swap3A_10] : memref<10240x1xf32, #tpu.memory_space<vmem>>, vector<10240x1xf32>
    tpu.vector_store %arg2[%swap3A, %swap3A_10], %broadcast_in_dim3A {strides = array<i32>} : memref<10240x1xf32, #tpu.memory_space<vmem>>, vector<10240x1xf32>,
    %get3A_12 = arith.constant 0 : index
    %get3A_13 = arith.constant 0 : index
    %get3A_14 = vector.load %arg1[%get3A_12, %get3A_13] : memref<10000x128xf32, #tpu.memory_space<vmem>>, vector<10000x128xf32>
    %slice3A = vector.extract_strided_slice %rsqrt3A {offsets = [0], sizes = [10000], strides = [1]} : vector<10240xf32> to vector<10000xf32>
    %broadcast_in_dim3A_15 = vector.shape_cast %slice3A : vector<10000xf32> to vector<10000x1xf32>
    %mul3A = vector.broadcast %broadcast_in_dim3A_15 : vector<10000x1xf32> to vector<10000x128xf32>
    %mul3A_16 = arith.mulf %get3A_14, %mul3A : vector<10000x128xf32>
    %swap3A_17 = arith.constant 0 : index
    %swap3A_18 = arith.constant 0 : index
    %swap3A_19 = arith.constant 0 : index
    %swap3A_20 = vector.load %arg3[%swap3A_17, %swap3A_18, %swap3A_19] : memref<2x10000x128xf32, #tpu.memory_space<vmem>>, vector<1x10000x128xf32>
    %swap3A_21 = vector.shape_cast %swap3A_20 : vector<1x10000x128xf32> to vector<10000x128xf32>
    %swap3A_22 = vector.shape_cast %mul3A_16 : vector<10000x128xf32> to vector<1x10000x128xf32>
    tpu.vector_store %arg3[%swap3A_17, %swap3A_18, %swap3A_19], %swap3A_22 {strides = array<i32>} : memref<2x10000x128xf32, #tpu.memory_space<vmem>>, vector<1x10000x128xf32>,
    %swap3A_23 = arith.constant 1 : index
    %swap3A_24 = arith.constant 0 : index
    %swap3A_25 = arith.constant 0 : index
    %swap3A_26 = vector.load %arg3[%swap3A_23, %swap3A_24, %swap3A_25] : memref<2x10000x128xf32, #tpu.memory_space<vmem>>, vector<1x10000x128xf32>
    %swap3A_27 = vector.shape_cast %swap3A_26 : vector<1x10000x128xf32> to vector<10000x128xf32>
    %swap3A_28 = vector.shape_cast %mul3A_16 : vector<10000x128xf32> to vector<1x10000x128xf32>
    tpu.vector_store %arg3[%swap3A_23, %swap3A_24, %swap3A_25], %swap3A_28 {strides = array<i32>} : memref<2x10000x128xf32, #tpu.memory_space<vmem>>, vector<1x10000x128xf32>,
    return
  }
}

module attributes {stable_mosaic.version = 14 : i64} {
  func.func @body(%arg0: i32, %arg1: memref<2x2000x128xf32, #tpu.memory_space<vmem>>, %arg2: memref<1x2000x128xf32, #tpu.memory_space<vmem>>, %arg3: memref<2000x1xf32, #tpu.memory_space<vmem>>, %arg4: memref<1x128xf32, #tpu.memory_space<vmem>>, %arg5: memref<128x128xf32, #tpu.memory_space<vmem>>, %arg6: memref<2x2000x128xf32, #tpu.memory_space<vmem>>) attributes {dimension_semantics = [#tpu.dimension_semantics<arbitrary>], iteration_bounds = array<i64: 5>, scalar_prefetch = 0 : i64, scratch_operands = 0 : i64, tpu.core_type = #tpu.core_type<tc>, window_params = [{transform_indices = @transform_0, window_bounds = array<i64: 2, 2000, 128>}, {transform_indices = @transform_1, window_bounds = array<i64: 1, 2000, 128>}, {transform_indices = @transform_2, window_bounds = array<i64: 2000, 1>}, {pipeline_mode = #tpu.pipeline_mode<synchronous>, transform_indices = @transform_3, window_bounds = array<i64: 1, 128>}, {pipeline_mode = #tpu.pipeline_mode<synchronous>, transform_indices = @transform_4, window_bounds = array<i64: 128, 128>}, {transform_indices = @transform_5, window_bounds = array<i64: 2, 2000, 128>}]} {
    %get3A = arith.constant 0 : index
    %get3A_0 = arith.constant 0 : index
    %get3A_1 = arith.constant 0 : index
    %get3A_2 = vector.load %arg1[%get3A, %get3A_0, %get3A_1] : memref<2x2000x128xf32, #tpu.memory_space<vmem>>, vector<1x2000x128xf32>
    %get3A_3 = vector.shape_cast %get3A_2 : vector<1x2000x128xf32> to vector<2000x128xf32>
    %get3A_4 = arith.constant 1 : index
    %get3A_5 = arith.constant 0 : index
    %get3A_6 = arith.constant 0 : index
    %get3A_7 = vector.load %arg1[%get3A_4, %get3A_5, %get3A_6] : memref<2x2000x128xf32, #tpu.memory_space<vmem>>, vector<1x2000x128xf32>
    %get3A_8 = vector.shape_cast %get3A_7 : vector<1x2000x128xf32> to vector<2000x128xf32>
    %add3A = arith.addf %get3A_3, %get3A_8 : vector<2000x128xf32>
    %get3A_9 = arith.constant 0 : index
    %get3A_10 = arith.constant 0 : index
    %get3A_11 = arith.constant 0 : index
    %get3A_12 = vector.load %arg2[%get3A_9, %get3A_10, %get3A_11] : memref<1x2000x128xf32, #tpu.memory_space<vmem>>, vector<1x2000x128xf32>
    %get3A_13 = vector.shape_cast %get3A_12 : vector<1x2000x128xf32> to vector<2000x128xf32>
    %add3A_14 = arith.addf %add3A, %get3A_13 : vector<2000x128xf32>
    %get3A_15 = arith.constant 0 : index
    %get3A_16 = arith.constant 0 : index
    %get3A_17 = vector.load %arg3[%get3A_15, %get3A_16] : memref<2000x1xf32, #tpu.memory_space<vmem>>, vector<2000x1xf32>
    %mul3A = vector.broadcast %get3A_17 : vector<2000x1xf32> to vector<2000x128xf32>
    %mul3A_18 = arith.mulf %add3A_14, %mul3A : vector<2000x128xf32>
    %get3A_19 = arith.constant 0 : index
    %get3A_20 = arith.constant 0 : index
    %get3A_21 = vector.load %arg4[%get3A_19, %get3A_20] : memref<1x128xf32, #tpu.memory_space<vmem>>, vector<1x128xf32>
    %add3A_22 = vector.broadcast %get3A_21 : vector<1x128xf32> to vector<2000x128xf32>
    %add3A_23 = arith.addf %mul3A_18, %add3A_22 : vector<2000x128xf32>
    %max3A = arith.constant 0.000000e+00 : f32
    %max3A_24 = vector.broadcast %max3A : f32 to vector<2000x128xf32>
    %max3A_25 = arith.maximumf %add3A_23, %max3A_24 : vector<2000x128xf32>
    %get3A_26 = arith.constant 0 : index
    %get3A_27 = arith.constant 0 : index
    %get3A_28 = vector.load %arg5[%get3A_26, %get3A_27] : memref<128x128xf32, #tpu.memory_space<vmem>>, vector<128x128xf32>
    %dot_general3A = arith.constant dense<0.000000e+00> : vector<2000x128xf32>
    %dot_general3A_29 = tpu.matmul %max3A_25, %get3A_28, %dot_general3A {dimension_numbers = #tpu.dot_dimension_numbers<[1], [0], [0], [1], [0, 0, 1, 1], [], []>, transpose_lhs_hint = false} : vector<2000x128xf32>, vector<128x128xf32>, vector<2000x128xf32> -> vector<2000x128xf32>
    %mul3A_30 = vector.broadcast %get3A_17 : vector<2000x1xf32> to vector<2000x128xf32>
    %mul3A_31 = arith.mulf %dot_general3A_29, %mul3A_30 : vector<2000x128xf32>
    %swap3A = arith.constant 0 : index
    %swap3A_32 = arith.constant 0 : index
    %swap3A_33 = arith.constant 0 : index
    %swap3A_34 = vector.load %arg6[%swap3A, %swap3A_32, %swap3A_33] : memref<2x2000x128xf32, #tpu.memory_space<vmem>>, vector<1x2000x128xf32>
    %swap3A_35 = vector.shape_cast %swap3A_34 : vector<1x2000x128xf32> to vector<2000x128xf32>
    %swap3A_36 = vector.shape_cast %mul3A_31 : vector<2000x128xf32> to vector<1x2000x128xf32>
    tpu.vector_store %arg6[%swap3A, %swap3A_32, %swap3A_33], %swap3A_36 {strides = array<i32>} : memref<2x2000x128xf32, #tpu.memory_space<vmem>>, vector<1x2000x128xf32>,
    %swap3A_37 = arith.constant 1 : index
    %swap3A_38 = arith.constant 0 : index
    %swap3A_39 = arith.constant 0 : index
    %swap3A_40 = vector.load %arg6[%swap3A_37, %swap3A_38, %swap3A_39] : memref<2x2000x128xf32, #tpu.memory_space<vmem>>, vector<1x2000x128xf32>
    %swap3A_41 = vector.shape_cast %swap3A_40 : vector<1x2000x128xf32> to vector<2000x128xf32>
    %swap3A_42 = vector.shape_cast %mul3A_31 : vector<2000x128xf32> to vector<1x2000x128xf32>
    tpu.vector_store %arg6[%swap3A_37, %swap3A_38, %swap3A_39], %swap3A_42 {strides = array<i32>} : memref<2x2000x128xf32, #tpu.memory_space<vmem>>, vector<1x2000x128xf32>,
    return
  }
  func.func @transform_0(%arg0: i32) -> (i32, i32, i32) {
    %c0_i32 = arith.constant 0 : i32
    %c0_i32_0 = arith.constant 0 : i32
    %c0_i32_1 = arith.constant 0 : i32
    return %c0_i32, %arg0, %c0_i32_0 : i32, i32, i32
  }
  func.func @transform_1(%arg0: i32) -> (i32, i32, i32) {
    %c0_i32 = arith.constant 0 : i32
    %c0_i32_0 = arith.constant 0 : i32
    %c0_i32_1 = arith.constant 0 : i32
    return %c0_i32, %arg0, %c0_i32_0 : i32, i32, i32
  }
  func.func @transform_2(%arg0: i32) -> (i32, i32) {
    %c0_i32 = arith.constant 0 : i32
    %c0_i32_0 = arith.constant 0 : i32
    return %arg0, %c0_i32 : i32, i32
  }
  func.func @transform_3(%arg0: i32) -> (i32, i32) {
    %c0_i32 = arith.constant 0 : i32
    %c0_i32_0 = arith.constant 0 : i32
    %c0_i32_1 = arith.constant 0 : i32
    return %c0_i32, %c0_i32_0 : i32, i32
  }
  func.func @transform_4(%arg0: i32) -> (i32, i32) {
    %c0_i32 = arith.constant 0 : i32
    %c0_i32_0 = arith.constant 0 : i32
    %c0_i32_1 = arith.constant 0 : i32
    return %c0_i32, %c0_i32_0 : i32, i32
  }
  func.func @transform_5(%arg0: i32) -> (i32, i32, i32) {
    %c0_i32 = arith.constant 0 : i32
    %c0_i32_0 = arith.constant 0 : i32
    %c0_i32_1 = arith.constant 0 : i32
    return %c0_i32, %arg0, %c0_i32_0 : i32, i32, i32
  }
}

module attributes {stable_mosaic.version = 14 : i64} {
  func.func @body(%arg0: i32, %arg1: memref<2x2000x128xf32, #tpu.memory_space<vmem>>, %arg2: memref<1x2000x128xf32, #tpu.memory_space<vmem>>, %arg3: memref<2000x1xf32, #tpu.memory_space<vmem>>, %arg4: memref<1x128xf32, #tpu.memory_space<vmem>>, %arg5: memref<8x128xf32, #tpu.memory_space<vmem>>, %arg6: memref<1x8xf32, #tpu.memory_space<vmem>>, %arg7: memref<2000x8xf32, #tpu.memory_space<vmem>>) attributes {dimension_semantics = [#tpu.dimension_semantics<arbitrary>], iteration_bounds = array<i64: 5>, scalar_prefetch = 0 : i64, scratch_operands = 0 : i64, tpu.core_type = #tpu.core_type<tc>, window_params = [{transform_indices = @transform_0, window_bounds = array<i64: 2, 2000, 128>}, {transform_indices = @transform_1, window_bounds = array<i64: 1, 2000, 128>}, {transform_indices = @transform_2, window_bounds = array<i64: 2000, 1>}, {pipeline_mode = #tpu.pipeline_mode<synchronous>, transform_indices = @transform_3, window_bounds = array<i64: 1, 128>}, {pipeline_mode = #tpu.pipeline_mode<synchronous>, transform_indices = @transform_4, window_bounds = array<i64: 8, 128>}, {pipeline_mode = #tpu.pipeline_mode<synchronous>, transform_indices = @transform_5, window_bounds = array<i64: 1, 8>}, {transform_indices = @transform_6, window_bounds = array<i64: 2000, 8>}]} {
    %get3A = arith.constant 0 : index
    %get3A_0 = arith.constant 0 : index
    %get3A_1 = arith.constant 0 : index
    %get3A_2 = vector.load %arg1[%get3A, %get3A_0, %get3A_1] : memref<2x2000x128xf32, #tpu.memory_space<vmem>>, vector<1x2000x128xf32>
    %get3A_3 = vector.shape_cast %get3A_2 : vector<1x2000x128xf32> to vector<2000x128xf32>
    %get3A_4 = arith.constant 1 : index
    %get3A_5 = arith.constant 0 : index
    %get3A_6 = arith.constant 0 : index
    %get3A_7 = vector.load %arg1[%get3A_4, %get3A_5, %get3A_6] : memref<2x2000x128xf32, #tpu.memory_space<vmem>>, vector<1x2000x128xf32>
    %get3A_8 = vector.shape_cast %get3A_7 : vector<1x2000x128xf32> to vector<2000x128xf32>
    %add3A = arith.addf %get3A_3, %get3A_8 : vector<2000x128xf32>
    %get3A_9 = arith.constant 0 : index
    %get3A_10 = arith.constant 0 : index
    %get3A_11 = arith.constant 0 : index
    %get3A_12 = vector.load %arg2[%get3A_9, %get3A_10, %get3A_11] : memref<1x2000x128xf32, #tpu.memory_space<vmem>>, vector<1x2000x128xf32>
    %get3A_13 = vector.shape_cast %get3A_12 : vector<1x2000x128xf32> to vector<2000x128xf32>
    %add3A_14 = arith.addf %add3A, %get3A_13 : vector<2000x128xf32>
    %get3A_15 = arith.constant 0 : index
    %get3A_16 = arith.constant 0 : index
    %get3A_17 = vector.load %arg3[%get3A_15, %get3A_16] : memref<2000x1xf32, #tpu.memory_space<vmem>>, vector<2000x1xf32>
    %mul3A = vector.broadcast %get3A_17 : vector<2000x1xf32> to vector<2000x128xf32>
    %mul3A_18 = arith.mulf %add3A_14, %mul3A : vector<2000x128xf32>
    %get3A_19 = arith.constant 0 : index
    %get3A_20 = arith.constant 0 : index
    %get3A_21 = vector.load %arg4[%get3A_19, %get3A_20] : memref<1x128xf32, #tpu.memory_space<vmem>>, vector<1x128xf32>
    %add3A_22 = vector.broadcast %get3A_21 : vector<1x128xf32> to vector<2000x128xf32>
    %add3A_23 = arith.addf %mul3A_18, %add3A_22 : vector<2000x128xf32>
    %max3A = arith.constant 0.000000e+00 : f32
    %max3A_24 = vector.broadcast %max3A : f32 to vector<2000x128xf32>
    %max3A_25 = arith.maximumf %add3A_23, %max3A_24 : vector<2000x128xf32>
    %get3A_26 = arith.constant 0 : index
    %get3A_27 = arith.constant 0 : index
    %get3A_28 = vector.load %arg5[%get3A_26, %get3A_27] : memref<8x128xf32, #tpu.memory_space<vmem>>, vector<8x128xf32>
    %dot_general3A = arith.constant dense<0.000000e+00> : vector<2000x8xf32>
    %dot_general3A_29 = tpu.matmul %max3A_25, %get3A_28, %dot_general3A {dimension_numbers = #tpu.dot_dimension_numbers<[1], [1], [0], [0], [0, 0, 1, 0], [], []>, transpose_lhs_hint = false} : vector<2000x128xf32>, vector<8x128xf32>, vector<2000x8xf32> -> vector<2000x8xf32>
    %get3A_30 = arith.constant 0 : index
    %get3A_31 = arith.constant 0 : index
    %get3A_32 = vector.load %arg6[%get3A_30, %get3A_31] : memref<1x8xf32, #tpu.memory_space<vmem>>, vector<1x8xf32>
    %add3A_33 = vector.broadcast %get3A_32 : vector<1x8xf32> to vector<2000x8xf32>
    %add3A_34 = arith.addf %dot_general3A_29, %add3A_33 : vector<2000x8xf32>
    %swap3A = arith.constant 0 : index
    %swap3A_35 = arith.constant 0 : index
    %swap3A_36 = vector.load %arg7[%swap3A, %swap3A_35] : memref<2000x8xf32, #tpu.memory_space<vmem>>, vector<2000x8xf32>
    tpu.vector_store %arg7[%swap3A, %swap3A_35], %add3A_34 {strides = array<i32>} : memref<2000x8xf32, #tpu.memory_space<vmem>>, vector<2000x8xf32>,
    return
  }
  func.func @transform_0(%arg0: i32) -> (i32, i32, i32) {
    %c0_i32 = arith.constant 0 : i32
    %c0_i32_0 = arith.constant 0 : i32
    %c0_i32_1 = arith.constant 0 : i32
    return %c0_i32, %arg0, %c0_i32_0 : i32, i32, i32
  }
  func.func @transform_1(%arg0: i32) -> (i32, i32, i32) {
    %c0_i32 = arith.constant 0 : i32
    %c0_i32_0 = arith.constant 0 : i32
    %c0_i32_1 = arith.constant 0 : i32
    return %c0_i32, %arg0, %c0_i32_0 : i32, i32, i32
  }
  func.func @transform_2(%arg0: i32) -> (i32, i32) {
    %c0_i32 = arith.constant 0 : i32
    %c0_i32_0 = arith.constant 0 : i32
    return %arg0, %c0_i32 : i32, i32
  }
  func.func @transform_3(%arg0: i32) -> (i32, i32) {
    %c0_i32 = arith.constant 0 : i32
    %c0_i32_0 = arith.constant 0 : i32
    %c0_i32_1 = arith.constant 0 : i32
    return %c0_i32, %c0_i32_0 : i32, i32
  }
  func.func @transform_4(%arg0: i32) -> (i32, i32) {
    %c0_i32 = arith.constant 0 : i32
    %c0_i32_0 = arith.constant 0 : i32
    %c0_i32_1 = arith.constant 0 : i32
    return %c0_i32, %c0_i32_0 : i32, i32
  }
  func.func @transform_5(%arg0: i32) -> (i32, i32) {
    %c0_i32 = arith.constant 0 : i32
    %c0_i32_0 = arith.constant 0 : i32
    %c0_i32_1 = arith.constant 0 : i32
    return %c0_i32, %c0_i32_0 : i32, i32
  }
  func.func @transform_6(%arg0: i32) -> (i32, i32) {
    %c0_i32 = arith.constant 0 : i32
    %c0_i32_0 = arith.constant 0 : i32
    return %arg0, %c0_i32 : i32, i32
  }
}

</mosaic_0001>

<sc_bundles>
// kernel: kernel.12.cloned.1.call-start
scs
__scs_entry_jumppad:
0x0: {  	(pc) =	sbr.rel $0x88, $3  }
0x1: {  	(tag) =	ssettag $0x0;
	lr =	simm.s32 $0x1  }
0x2: {  	[smem:$0x3F99] =	sst lr;
	_ =	strace $0xD0000000  }
0x3: {  	_ = 	snop  }
0x4: {  	_ = 	snop  }
0x5: {  	_ = 	snop  }
0x6: {  	_ = 	snop  }
0x7: {  	_ = 	snop  }
__scs_overlays_trampoline_lowered:
0x8: {  	[smem:$0x3FA8] =	sst s0  }
0x9: {  	[smem:$0x3FA9] =	sst s1  }
0xa: {  	[smem:$0x3FAA] =	sst s2  }
0xb: {  	[smem:$0x3FAB] =	sst s3  }
0xc: {  	[smem:$0x3FAC] =	sst s4  }
0xd: {  	[smem:$0x3FAD] =	sst s5  }
0xe: {  	[smem:$0x3FAE] =	sst s6  }
0xf: {  	[smem:$0x3FAF] =	sst s7  }
0x10: {  	[smem:$0x3FB0] =	sst s8  }
0x11: {  	[smem:$0x3FB1] =	sst s9;
	s0 =	simm.s32 @!p0 $0x0  }
0x12: {  	s1 =	sld [smem:$0x3F97];
	s0 =	simm.s32 @p0 $0x1  }
0x13: {  	[smem:$0x3FB2] =	sst s0;
	s0 =	simm.s32 @!p1 $0x0  }
0x14: {  	s2 =	sld [smem:$0x3F96];
	s0 =	simm.s32 @p1 $0x1  }
0x15: {  	[smem:$0x3FB3] =	sst s0;
	s0 =	simm.s32 @!p2 $0x0  }
0x16: {  	s3 =	sld [smem:$0x3FDB];
	s0 =	simm.s32 @p2 $0x1  }
0x17: {  	s4 =	simm.s32 $0x1BF5;
	[smem:$0x3FB5] =	sst s0  }
0x18: {  	s0 =	sld [smem:$0x3F98];
	_ =	swait.ge [sflag:s4], $0x0  }
0x19: {  	s7 =	sld [smem:$0x3F99]  }
0x1a: {  	s8 =	sadd.s32 $0xFFFFE003, lr  }
0x1b: {  	s9 =	sadd.s32 $0xFFFFFEF7, lr;
	s5 =	simm.s32 $0xFFFFFFFF;
	p2 =	slt.u32 s8, $0xFFFFF086  }
0x1c: {  	p1 =	slt.u32 s9, $0xF7A;
	s5 =	simm.s32 @!p2 $0x0  }
0x1d: {  	s5 =	simm.s32 @p1 $0x1;
	p0 =	seq.s32 s7, s2  }
0x1e: {  	s7 =	smul.u32 @!p0 $0xF7A, s2;
	p2 =	seq.s32 @!p0 s5, $0x0  }
0x1f: {  	s9 =	smul.u32 $0xF7A, s1;
	s8 =	simm.s32 @!p0 $0x1BF5;
	p2 =	por !p2, p0  }
0x20: {  	[sflag:s8] =	ssyncset.s32 @!p0 $0xFFFFF086;
	s6 =	sadd.s32 @!p0 s3, s7;
	s7 =	simm.s32 @!p0 $0x108  }
0x21: {  	s3 =	sadd.s32 s3, s9;
	s6 =	sadd.s32 @!p0 $0x88, s6;
	s7 =	simm.s32 @p2 $0x1082  }
0x22: {  	[simem:s7], [sflag:s8] =	dma.local @!p0 [hbm:s6], $0xF7A  }
0x23: {  	s9 =	sor.u32 $0xD0000000, s2;
	s6 =	simm.s32 $0x108;
	_ =	swait.ge @!p0 [sflag:s8], $0x0  }
0x24: {  	s3 =	sadd.s32 $0x88, s3;
	s6 =	simm.s32 @!p1 $0x1082;
	[sflag:s4] =	ssyncset.s32 $0xFFFFF086  }
0x25: {  	[simem:s6], [sflag:s4] =	dma.local [hbm:s3], $0xF7A  }
0x26: {  	[smem:$0x3F99] =	sst s1;
	(tag) =	ssettag s2;
	_ =	strace s9  }
0x27: {  	s1 =	sld [smem:$0x3FA9]  }
0x28: {  	s2 =	sld [smem:$0x3FAA]  }
0x29: {  	s4 =	sld [smem:$0x3FAC]  }
0x2a: {  	p0 =	seq.s32 s5, $0x0;
	s5 =	sld [smem:$0x3FAD]  }
0x2b: {  	s6 =	sld [smem:$0x3FAE]  }
0x2c: {  	s7 =	sld [smem:$0x3FAF]  }
0x2d: {  	s3 =	simm.s32 $0x108;
	s8 =	sld [smem:$0x3FB0]  }
0x2e: {  	s3 =	simm.s32 @!p0 $0x1082;
	s9 =	sld [smem:$0x3FB1]  }
0x2f: {  	lr =	sadd.s32 s0, s3;
	s0 =	sld [smem:$0x3FA8]  }
0x30: {  	s3 =	sld [smem:$0x3FAB]  }
0x31: {  	[smem:$0x3FB4] =	sst s10  }
0x32: {  	s10 =	sld [smem:$0x3FB2];
	_ =	sdelay $0x3  }
0x33: {  	p0 =	seq.s32 s10, $0x1;
	s10 =	sld [smem:$0x3FB4];
	_ =	sdelay $0x3  }
0x34: {  	[smem:$0x3FB4] =	sst s10  }
0x35: {  	s10 =	sld [smem:$0x3FB3];
	_ =	sdelay $0x3  }
0x36: {  	p1 =	seq.s32 s10, $0x1;
	s10 =	sld [smem:$0x3FB4];
	_ =	sdelay $0x3  }
0x37: {  	[smem:$0x3FB4] =	sst s10  }
0x38: {  	s10 =	sld [smem:$0x3FB5]  }
0x39: {  	_ = 	snop;
	(pc) =	sbr.ind lr, $3  }
0x3a: {  	_ = 	snop  }
0x3b: {  	_ = 	snop  }
0x3c: {  	p2 =	seq.s32 s10, $0x1;
	s10 =	sld [smem:$0x3FB4]  }
0x3d: {  	_ =	shalt  }
0x3e: {  	_ =	shalt  }
0x3f: {  	_ =	shalt  }
0x40: {  	_ =	shalt  }
0x41: {  	_ =	shalt  }
0x42: {  	_ =	shalt  }
0x43: {  	_ =	shalt  }
0x44: {  	_ =	shalt  }
0x45: {  	_ =	shalt  }
0x46: {  	_ =	shalt  }
0x47: {  	_ =	shalt  }
0x48: {  	_ =	shalt  }
0x49: {  	_ =	shalt  }
0x4a: {  	_ =	shalt  }
0x4b: {  	_ =	shalt  }
0x4c: {  	_ =	shalt  }
0x4d: {  	_ =	shalt  }
0x4e: {  	_ =	shalt  }
0x4f: {  	_ =	shalt  }
0x50: {  	_ =	shalt  }
0x51: {  	_ =	shalt  }
0x52: {  	_ =	shalt  }
0x53: {  	_ =	shalt  }
0x54: {  	_ =	shalt  }
0x55: {  	_ =	shalt  }
0x56: {  	_ =	shalt  }
0x57: {  	_ =	shalt  }
0x58: {  	_ =	shalt  }
0x59: {  	_ =	shalt  }
0x5a: {  	_ =	shalt  }
0x5b: {  	_ =	shalt  }
0x5c: {  	_ =	shalt  }
0x5d: {  	_ =	shalt  }
0x5e: {  	_ =	shalt  }
0x5f: {  	_ =	shalt  }
0x60: {  	_ =	shalt  }
0x61: {  	_ =	shalt  }
0x62: {  	_ =	shalt  }
0x63: {  	_ =	shalt  }
0x64: {  	_ =	shalt  }
0x65: {  	_ =	shalt  }
0x66: {  	_ =	shalt  }
0x67: {  	_ =	shalt  }
0x68: {  	_ =	shalt  }
0x69: {  	_ =	shalt  }
0x6a: {  	_ =	shalt  }
0x6b: {  	_ =	shalt  }
0x6c: {  	_ =	shalt  }
0x6d: {  	_ =	shalt  }
0x6e: {  	_ =	shalt  }
0x6f: {  	_ =	shalt  }
0x70: {  	_ =	shalt  }
0x71: {  	_ =	shalt  }
0x72: {  	_ =	shalt  }
0x73: {  	_ =	shalt  }
0x74: {  	_ =	shalt  }
0x75: {  	_ =	shalt  }
0x76: {  	_ =	shalt  }
0x77: {  	_ =	shalt  }
0x78: {  	_ =	shalt  }
0x79: {  	_ =	shalt  }
0x7a: {  	_ =	shalt  }
0x7b: {  	_ =	shalt  }
0x7c: {  	_ =	shalt  }
0x7d: {  	_ =	shalt  }
0x7e: {  	_ =	shalt  }
0x7f: {  	_ =	shalt  }
0x80: {  	_ =	shalt  }
0x81: {  	_ =	shalt  }
0x82: {  	_ =	shalt  }
0x83: {  	_ =	shalt  }
0x84: {  	_ =	shalt  }
0x85: {  	_ =	shalt  }
0x86: {  	_ =	shalt  }
0x87: {  	_ =	shalt  }
.Lfunc_end0:
.L_simem_size_0:
called_computation.1_lowered:
.L_overlay_start_0:
0x88: {  	s2 =	sld [smem:$0x3FD9]  }
0x89: {  	s3 =	sld [smem:$0x3FFE];
	_ =	sdelay $0x1  }
0x8a: {  	s1 =	srdreg.scid  }
0x8b: {  	s0 =	sand.u32 $0x1, s1  }
0x8c: {  	s16 =	sshll.u32 s0, $0xA;
	s2 =	sadd.s32 s3, s2  }
0x8d: {  	s2 =	sadd.s32 s2, s16  }
0x8e: {  	[smem:$0x3FC0] =	sst s2  }
0x8f: {  	_ = 	snop  }
0x90: {  	(tm) =	ssettm $0x1  }
0x91: {  	s17 =	sld [smem:$0x3FFB];
	_ =	sdelay $0x3  }
0x92: {  	_ =	strace s17  }
0x93: {  	s2 =	sld [smem:$0x3FFC];
	_ =	sdelay $0x3  }
0x94: {  	_ =	strace s2  }
0x95: {  	s2 =	sld [smem:$0x3FFD];
	_ =	sdelay $0x3  }
0x96: {  	_ =	strace s2  }
0x97: {  	_ =	strace $0x8FFFFFFF  }
0x98: {  	s18 =	sld [smem:$0x3FDB];
	_ =	sdelay $0x1  }
0x99: {  	s19 =	simm.s32 $_scs_section_size  }
0x9a: {  	s4 =	simm.s32 $_size__tile_overlayer_lowered;
	s5 =	simm.s32 $_tile_overlayer_lowered  }
0x9b: {  	s22 =	simm.s32 $0x1BFF;
	s21 =	sshll.u32 s5, $0x1;
	s2 =	sadd.s32 s19, s18  }
0x9c: {  	s6 =	simm.s32 $0x0;
	s20 =	sshll.u32 s4, $0x1;
	s4 =	sadd.s32 s21, s2  }
0x9d: {  	[timem:s6], [sflag:s22] =	dma.local [hbm:s4], s20  }
0x9e: {  	_ =	swait.ge [sflag:s22], s20  }
0x9f: {  	s3 =	ssub.s32 $0x0, s20;
	[sflag:s22] =	ssyncset.done $0x0  }
0xa0: {  	[sflag:s22] =	ssyncadd.s32 s3;
	_ =	sdelay $0x1  }
0xa1: {  	s23 =	simm.s32 $0x1B8B  }
0xa2: {  	_ =	swait.ge [sflag:s23], $0x1  }
0xa3: {  	[sflag:s23] =	ssyncset.done $0x0  }
0xa4: {  	s25 =	simm.s32 $0x1B8E;
	s24 =	sld [smem:$0x3FFE];
	[sflag:s23] =	ssyncadd.s32 $0xFFFFFFFF  }
0xa5: {  	s26 =	simm.s32 $execute0_lowered;
	[smem:$0x3FD2] =	sst s25  }
0xa6: {  	s4 =	sshll.u32 s26, $0x1;
	_ =	strace $0x80000049;
	[dreg:$0x1] =	wrdreg $0xFFFFFFFF  }
0xa7: {  	s28 =	simm.s32 $_size_execute0_lowered;
	s2 =	sadd.s32 s2, s4;
	[dreg:$0x0] =	wrdreg $0x0  }
0xa8: {  	s4 =	sshll.u32 s28, $0x1;
	[dreg:$0x2] =	wrdreg s2  }
0xa9: {  	[dreg:$0x3] =	wrdreg s4  }
0xaa: {  	[dreg:$0x4] =	wrdreg $0xC0  }
0xab: {  	_ =	task [dreg:s6], $0x5FFFF  }
0xac: {  	[dreg:$0x1] =	wrdreg $0xFFFFFFFF  }
0xad: {  	[dreg:$0x0] =	wrdreg $0x60  }
0xae: {  	[dreg:$0x2] =	wrdreg s24  }
0xaf: {  	[dreg:$0x3] =	wrdreg $0xA9000  }
0xb0: {  	[dreg:$0x4] =	wrdreg $0x9  }
0xb1: {  	_ =	task.clear_ibuf [dreg:s6], $0x5FFFF;
	_ =	strace $0x90000049  }
0xb2: {  	s29 =	simm.s32 $0x9;
	_ =	strace $0x8000004B  }
0xb3: {  	_ =	swait.ge [sflag:s29], $0x1  }
0xb4: {  	[sflag:s29] =	ssyncadd.s32 $0xFFFFFFFF  }
0xb5: {  	_ =	strace $0x9000004B  }
0xb6: {  	_ =	sfence  }
0xb7: {  	s30 =	sld [smem:$0x0];
	_ =	sdelay $0x2  }
0xb8: {  	s31 =	sshll.u32 s1, $0xD;
	s1 =	sshrl.u32 s1, $0x2  }
0xb9: {  	s3 =	sand.u32 $0x4000, s31;
	s1 =	sadd.s32 s1, s30  }
0xba: {  	s0 =	sor.u32 s3, s0;
	s1 =	sshll.u32 s1, $0x11  }
0xbb: {  	s0 =	sor.u32 s1, s0  }
0xbc: {  	s0 =	sadd.s32 $0x8F2B, s0  }
0xbd: {  	[sflag:s0] =	ssyncadd.remote.s32 $0x1  }
0xbe: {  	_ =	sfence.sel $0xFFFF  }
0xbf: {  	[dreg:$0x0] =	wrdreg $0xFFFFFFFF;
	(pc) =	sbr.abs _section_cstart, $3  }
0xc0: {  	[dreg:$0x1] =	wrdreg $0xFFFFFFFF  }
0xc1: {  	_ =	task.clear_ibuf [dreg:s6], $0x2FFFF;
	_ =	strace $0x9FFFFFFF  }
0xc2: {  	(tm) =	ssettm $0x7FFFFFFF  }
0xc3: {  	_ =	shalt  }
tec
execute0_lowered:
.L_overlay_start_1:
0x0: {  	(tag) =	ssettag $0x1  }
0x1: {  	s0 =	rddreg [dreg:$0x0]  }
0x2: {  	s2 =	rddreg [dreg:$0x1]  }
0x3: {  	s6 =	stileid.u32;
	s1 =	srdreg.scid  }
0x4: {  	s3 =	simm.s32 $0x0;
	s28 =	simm.s32 $0x3;
	s29 =	simm.s32 $0x2880  }
0x5: {  	s30 =	simm.s32 $0x6900;
	s31 =	simm.s32 $0x1;
	s4 =	smul.u32 $0x50, s6  }
0x6: {  	s11 =	simm.s32 $0x0;
	s1 =	sand.u32 $0x1, s1;
	s7 =	smul.u32 $0x280, s6  }
0x7: {  	[smem:$0x7FF] =	sst s3;
	s10 =	smul.u32 $0x50000, s6;
	s6 =	sadd.s32 $0xCC00, s0  }
0x8: {  	p0 =	seq.s32 s1, $0x0;
	s8 =	smul.u32 $0x2800, s1;
	s1 =	ssub.s32 $0x2, s1  }
0x9: {  	_ =	strace $0x8000004A;
	s5 =	sadd.s32 $0x500, s4;
	s19 =	sshrl.u32 s1, $0x1  }
0xa: {  	s10 =	sshrl.u32 s10, $0x2;
	s5 =	smov.u32 @p0 s4;
	s7 =	sadd.s32 s8, s7  }
0xb: {  	s1 =	ssub.s32 s1, s19;
	s8 =	simm.s32 $0x2;
	s4 =	sshll.u32 s5, $0x4  }
0xc: {  	s5 =	sadd.s32 $0x16C00, s0;
	s7 =	sshll.u32 s7, $0x4;
	s1 =	smax.u32 s1, $0x1  }
0xd: {  	s9 =	sadd.s32 s4, s0;
	s0 =	sadd.s32 s7, s0;
	s7 =	sadd.s32 s10, s2  }
0xe: {  	[dreg:$0x5] =	wrdreg s1;
	s1 =	simm.s32 $0x4;
	s10 =	simm.s32 $0x6  }
0xf: {  	s20 =	sadd.s32 $0x2C00, s9;
	s9 =	sadd.s32 s6, s4;
	s21 =	sadd.s32 $0x64E00, s0  }
0x10: {  	s12 =	sadd.s32 $0x4000, s7;
	s13 =	sadd.s32 $0x8000, s7;
	[dreg:$0x3] =	wrdreg s20  }
0x11: {  	s14 =	sadd.s32 $0xC000, s7;
	s24 =	sadd.s32 $0x65600, s0;
	[dreg:$0x4] =	wrdreg s21  }
0x12: {  	s15 =	sadd.s32 $0x10000, s7;
	s25 =	sadd.s32 $0x65E00, s0;
	[dreg:$0x8] =	wrdreg s24  }
0x13: {  	s26 =	sadd.s32 $0x66600, s0;
	s0 =	sadd.s32 $0x66E00, s0;
	[dreg:$0x9] =	wrdreg s25  }
0x14: {  	s22 =	sadd.s32 $0x10, s9;
	s23 =	sadd.s32 $0x20, s9;
	[dreg:$0xa] =	wrdreg s26  }
0x15: {  	[dreg:$0xb] =	wrdreg s0;
	s24 =	simm.s32 $0x7;
	s25 =	simm.s32 $0x2800  }
0x16: {  	s26 =	simm.s32 $0x80;
	s0 =	simm.s32 $0x5;
	[dreg:$0x6] =	wrdreg s22  }
0x17: {  	v0 =	vimm.f32 $0.0e+00;
	[dreg:$0x7] =	wrdreg s23;
	s22 =	sadd.s32 $0x4F0, s9;
	s23 =	simm.s32 $0x2900  }
.LBB2_1:
0x18: {  	s16 =	simm.s32 $0x0;
	s17 =	simm.s32 $0x200  }
.LBB2_2:
0x19: {  	p0 =	sne.s32 s17, $0xFE00;
	[tilespmem:s16+$0x2970] =	vst v0  }
0x1a: {  	[tilespmem:s16+$0x2900] =	vst v0  }
0x1b: {  	[tilespmem:s16+$0x2910] =	vst v0  }
.Ltmp0:
0x1c: {  	[tilespmem:s16+$0x2920] =	vst v0;
	(pc) =	sbr.rel @p0 .LBB2_2-.Ltmp0, $4  }
0x1d: {  	[tilespmem:s16+$0x2930] =	vst v0  }
0x1e: {  	[tilespmem:s16+$0x2940] =	vst v0  }
0x1f: {  	[tilespmem:s16+$0x2950] =	vst v0  }
0x20: {  	[tilespmem:s16+$0x2960] =	vst v0;
	s16 =	sshra.s32 s17, $0x2;
	s17 =	sadd.s32 $0x200, s17  }
0x21: {  	[tilespmem:s16+$0x2970] =	vst v0  }
0x22: {  	[tilespmem:s16+$0x2900] =	vst v0  }
0x23: {  	[tilespmem:s16+$0x2910] =	vst v0  }
0x24: {  	[tilespmem:s16+$0x2920] =	vst v0  }
0x25: {  	[tilespmem:s16+$0x2930] =	vst v0  }
0x26: {  	[tilespmem:s16+$0x2940] =	vst v0  }
0x27: {  	[tilespmem:s16+$0x2950] =	vst v0  }
0x28: {  	[tilespmem:s16+$0x2960] =	vst v0  }
0x29: {  	[spmem:s7] =	stream.linear.scatter [tilespmem:s23], [sflag:$0x7], $0x4000, $0x38;
	[tilespmem:$0x1E900] =	vst v63  }
0x2a: {  	_ =	swait.ge [sflag:s24], $0x4000  }
0x2b: {  	[sflag:s24] =	ssyncset.done $0x0  }
0x2c: {  	[sflag:s24] =	ssyncadd.s32 $0xFFFFC000  }
0x2d: {  	[spmem:s12] =	stream.linear.scatter [tilespmem:s23], [sflag:$0x7], $0x4000, $0x38;
	[tilespmem:$0x1E900] =	vst v63  }
0x2e: {  	_ =	swait.ge [sflag:s24], $0x4000  }
0x2f: {  	[sflag:s24] =	ssyncset.done $0x0  }
0x30: {  	[sflag:s24] =	ssyncadd.s32 $0xFFFFC000  }
0x31: {  	[spmem:s13] =	stream.linear.scatter [tilespmem:s23], [sflag:$0x7], $0x4000, $0x38;
	[tilespmem:$0x1E900] =	vst v63  }
0x32: {  	_ =	swait.ge [sflag:s24], $0x4000  }
0x33: {  	[sflag:s24] =	ssyncset.done $0x0  }
0x34: {  	[sflag:s24] =	ssyncadd.s32 $0xFFFFC000  }
0x35: {  	[spmem:s14] =	stream.linear.scatter [tilespmem:s23], [sflag:$0x7], $0x4000, $0x38;
	[tilespmem:$0x1E900] =	vst v63  }
0x36: {  	_ =	swait.ge [sflag:s24], $0x4000  }
0x37: {  	[sflag:s24] =	ssyncset.done $0x0  }
0x38: {  	[sflag:s24] =	ssyncadd.s32 $0xFFFFC000  }
0x39: {  	[spmem:s15] =	stream.linear.scatter [tilespmem:s23], [sflag:$0x7], $0x4000, $0x38;
	[tilespmem:$0x1E900] =	vst v63  }
0x3a: {  	_ =	swait.ge [sflag:s24], $0x4000  }
0x3b: {  	[sflag:s24] =	ssyncset.done $0x0  }
0x3c: {  	s21 =	simm.s32 $0x0;
	s17 =	rddreg [dreg:$0x3];
	[sflag:s24] =	ssyncadd.s32 $0xFFFFC000  }
0x3d: {  	[tilespmem:s21], [sflag:$0x7] =	stream.linear.gather [hbm4b:s17+s21], $0x2800, $0x38;
	[tilespmem:$0x1E900] =	vst v63  }
0x3e: {  	_ =	swait.ge [sflag:s24], $0x2800  }
0x3f: {  	[sflag:s24] =	ssyncset.done $0x0  }
0x40: {  	[sflag:s24] =	ssyncadd.s32 $0xFFFFD800  }
0x41: {  	[bflag:$0x0] =	sbarrier.arrive $0xFFFF  }
0x42: {  	[tilespmem:s25], [sflag:$0x1] =	stream.linear.gather [hbm4b:s9+s21], $0x80, $0x38;
	[tilespmem:$0x1E900] =	vst v63  }
0x43: {  	_ = 	snop  }
0x44: {  	[tilespmem:s23], [sflag:$0x3] =	stream.indirect.gather [hbm4b:s5+s26], $0x80, s21, s26, $0xb8;
	[tilespmem:$0x1E900] =	vst v63  }
0x45: {  	_ =	swait.ge [sflag:s28], $0x4000  }
0x46: {  	[sflag:s28] =	ssyncset.done $0x0  }
0x47: {  	s18 =	rddreg [dreg:$0x6];
	[sflag:s28] =	ssyncadd.s32 $0xFFFFC000  }
0x48: {  	[tilespmem:s29], [sflag:$0x2] =	stream.linear.gather [hbm4b:s18+s21], $0x80, $0x38;
	[tilespmem:$0x1E900] =	vst v63  }
0x49: {  	_ = 	snop  }
0x4a: {  	[tilespmem:s30], [sflag:$0x4] =	stream.indirect.gather [hbm4b:s5+s26], $0x80, s26, s26, $0xb8;
	[tilespmem:$0x1E900] =	vst v63  }
0x4b: {  	_ =	swait.ge [sflag:s31], $0x80  }
0x4c: {  	[sflag:s31] =	ssyncset.done $0x0  }
0x4d: {  	[sflag:s31] =	ssyncadd.s32 $0xFFFFFF80  }
0x4e: {  	[spmem:s2] =	stream.indirect.scatter.add.f32 [tilespmem:s23], [sflag:$0x5], $0x80, s25, s26, $0xb8;
	[tilespmem:$0x1E900] =	vst v63  }
0x4f: {  	_ =	swait.ge [sflag:s1], $0x4000  }
0x50: {  	[sflag:s1] =	ssyncset.done $0x0  }
0x51: {  	[sflag:s1] =	ssyncadd.s32 $0xFFFFC000  }
0x52: {  	_ =	swait.ge [sflag:s0], $0x4000  }
0x53: {  	[sflag:s0] =	ssyncset.done $0x0  }
0x54: {  	s19 =	rddreg [dreg:$0x7];
	[sflag:s0] =	ssyncadd.s32 $0xFFFFC000  }
0x55: {  	[tilespmem:s25], [sflag:$0x1] =	stream.linear.gather [hbm4b:s19+s21], $0x80, $0x38;
	[tilespmem:$0x1E900] =	vst v63  }
0x56: {  	s20 =	simm.s32 $0x100  }
0x57: {  	[tilespmem:s23], [sflag:$0x3] =	stream.indirect.gather [hbm4b:s5+s26], $0x80, s20, s26, $0xb8;
	[tilespmem:$0x1E900] =	vst v63  }
0x58: {  	_ =	swait.ge [sflag:s8], $0x80  }
0x59: {  	[sflag:s8] =	ssyncset.done $0x0  }
0x5a: {  	[sflag:s8] =	ssyncadd.s32 $0xFFFFFF80  }
0x5b: {  	[spmem:s2] =	stream.indirect.scatter.add.f32 [tilespmem:s30], [sflag:$0x6], $0x80, s29, s26, $0xb8;
	[tilespmem:$0x1E900] =	vst v63  }
0x5c: {  	_ =	swait.ge [sflag:s28], $0x4000  }
0x5d: {  	[sflag:s28] =	ssyncset.done $0x0  }
0x5e: {  	s16 =	sadd.s32 $0x0, s4;
	s21 =	simm.s32 $0x30;
	[sflag:s28] =	ssyncadd.s32 $0xFFFFC000  }
0x5f: {  	s18 =	sadd.s32 $0x20, s16;
	s17 =	sand.u32 $0x70, s21;
	_ =	swait.ge [sflag:s10], $0x4000  }
0x60: {  	s18 =	sand.u32 $0xFFFFF80, s18;
	s17 =	sadd.s32 s6, s17;
	[sflag:s10] =	ssyncset.done $0x0  }
0x61: {  	s17 =	sadd.s32 s18, s17;
	[sflag:s10] =	ssyncadd.s32 $0xFFFFC000  }
0x62: {  	[tilespmem:s29], [sflag:$0x2] =	stream.linear.gather [hbm4b:s17+s3], $0x80, $0x38;
	[tilespmem:$0x1E900] =	vst v63  }
0x63: {  	s19 =	simm.s32 $0x180  }
0x64: {  	[tilespmem:s30], [sflag:$0x4] =	stream.indirect.gather [hbm4b:s5+s26], $0x80, s19, s26, $0xb8;
	[tilespmem:$0x1E900] =	vst v63  }
0x65: {  	_ =	swait.ge [sflag:s31], $0x80  }
0x66: {  	[sflag:s31] =	ssyncset.done $0x0  }
0x67: {  	[sflag:s31] =	ssyncadd.s32 $0xFFFFFF80  }
0x68: {  	[spmem:s2] =	stream.indirect.scatter.add.f32 [tilespmem:s23], [sflag:$0x5], $0x80, s25, s26, $0xb8;
	[tilespmem:$0x1E900] =	vst v63  }
0x69: {  	_ =	swait.ge [sflag:s1], $0x4000  }
0x6a: {  	[sflag:s1] =	ssyncset.done $0x0  }
0x6b: {  	s20 =	simm.s32 $0x40;
	[sflag:s1] =	ssyncadd.s32 $0xFFFFC000  }
0x6c: {  	s16 =	sadd.s32 $0x40, s16;
	s17 =	sand.u32 $0x60, s20;
	_ =	swait.ge [sflag:s0], $0x4000  }
0x6d: {  	s16 =	sand.u32 $0xFFFFF80, s16;
	s17 =	sadd.s32 s6, s17;
	[sflag:s0] =	ssyncset.done $0x0  }
0x6e: {  	s16 =	sadd.s32 s16, s17;
	[sflag:s0] =	ssyncadd.s32 $0xFFFFC000  }
0x6f: {  	[tilespmem:s25], [sflag:$0x1] =	stream.linear.gather [hbm4b:s16+s3], $0x80, $0x38;
	[tilespmem:$0x1E900] =	vst v63  }
0x70: {  	s21 =	simm.s32 $0x200  }
0x71: {  	[tilespmem:s23], [sflag:$0x3] =	stream.indirect.gather [hbm4b:s5+s26], $0x80, s21, s26, $0xb8;
	[tilespmem:$0x1E900] =	vst v63  }
0x72: {  	_ =	swait.ge [sflag:s8], $0x80  }
0x73: {  	[sflag:s8] =	ssyncset.done $0x0  }
0x74: {  	s17 =	simm.s32 $0x280;
	s16 =	simm.s32 $0x20;
	[sflag:s8] =	ssyncadd.s32 $0xFFFFFF80  }
.LBB2_4:
0x75: {  	[spmem:s2] =	stream.indirect.scatter.add.f32 [tilespmem:s30], [sflag:$0x6], $0x80, s29, s26, $0xb8;
	[tilespmem:$0x1E900] =	vst v63  }
0x76: {  	s18 =	smov.u32 s16  }
0x77: {  	p0 =	sne.s32 s16, $0x4A0;
	s16 =	sadd.s32 $0x20, s16;
	_ =	swait.ge [sflag:s28], $0x4000  }
0x78: {  	[sflag:s28] =	ssyncset.done $0x0  }
0x79: {  	s19 =	sadd.s32 s18, s4;
	s20 =	sadd.s32 $0x30, s18;
	[sflag:s28] =	ssyncadd.s32 $0xFFFFC000  }
0x7a: {  	s21 =	sadd.s32 $0x20, s19;
	s20 =	sand.u32 $0x70, s20;
	_ =	swait.ge [sflag:s10], $0x4000  }
0x7b: {  	s21 =	sand.u32 $0xFFFFF80, s21;
	s20 =	sadd.s32 s6, s20;
	[sflag:s10] =	ssyncset.done $0x0  }
0x7c: {  	s19 =	sadd.s32 $0x40, s19;
	s20 =	sadd.s32 s21, s20;
	[sflag:s10] =	ssyncadd.s32 $0xFFFFC000  }
0x7d: {  	[tilespmem:s29], [sflag:$0x2] =	stream.linear.gather [hbm4b:s20+s3], $0x80, $0x38;
	[tilespmem:$0x1E900] =	vst v63  }
0x7e: {  	s19 =	sand.u32 $0xFFFFF80, s19  }
0x7f: {  	[tilespmem:s30], [sflag:$0x4] =	stream.indirect.gather [hbm4b:s5+s26], $0x80, s17, s26, $0xb8;
	[tilespmem:$0x1E900] =	vst v63  }
0x80: {  	_ =	swait.ge [sflag:s31], $0x80  }
0x81: {  	[sflag:s31] =	ssyncset.done $0x0  }
0x82: {  	[sflag:s31] =	ssyncadd.s32 $0xFFFFFF80  }
0x83: {  	[spmem:s2] =	stream.indirect.scatter.add.f32 [tilespmem:s23], [sflag:$0x5], $0x80, s25, s26, $0xb8;
	[tilespmem:$0x1E900] =	vst v63  }
0x84: {  	_ =	swait.ge [sflag:s1], $0x4000  }
0x85: {  	[sflag:s1] =	ssyncset.done $0x0  }
0x86: {  	s18 =	sadd.s32 $0x40, s18;
	[sflag:s1] =	ssyncadd.s32 $0xFFFFC000  }
0x87: {  	s18 =	sand.u32 $0x60, s18;
	_ =	swait.ge [sflag:s0], $0x4000  }
0x88: {  	s18 =	sadd.s32 s6, s18;
	[sflag:s0] =	ssyncset.done $0x0  }
0x89: {  	s18 =	sadd.s32 s19, s18;
	[sflag:s0] =	ssyncadd.s32 $0xFFFFC000  }
0x8a: {  	[tilespmem:s25], [sflag:$0x1] =	stream.linear.gather [hbm4b:s18+s3], $0x80, $0x38;
	[tilespmem:$0x1E900] =	vst v63  }
.Ltmp1:
0x8b: {  	s18 =	sadd.s32 $0x80, s17;
	(pc) =	sbr.rel @p0 .LBB2_4-.Ltmp1, $4  }
0x8c: {  	[tilespmem:s23], [sflag:$0x3] =	stream.indirect.gather [hbm4b:s5+s26], $0x80, s18, s26, $0xb8;
	[tilespmem:$0x1E900] =	vst v63  }
0x8d: {  	_ =	swait.ge [sflag:s8], $0x80  }
0x8e: {  	[sflag:s8] =	ssyncset.done $0x0  }
0x8f: {  	s17 =	sadd.s32 $0x100, s17;
	[sflag:s8] =	ssyncadd.s32 $0xFFFFFF80  }
0x90: {  	[spmem:s2] =	stream.indirect.scatter.add.f32 [tilespmem:s30], [sflag:$0x6], $0x80, s29, s26, $0xb8;
	[tilespmem:$0x1E900] =	vst v63  }
0x91: {  	_ =	swait.ge [sflag:s28], $0x4000  }
0x92: {  	[sflag:s28] =	ssyncset.done $0x0  }
0x93: {  	[sflag:s28] =	ssyncadd.s32 $0xFFFFC000  }
0x94: {  	_ =	swait.ge [sflag:s10], $0x4000  }
0x95: {  	[sflag:s10] =	ssyncset.done $0x0  }
0x96: {  	[sflag:s10] =	ssyncadd.s32 $0xFFFFC000  }
0x97: {  	[tilespmem:s29], [sflag:$0x2] =	stream.linear.gather [hbm4b:s22+s3], $0x80, $0x38;
	[tilespmem:$0x1E900] =	vst v63  }
0x98: {  	s16 =	simm.s32 $0x2780  }
0x99: {  	[tilespmem:s30], [sflag:$0x4] =	stream.indirect.gather [hbm4b:s5+s26], $0x80, s16, s26, $0xb8;
	[tilespmem:$0x1E900] =	vst v63  }
0x9a: {  	_ =	swait.ge [sflag:s31], $0x80  }
0x9b: {  	[sflag:s31] =	ssyncset.done $0x0  }
0x9c: {  	[sflag:s31] =	ssyncadd.s32 $0xFFFFFF80  }
0x9d: {  	[spmem:s2] =	stream.indirect.scatter.add.f32 [tilespmem:s23], [sflag:$0x5], $0x80, s25, s26, $0xb8;
	[tilespmem:$0x1E900] =	vst v63  }
0x9e: {  	_ =	swait.ge [sflag:s1], $0x4000  }
0x9f: {  	[sflag:s1] =	ssyncset.done $0x0  }
0xa0: {  	[sflag:s1] =	ssyncadd.s32 $0xFFFFC000  }
0xa1: {  	_ =	swait.ge [sflag:s0], $0x4000  }
0xa2: {  	[sflag:s0] =	ssyncset.done $0x0  }
0xa3: {  	[sflag:s0] =	ssyncadd.s32 $0xFFFFC000  }
0xa4: {  	_ =	swait.ge [sflag:s8], $0x80  }
0xa5: {  	[sflag:s8] =	ssyncset.done $0x0  }
0xa6: {  	[sflag:s8] =	ssyncadd.s32 $0xFFFFFF80  }
0xa7: {  	[spmem:s2] =	stream.indirect.scatter.add.f32 [tilespmem:s30], [sflag:$0x6], $0x80, s29, s26, $0xb8;
	[tilespmem:$0x1E900] =	vst v63  }
0xa8: {  	_ =	swait.ge [sflag:s10], $0x4000  }
0xa9: {  	[sflag:s10] =	ssyncset.done $0x0  }
0xaa: {  	s19 =	stileid.u32;
	[sflag:s10] =	ssyncadd.s32 $0xFFFFC000  }
0xab: {  	s16 =	sshll.u32 s19, $0x6;
	[bflag:$0x0] =	sbarrier.arrive $0xFFFF  }
0xac: {  	s17 =	sshrl.u32 s7, $0x3;
	s16 =	sor.u32 $0x1C07, s16;
	s18 =	rddreg [dreg:$0x4]  }
0xad: {  	[hbm:s18], [sflag:s16] =	dma.local [spmem:s17], $0x800  }
0xae: {  	_ =	swait.ge [sflag:s24], $0x800  }
0xaf: {  	[sflag:s24] =	ssyncset.done $0x0  }
0xb0: {  	s20 =	sshrl.u32 s12, $0x3;
	s21 =	rddreg [dreg:$0x8];
	[sflag:s24] =	ssyncadd.s32 $0xFFFFF800  }
0xb1: {  	[hbm:s21], [sflag:s16] =	dma.local [spmem:s20], $0x800  }
0xb2: {  	_ =	swait.ge [sflag:s24], $0x800  }
0xb3: {  	[sflag:s24] =	ssyncset.done $0x0  }
0xb4: {  	s18 =	sshrl.u32 s13, $0x3;
	s19 =	rddreg [dreg:$0x9];
	[sflag:s24] =	ssyncadd.s32 $0xFFFFF800  }
0xb5: {  	[hbm:s19], [sflag:s16] =	dma.local [spmem:s18], $0x800  }
0xb6: {  	_ =	swait.ge [sflag:s24], $0x800  }
0xb7: {  	[sflag:s24] =	ssyncset.done $0x0  }
0xb8: {  	s20 =	sshrl.u32 s14, $0x3;
	s21 =	rddreg [dreg:$0xa];
	[sflag:s24] =	ssyncadd.s32 $0xFFFFF800  }
0xb9: {  	[hbm:s21], [sflag:s16] =	dma.local [spmem:s20], $0x800  }
0xba: {  	_ =	swait.ge [sflag:s24], $0x800  }
0xbb: {  	[sflag:s24] =	ssyncset.done $0x0  }
0xbc: {  	s19 =	sshrl.u32 s15, $0x3;
	s20 =	rddreg [dreg:$0xb];
	[sflag:s24] =	ssyncadd.s32 $0xFFFFF800  }
0xbd: {  	[hbm:s20], [sflag:s16] =	dma.local [spmem:s19], $0x800  }
0xbe: {  	_ =	swait.ge [sflag:s24], $0x800  }
0xbf: {  	s11 =	sadd.s32 $0x1, s11;
	s21 =	rddreg [dreg:$0x5]  }
0xc0: {  	p0 =	sne.s32 s11, s21  }
.Ltmp2:
0xc1: {  	_ = 	snop;
	(pc) =	sbr.rel @p0 .LBB2_1-.Ltmp2, $3  }
0xc2: {  	_ =	sdelay $0x1  }
0xc3: {  	[sflag:s24] =	ssyncset.done $0x0  }
0xc4: {  	[sflag:s24] =	ssyncadd.s32 $0xFFFFF800  }
0xc5: {  	_ =	sfence.sel $0x180000  }
0xc6: {  	[bflag:$0x0] =	sbarrier.arrive $0xFFFF  }
0xc7: {  	_ =	strace $0x9000004A  }
0xc8: {  	s0 =	stileid.u32;
	[bflag:$0x2] =	sbarrier.arrive $0xFFFF  }
0xc9: {  	p0 =	sne.s32 s0, $0x0;
	s0 =	rddreg [dreg:$0x2]  }
0xca: {  	s0 =	sadd.s32 @!p0 $0x100000, s0  }
0xcb: {  	[sflag:s0] =	ssyncadd.tile.s32 @!p0 $0x1;
	_ =	shalt  }
.Lfunc_end2:
_tile_overlayer_lowered:
.L_overlay_start_2:
0xcc: {  	(tag) =	ssettag $0x2  }
0xcd: {  	s0 =	rddreg [dreg:$0x0];
	s2 =	stileid.u32  }
0xce: {  	s1 =	rddreg [dreg:$0x1];
	p0 =	sne.s32 s2, $0x0  }
0xcf: {  	s3 =	rddreg [dreg:$0x2];
	[bflag:$0x3] =	sbarrier.arrive $0xFFFF;
	s2 =	simm.s32 @!p0 $0x1C07  }
0xd0: {  	[timem:s3], [sflag:s2] =	dma.local @!p0 [hbm:s0], s1  }
0xd1: {  	s0 =	simm.s32 @!p0 $0x7  }
0xd2: {  	_ =	swait.ge @!p0 [sflag:s0], s1  }
0xd3: {  	s1 =	ssub.s32 @!p0 $0x0, s1;
	[sflag:s0] =	ssyncset.done @!p0 $0x0  }
0xd4: {  	[sflag:s0] =	ssyncadd.s32 @!p0 s1  }
0xd5: {  	[bflag:$0x3] =	sbarrier.arrive $0xFFFF  }
0xd6: {  	_ =	shalt  }

// kernel: kernel.15.cloned.1.call-start
scs
__scs_entry_jumppad:
0x0: {  	(pc) =	sbr.rel $0x88, $3  }
0x1: {  	(tag) =	ssettag $0x0;
	lr =	simm.s32 $0x1  }
0x2: {  	[smem:$0x3F99] =	sst lr;
	_ =	strace $0xD0000000  }
0x3: {  	_ = 	snop  }
0x4: {  	_ = 	snop  }
0x5: {  	_ = 	snop  }
0x6: {  	_ = 	snop  }
0x7: {  	_ = 	snop  }
__scs_overlays_trampoline_lowered:
0x8: {  	[smem:$0x3FA8] =	sst s0  }
0x9: {  	[smem:$0x3FA9] =	sst s1  }
0xa: {  	[smem:$0x3FAA] =	sst s2  }
0xb: {  	[smem:$0x3FAB] =	sst s3  }
0xc: {  	[smem:$0x3FAC] =	sst s4  }
0xd: {  	[smem:$0x3FAD] =	sst s5  }
0xe: {  	[smem:$0x3FAE] =	sst s6  }
0xf: {  	[smem:$0x3FAF] =	sst s7  }
0x10: {  	[smem:$0x3FB0] =	sst s8  }
0x11: {  	[smem:$0x3FB1] =	sst s9;
	s0 =	simm.s32 @!p0 $0x0  }
0x12: {  	s1 =	sld [smem:$0x3F97];
	s0 =	simm.s32 @p0 $0x1  }
0x13: {  	[smem:$0x3FB2] =	sst s0;
	s0 =	simm.s32 @!p1 $0x0  }
0x14: {  	s2 =	sld [smem:$0x3F96];
	s0 =	simm.s32 @p1 $0x1  }
0x15: {  	[smem:$0x3FB3] =	sst s0;
	s0 =	simm.s32 @!p2 $0x0  }
0x16: {  	s3 =	sld [smem:$0x3FDB];
	s0 =	simm.s32 @p2 $0x1  }
0x17: {  	s4 =	simm.s32 $0x1BF5;
	[smem:$0x3FB5] =	sst s0  }
0x18: {  	s0 =	sld [smem:$0x3F98];
	_ =	swait.ge [sflag:s4], $0x0  }
0x19: {  	s7 =	sld [smem:$0x3F99]  }
0x1a: {  	s8 =	sadd.s32 $0xFFFFE003, lr  }
0x1b: {  	s9 =	sadd.s32 $0xFFFFFEF7, lr;
	s5 =	simm.s32 $0xFFFFFFFF;
	p2 =	slt.u32 s8, $0xFFFFF086  }
0x1c: {  	p1 =	slt.u32 s9, $0xF7A;
	s5 =	simm.s32 @!p2 $0x0  }
0x1d: {  	s5 =	simm.s32 @p1 $0x1;
	p0 =	seq.s32 s7, s2  }
0x1e: {  	s7 =	smul.u32 @!p0 $0xF7A, s2;
	p2 =	seq.s32 @!p0 s5, $0x0  }
0x1f: {  	s9 =	smul.u32 $0xF7A, s1;
	s8 =	simm.s32 @!p0 $0x1BF5;
	p2 =	por !p2, p0  }
0x20: {  	[sflag:s8] =	ssyncset.s32 @!p0 $0xFFFFF086;
	s6 =	sadd.s32 @!p0 s3, s7;
	s7 =	simm.s32 @!p0 $0x108  }
0x21: {  	s3 =	sadd.s32 s3, s9;
	s6 =	sadd.s32 @!p0 $0x88, s6;
	s7 =	simm.s32 @p2 $0x1082  }
0x22: {  	[simem:s7], [sflag:s8] =	dma.local @!p0 [hbm:s6], $0xF7A  }
0x23: {  	s9 =	sor.u32 $0xD0000000, s2;
	s6 =	simm.s32 $0x108;
	_ =	swait.ge @!p0 [sflag:s8], $0x0  }
0x24: {  	s3 =	sadd.s32 $0x88, s3;
	s6 =	simm.s32 @!p1 $0x1082;
	[sflag:s4] =	ssyncset.s32 $0xFFFFF086  }
0x25: {  	[simem:s6], [sflag:s4] =	dma.local [hbm:s3], $0xF7A  }
0x26: {  	[smem:$0x3F99] =	sst s1;
	(tag) =	ssettag s2;
	_ =	strace s9  }
0x27: {  	s1 =	sld [smem:$0x3FA9]  }
0x28: {  	s2 =	sld [smem:$0x3FAA]  }
0x29: {  	s4 =	sld [smem:$0x3FAC]  }
0x2a: {  	p0 =	seq.s32 s5, $0x0;
	s5 =	sld [smem:$0x3FAD]  }
0x2b: {  	s6 =	sld [smem:$0x3FAE]  }
0x2c: {  	s7 =	sld [smem:$0x3FAF]  }
0x2d: {  	s3 =	simm.s32 $0x108;
	s8 =	sld [smem:$0x3FB0]  }
0x2e: {  	s3 =	simm.s32 @!p0 $0x1082;
	s9 =	sld [smem:$0x3FB1]  }
0x2f: {  	lr =	sadd.s32 s0, s3;
	s0 =	sld [smem:$0x3FA8]  }
0x30: {  	s3 =	sld [smem:$0x3FAB]  }
0x31: {  	[smem:$0x3FB4] =	sst s10  }
0x32: {  	s10 =	sld [smem:$0x3FB2];
	_ =	sdelay $0x3  }
0x33: {  	p0 =	seq.s32 s10, $0x1;
	s10 =	sld [smem:$0x3FB4];
	_ =	sdelay $0x3  }
0x34: {  	[smem:$0x3FB4] =	sst s10  }
0x35: {  	s10 =	sld [smem:$0x3FB3];
	_ =	sdelay $0x3  }
0x36: {  	p1 =	seq.s32 s10, $0x1;
	s10 =	sld [smem:$0x3FB4];
	_ =	sdelay $0x3  }
0x37: {  	[smem:$0x3FB4] =	sst s10  }
0x38: {  	s10 =	sld [smem:$0x3FB5]  }
0x39: {  	_ = 	snop;
	(pc) =	sbr.ind lr, $3  }
0x3a: {  	_ = 	snop  }
0x3b: {  	_ = 	snop  }
0x3c: {  	p2 =	seq.s32 s10, $0x1;
	s10 =	sld [smem:$0x3FB4]  }
0x3d: {  	_ =	shalt  }
0x3e: {  	_ =	shalt  }
0x3f: {  	_ =	shalt  }
0x40: {  	_ =	shalt  }
0x41: {  	_ =	shalt  }
0x42: {  	_ =	shalt  }
0x43: {  	_ =	shalt  }
0x44: {  	_ =	shalt  }
0x45: {  	_ =	shalt  }
0x46: {  	_ =	shalt  }
0x47: {  	_ =	shalt  }
0x48: {  	_ =	shalt  }
0x49: {  	_ =	shalt  }
0x4a: {  	_ =	shalt  }
0x4b: {  	_ =	shalt  }
0x4c: {  	_ =	shalt  }
0x4d: {  	_ =	shalt  }
0x4e: {  	_ =	shalt  }
0x4f: {  	_ =	shalt  }
0x50: {  	_ =	shalt  }
0x51: {  	_ =	shalt  }
0x52: {  	_ =	shalt  }
0x53: {  	_ =	shalt  }
0x54: {  	_ =	shalt  }
0x55: {  	_ =	shalt  }
0x56: {  	_ =	shalt  }
0x57: {  	_ =	shalt  }
0x58: {  	_ =	shalt  }
0x59: {  	_ =	shalt  }
0x5a: {  	_ =	shalt  }
0x5b: {  	_ =	shalt  }
0x5c: {  	_ =	shalt  }
0x5d: {  	_ =	shalt  }
0x5e: {  	_ =	shalt  }
0x5f: {  	_ =	shalt  }
0x60: {  	_ =	shalt  }
0x61: {  	_ =	shalt  }
0x62: {  	_ =	shalt  }
0x63: {  	_ =	shalt  }
0x64: {  	_ =	shalt  }
0x65: {  	_ =	shalt  }
0x66: {  	_ =	shalt  }
0x67: {  	_ =	shalt  }
0x68: {  	_ =	shalt  }
0x69: {  	_ =	shalt  }
0x6a: {  	_ =	shalt  }
0x6b: {  	_ =	shalt  }
0x6c: {  	_ =	shalt  }
0x6d: {  	_ =	shalt  }
0x6e: {  	_ =	shalt  }
0x6f: {  	_ =	shalt  }
0x70: {  	_ =	shalt  }
0x71: {  	_ =	shalt  }
0x72: {  	_ =	shalt  }
0x73: {  	_ =	shalt  }
0x74: {  	_ =	shalt  }
0x75: {  	_ =	shalt  }
0x76: {  	_ =	shalt  }
0x77: {  	_ =	shalt  }
0x78: {  	_ =	shalt  }
0x79: {  	_ =	shalt  }
0x7a: {  	_ =	shalt  }
0x7b: {  	_ =	shalt  }
0x7c: {  	_ =	shalt  }
0x7d: {  	_ =	shalt  }
0x7e: {  	_ =	shalt  }
0x7f: {  	_ =	shalt  }
0x80: {  	_ =	shalt  }
0x81: {  	_ =	shalt  }
0x82: {  	_ =	shalt  }
0x83: {  	_ =	shalt  }
0x84: {  	_ =	shalt  }
0x85: {  	_ =	shalt  }
0x86: {  	_ =	shalt  }
0x87: {  	_ =	shalt  }
.Lfunc_end0:
.L_simem_size_0:
called_computation.2_lowered:
.L_overlay_start_0:
0x88: {  	s2 =	sld [smem:$0x3FD9]  }
0x89: {  	s3 =	sld [smem:$0x3FFE];
	_ =	sdelay $0x1  }
0x8a: {  	s1 =	srdreg.scid  }
0x8b: {  	s0 =	sand.u32 $0x1, s1  }
0x8c: {  	s16 =	sshll.u32 s0, $0xA;
	s2 =	sadd.s32 s3, s2  }
0x8d: {  	s2 =	sadd.s32 s2, s16  }
0x8e: {  	[smem:$0x3FC0] =	sst s2  }
0x8f: {  	_ = 	snop  }
0x90: {  	(tm) =	ssettm $0x1  }
0x91: {  	s17 =	sld [smem:$0x3FFB];
	_ =	sdelay $0x3  }
0x92: {  	_ =	strace s17  }
0x93: {  	s2 =	sld [smem:$0x3FFC];
	_ =	sdelay $0x3  }
0x94: {  	_ =	strace s2  }
0x95: {  	s2 =	sld [smem:$0x3FFD];
	_ =	sdelay $0x3  }
0x96: {  	_ =	strace s2  }
0x97: {  	_ =	strace $0x8FFFFFFF  }
0x98: {  	s18 =	sld [smem:$0x3FDB];
	_ =	sdelay $0x1  }
0x99: {  	s19 =	simm.s32 $_scs_section_size  }
0x9a: {  	s4 =	simm.s32 $_size__tile_overlayer_lowered;
	s5 =	simm.s32 $_tile_overlayer_lowered  }
0x9b: {  	s22 =	simm.s32 $0x1BFF;
	s21 =	sshll.u32 s5, $0x1;
	s2 =	sadd.s32 s19, s18  }
0x9c: {  	s6 =	simm.s32 $0x0;
	s20 =	sshll.u32 s4, $0x1;
	s4 =	sadd.s32 s21, s2  }
0x9d: {  	[timem:s6], [sflag:s22] =	dma.local [hbm:s4], s20  }
0x9e: {  	_ =	swait.ge [sflag:s22], s20  }
0x9f: {  	s3 =	ssub.s32 $0x0, s20;
	[sflag:s22] =	ssyncset.done $0x0  }
0xa0: {  	[sflag:s22] =	ssyncadd.s32 s3;
	_ =	sdelay $0x1  }
0xa1: {  	s23 =	simm.s32 $0x1B8B  }
0xa2: {  	_ =	swait.ge [sflag:s23], $0x1  }
0xa3: {  	[sflag:s23] =	ssyncset.done $0x0  }
0xa4: {  	s25 =	simm.s32 $0x1B8E;
	s24 =	sld [smem:$0x3FFE];
	[sflag:s23] =	ssyncadd.s32 $0xFFFFFFFF  }
0xa5: {  	s26 =	simm.s32 $execute0_lowered;
	[smem:$0x3FD2] =	sst s25  }
0xa6: {  	s4 =	sshll.u32 s26, $0x1;
	_ =	strace $0x8000004C;
	[dreg:$0x1] =	wrdreg $0xFFFFFFFF  }
0xa7: {  	s28 =	simm.s32 $_size_execute0_lowered;
	s2 =	sadd.s32 s2, s4;
	[dreg:$0x0] =	wrdreg $0x0  }
0xa8: {  	s4 =	sshll.u32 s28, $0x1;
	[dreg:$0x2] =	wrdreg s2  }
0xa9: {  	[dreg:$0x3] =	wrdreg s4  }
0xaa: {  	[dreg:$0x4] =	wrdreg $0xC0  }
0xab: {  	_ =	task [dreg:s6], $0x5FFFF  }
0xac: {  	[dreg:$0x1] =	wrdreg $0xFFFFFFFF  }
0xad: {  	[dreg:$0x0] =	wrdreg $0x60  }
0xae: {  	[dreg:$0x2] =	wrdreg s24  }
0xaf: {  	[dreg:$0x3] =	wrdreg $0xA9000  }
0xb0: {  	[dreg:$0x4] =	wrdreg $0x9  }
0xb1: {  	_ =	task.clear_ibuf [dreg:s6], $0x5FFFF;
	_ =	strace $0x9000004C  }
0xb2: {  	s29 =	simm.s32 $0x9;
	_ =	strace $0x8000004E  }
0xb3: {  	_ =	swait.ge [sflag:s29], $0x1  }
0xb4: {  	[sflag:s29] =	ssyncadd.s32 $0xFFFFFFFF  }
0xb5: {  	_ =	strace $0x9000004E  }
0xb6: {  	_ =	sfence  }
0xb7: {  	s30 =	sld [smem:$0x0];
	_ =	sdelay $0x2  }
0xb8: {  	s31 =	sshll.u32 s1, $0xD;
	s1 =	sshrl.u32 s1, $0x2  }
0xb9: {  	s3 =	sand.u32 $0x4000, s31;
	s1 =	sadd.s32 s1, s30  }
0xba: {  	s0 =	sor.u32 s3, s0;
	s1 =	sshll.u32 s1, $0x11  }
0xbb: {  	s0 =	sor.u32 s1, s0  }
0xbc: {  	s0 =	sadd.s32 $0x8F2B, s0  }
0xbd: {  	[sflag:s0] =	ssyncadd.remote.s32 $0x1  }
0xbe: {  	_ =	sfence.sel $0xFFFF  }
0xbf: {  	[dreg:$0x0] =	wrdreg $0xFFFFFFFF;
	(pc) =	sbr.abs _section_cstart, $3  }
0xc0: {  	[dreg:$0x1] =	wrdreg $0xFFFFFFFF  }
0xc1: {  	_ =	task.clear_ibuf [dreg:s6], $0x2FFFF;
	_ =	strace $0x9FFFFFFF  }
0xc2: {  	(tm) =	ssettm $0x7FFFFFFF  }
0xc3: {  	_ =	shalt  }
tec
execute0_lowered:
.L_overlay_start_1:
0x0: {  	(tag) =	ssettag $0x1  }
0x1: {  	s0 =	rddreg [dreg:$0x0]  }
0x2: {  	s2 =	rddreg [dreg:$0x1]  }
0x3: {  	s6 =	stileid.u32;
	s1 =	srdreg.scid  }
0x4: {  	s3 =	simm.s32 $0x0;
	s28 =	simm.s32 $0x3;
	s29 =	simm.s32 $0x2880  }
0x5: {  	s30 =	simm.s32 $0x6900;
	s31 =	simm.s32 $0x1;
	s4 =	smul.u32 $0x50, s6  }
0x6: {  	s11 =	simm.s32 $0x0;
	s1 =	sand.u32 $0x1, s1;
	s7 =	smul.u32 $0x280, s6  }
0x7: {  	[smem:$0x7FF] =	sst s3;
	s10 =	smul.u32 $0x50000, s6;
	s6 =	sadd.s32 $0xCC00, s0  }
0x8: {  	p0 =	seq.s32 s1, $0x0;
	s8 =	smul.u32 $0x2800, s1;
	s1 =	ssub.s32 $0x2, s1  }
0x9: {  	_ =	strace $0x8000004D;
	s5 =	sadd.s32 $0x500, s4;
	s19 =	sshrl.u32 s1, $0x1  }
0xa: {  	s10 =	sshrl.u32 s10, $0x2;
	s5 =	smov.u32 @p0 s4;
	s7 =	sadd.s32 s8, s7  }
0xb: {  	s1 =	ssub.s32 s1, s19;
	s8 =	simm.s32 $0x2;
	s4 =	sshll.u32 s5, $0x4  }
0xc: {  	s5 =	sadd.s32 $0x16C00, s0;
	s7 =	sshll.u32 s7, $0x4;
	s1 =	smax.u32 s1, $0x1  }
0xd: {  	s9 =	sadd.s32 s4, s0;
	s0 =	sadd.s32 s7, s0;
	s7 =	sadd.s32 s10, s2  }
0xe: {  	[dreg:$0x5] =	wrdreg s1;
	s1 =	simm.s32 $0x4;
	s10 =	simm.s32 $0x6  }
0xf: {  	s20 =	sadd.s32 $0x2C00, s9;
	s9 =	sadd.s32 s6, s4;
	s21 =	sadd.s32 $0x64E00, s0  }
0x10: {  	s12 =	sadd.s32 $0x4000, s7;
	s13 =	sadd.s32 $0x8000, s7;
	[dreg:$0x3] =	wrdreg s20  }
0x11: {  	s14 =	sadd.s32 $0xC000, s7;
	s24 =	sadd.s32 $0x65600, s0;
	[dreg:$0x4] =	wrdreg s21  }
0x12: {  	s15 =	sadd.s32 $0x10000, s7;
	s25 =	sadd.s32 $0x65E00, s0;
	[dreg:$0x8] =	wrdreg s24  }
0x13: {  	s26 =	sadd.s32 $0x66600, s0;
	s0 =	sadd.s32 $0x66E00, s0;
	[dreg:$0x9] =	wrdreg s25  }
0x14: {  	s22 =	sadd.s32 $0x10, s9;
	s23 =	sadd.s32 $0x20, s9;
	[dreg:$0xa] =	wrdreg s26  }
0x15: {  	[dreg:$0xb] =	wrdreg s0;
	s24 =	simm.s32 $0x7;
	s25 =	simm.s32 $0x2800  }
0x16: {  	s26 =	simm.s32 $0x80;
	s0 =	simm.s32 $0x5;
	[dreg:$0x6] =	wrdreg s22  }
0x17: {  	v0 =	vimm.f32 $0.0e+00;
	[dreg:$0x7] =	wrdreg s23;
	s22 =	sadd.s32 $0x4F0, s9;
	s23 =	simm.s32 $0x2900  }
.LBB2_1:
0x18: {  	s16 =	simm.s32 $0x0;
	s17 =	simm.s32 $0x200  }
.LBB2_2:
0x19: {  	p0 =	sne.s32 s17, $0xFE00;
	[tilespmem:s16+$0x2970] =	vst v0  }
0x1a: {  	[tilespmem:s16+$0x2900] =	vst v0  }
0x1b: {  	[tilespmem:s16+$0x2910] =	vst v0  }
.Ltmp0:
0x1c: {  	[tilespmem:s16+$0x2920] =	vst v0;
	(pc) =	sbr.rel @p0 .LBB2_2-.Ltmp0, $4  }
0x1d: {  	[tilespmem:s16+$0x2930] =	vst v0  }
0x1e: {  	[tilespmem:s16+$0x2940] =	vst v0  }
0x1f: {  	[tilespmem:s16+$0x2950] =	vst v0  }
0x20: {  	[tilespmem:s16+$0x2960] =	vst v0;
	s16 =	sshra.s32 s17, $0x2;
	s17 =	sadd.s32 $0x200, s17  }
0x21: {  	[tilespmem:s16+$0x2970] =	vst v0  }
0x22: {  	[tilespmem:s16+$0x2900] =	vst v0  }
0x23: {  	[tilespmem:s16+$0x2910] =	vst v0  }
0x24: {  	[tilespmem:s16+$0x2920] =	vst v0  }
0x25: {  	[tilespmem:s16+$0x2930] =	vst v0  }
0x26: {  	[tilespmem:s16+$0x2940] =	vst v0  }
0x27: {  	[tilespmem:s16+$0x2950] =	vst v0  }
0x28: {  	[tilespmem:s16+$0x2960] =	vst v0  }
0x29: {  	[spmem:s7] =	stream.linear.scatter [tilespmem:s23], [sflag:$0x7], $0x4000, $0x38;
	[tilespmem:$0x1E900] =	vst v63  }
0x2a: {  	_ =	swait.ge [sflag:s24], $0x4000  }
0x2b: {  	[sflag:s24] =	ssyncset.done $0x0  }
0x2c: {  	[sflag:s24] =	ssyncadd.s32 $0xFFFFC000  }
0x2d: {  	[spmem:s12] =	stream.linear.scatter [tilespmem:s23], [sflag:$0x7], $0x4000, $0x38;
	[tilespmem:$0x1E900] =	vst v63  }
0x2e: {  	_ =	swait.ge [sflag:s24], $0x4000  }
0x2f: {  	[sflag:s24] =	ssyncset.done $0x0  }
0x30: {  	[sflag:s24] =	ssyncadd.s32 $0xFFFFC000  }
0x31: {  	[spmem:s13] =	stream.linear.scatter [tilespmem:s23], [sflag:$0x7], $0x4000, $0x38;
	[tilespmem:$0x1E900] =	vst v63  }
0x32: {  	_ =	swait.ge [sflag:s24], $0x4000  }
0x33: {  	[sflag:s24] =	ssyncset.done $0x0  }
0x34: {  	[sflag:s24] =	ssyncadd.s32 $0xFFFFC000  }
0x35: {  	[spmem:s14] =	stream.linear.scatter [tilespmem:s23], [sflag:$0x7], $0x4000, $0x38;
	[tilespmem:$0x1E900] =	vst v63  }
0x36: {  	_ =	swait.ge [sflag:s24], $0x4000  }
0x37: {  	[sflag:s24] =	ssyncset.done $0x0  }
0x38: {  	[sflag:s24] =	ssyncadd.s32 $0xFFFFC000  }
0x39: {  	[spmem:s15] =	stream.linear.scatter [tilespmem:s23], [sflag:$0x7], $0x4000, $0x38;
	[tilespmem:$0x1E900] =	vst v63  }
0x3a: {  	_ =	swait.ge [sflag:s24], $0x4000  }
0x3b: {  	[sflag:s24] =	ssyncset.done $0x0  }
0x3c: {  	s21 =	simm.s32 $0x0;
	s17 =	rddreg [dreg:$0x3];
	[sflag:s24] =	ssyncadd.s32 $0xFFFFC000  }
0x3d: {  	[tilespmem:s21], [sflag:$0x7] =	stream.linear.gather [hbm4b:s17+s21], $0x2800, $0x38;
	[tilespmem:$0x1E900] =	vst v63  }
0x3e: {  	_ =	swait.ge [sflag:s24], $0x2800  }
0x3f: {  	[sflag:s24] =	ssyncset.done $0x0  }
0x40: {  	[sflag:s24] =	ssyncadd.s32 $0xFFFFD800  }
0x41: {  	[bflag:$0x0] =	sbarrier.arrive $0xFFFF  }
0x42: {  	[tilespmem:s25], [sflag:$0x1] =	stream.linear.gather [hbm4b:s9+s21], $0x80, $0x38;
	[tilespmem:$0x1E900] =	vst v63  }
0x43: {  	_ = 	snop  }
0x44: {  	[tilespmem:s23], [sflag:$0x3] =	stream.indirect.gather [hbm4b:s5+s26], $0x80, s21, s26, $0xb8;
	[tilespmem:$0x1E900] =	vst v63  }
0x45: {  	_ =	swait.ge [sflag:s28], $0x4000  }
0x46: {  	[sflag:s28] =	ssyncset.done $0x0  }
0x47: {  	s18 =	rddreg [dreg:$0x6];
	[sflag:s28] =	ssyncadd.s32 $0xFFFFC000  }
0x48: {  	[tilespmem:s29], [sflag:$0x2] =	stream.linear.gather [hbm4b:s18+s21], $0x80, $0x38;
	[tilespmem:$0x1E900] =	vst v63  }
0x49: {  	_ = 	snop  }
0x4a: {  	[tilespmem:s30], [sflag:$0x4] =	stream.indirect.gather [hbm4b:s5+s26], $0x80, s26, s26, $0xb8;
	[tilespmem:$0x1E900] =	vst v63  }
0x4b: {  	_ =	swait.ge [sflag:s31], $0x80  }
0x4c: {  	[sflag:s31] =	ssyncset.done $0x0  }
0x4d: {  	[sflag:s31] =	ssyncadd.s32 $0xFFFFFF80  }
0x4e: {  	[spmem:s2] =	stream.indirect.scatter.add.f32 [tilespmem:s23], [sflag:$0x5], $0x80, s25, s26, $0xb8;
	[tilespmem:$0x1E900] =	vst v63  }
0x4f: {  	_ =	swait.ge [sflag:s1], $0x4000  }
0x50: {  	[sflag:s1] =	ssyncset.done $0x0  }
0x51: {  	[sflag:s1] =	ssyncadd.s32 $0xFFFFC000  }
0x52: {  	_ =	swait.ge [sflag:s0], $0x4000  }
0x53: {  	[sflag:s0] =	ssyncset.done $0x0  }
0x54: {  	s19 =	rddreg [dreg:$0x7];
	[sflag:s0] =	ssyncadd.s32 $0xFFFFC000  }
0x55: {  	[tilespmem:s25], [sflag:$0x1] =	stream.linear.gather [hbm4b:s19+s21], $0x80, $0x38;
	[tilespmem:$0x1E900] =	vst v63  }
0x56: {  	s20 =	simm.s32 $0x100  }
0x57: {  	[tilespmem:s23], [sflag:$0x3] =	stream.indirect.gather [hbm4b:s5+s26], $0x80, s20, s26, $0xb8;
	[tilespmem:$0x1E900] =	vst v63  }
0x58: {  	_ =	swait.ge [sflag:s8], $0x80  }
0x59: {  	[sflag:s8] =	ssyncset.done $0x0  }
0x5a: {  	[sflag:s8] =	ssyncadd.s32 $0xFFFFFF80  }
0x5b: {  	[spmem:s2] =	stream.indirect.scatter.add.f32 [tilespmem:s30], [sflag:$0x6], $0x80, s29, s26, $0xb8;
	[tilespmem:$0x1E900] =	vst v63  }
0x5c: {  	_ =	swait.ge [sflag:s28], $0x4000  }
0x5d: {  	[sflag:s28] =	ssyncset.done $0x0  }
0x5e: {  	s16 =	sadd.s32 $0x0, s4;
	s21 =	simm.s32 $0x30;
	[sflag:s28] =	ssyncadd.s32 $0xFFFFC000  }
0x5f: {  	s18 =	sadd.s32 $0x20, s16;
	s17 =	sand.u32 $0x70, s21;
	_ =	swait.ge [sflag:s10], $0x4000  }
0x60: {  	s18 =	sand.u32 $0xFFFFF80, s18;
	s17 =	sadd.s32 s6, s17;
	[sflag:s10] =	ssyncset.done $0x0  }
0x61: {  	s17 =	sadd.s32 s18, s17;
	[sflag:s10] =	ssyncadd.s32 $0xFFFFC000  }
0x62: {  	[tilespmem:s29], [sflag:$0x2] =	stream.linear.gather [hbm4b:s17+s3], $0x80, $0x38;
	[tilespmem:$0x1E900] =	vst v63  }
0x63: {  	s19 =	simm.s32 $0x180  }
0x64: {  	[tilespmem:s30], [sflag:$0x4] =	stream.indirect.gather [hbm4b:s5+s26], $0x80, s19, s26, $0xb8;
	[tilespmem:$0x1E900] =	vst v63  }
0x65: {  	_ =	swait.ge [sflag:s31], $0x80  }
0x66: {  	[sflag:s31] =	ssyncset.done $0x0  }
0x67: {  	[sflag:s31] =	ssyncadd.s32 $0xFFFFFF80  }
0x68: {  	[spmem:s2] =	stream.indirect.scatter.add.f32 [tilespmem:s23], [sflag:$0x5], $0x80, s25, s26, $0xb8;
	[tilespmem:$0x1E900] =	vst v63  }
0x69: {  	_ =	swait.ge [sflag:s1], $0x4000  }
0x6a: {  	[sflag:s1] =	ssyncset.done $0x0  }
0x6b: {  	s20 =	simm.s32 $0x40;
	[sflag:s1] =	ssyncadd.s32 $0xFFFFC000  }
0x6c: {  	s16 =	sadd.s32 $0x40, s16;
	s17 =	sand.u32 $0x60, s20;
	_ =	swait.ge [sflag:s0], $0x4000  }
0x6d: {  	s16 =	sand.u32 $0xFFFFF80, s16;
	s17 =	sadd.s32 s6, s17;
	[sflag:s0] =	ssyncset.done $0x0  }
0x6e: {  	s16 =	sadd.s32 s16, s17;
	[sflag:s0] =	ssyncadd.s32 $0xFFFFC000  }
0x6f: {  	[tilespmem:s25], [sflag:$0x1] =	stream.linear.gather [hbm4b:s16+s3], $0x80, $0x38;
	[tilespmem:$0x1E900] =	vst v63  }
0x70: {  	s21 =	simm.s32 $0x200  }
0x71: {  	[tilespmem:s23], [sflag:$0x3] =	stream.indirect.gather [hbm4b:s5+s26], $0x80, s21, s26, $0xb8;
	[tilespmem:$0x1E900] =	vst v63  }
0x72: {  	_ =	swait.ge [sflag:s8], $0x80  }
0x73: {  	[sflag:s8] =	ssyncset.done $0x0  }
0x74: {  	s17 =	simm.s32 $0x280;
	s16 =	simm.s32 $0x20;
	[sflag:s8] =	ssyncadd.s32 $0xFFFFFF80  }
.LBB2_4:
0x75: {  	[spmem:s2] =	stream.indirect.scatter.add.f32 [tilespmem:s30], [sflag:$0x6], $0x80, s29, s26, $0xb8;
	[tilespmem:$0x1E900] =	vst v63  }
0x76: {  	s18 =	smov.u32 s16  }
0x77: {  	p0 =	sne.s32 s16, $0x4A0;
	s16 =	sadd.s32 $0x20, s16;
	_ =	swait.ge [sflag:s28], $0x4000  }
0x78: {  	[sflag:s28] =	ssyncset.done $0x0  }
0x79: {  	s19 =	sadd.s32 s18, s4;
	s20 =	sadd.s32 $0x30, s18;
	[sflag:s28] =	ssyncadd.s32 $0xFFFFC000  }
0x7a: {  	s21 =	sadd.s32 $0x20, s19;
	s20 =	sand.u32 $0x70, s20;
	_ =	swait.ge [sflag:s10], $0x4000  }
0x7b: {  	s21 =	sand.u32 $0xFFFFF80, s21;
	s20 =	sadd.s32 s6, s20;
	[sflag:s10] =	ssyncset.done $0x0  }
0x7c: {  	s19 =	sadd.s32 $0x40, s19;
	s20 =	sadd.s32 s21, s20;
	[sflag:s10] =	ssyncadd.s32 $0xFFFFC000  }
0x7d: {  	[tilespmem:s29], [sflag:$0x2] =	stream.linear.gather [hbm4b:s20+s3], $0x80, $0x38;
	[tilespmem:$0x1E900] =	vst v63  }
0x7e: {  	s19 =	sand.u32 $0xFFFFF80, s19  }
0x7f: {  	[tilespmem:s30], [sflag:$0x4] =	stream.indirect.gather [hbm4b:s5+s26], $0x80, s17, s26, $0xb8;
	[tilespmem:$0x1E900] =	vst v63  }
0x80: {  	_ =	swait.ge [sflag:s31], $0x80  }
0x81: {  	[sflag:s31] =	ssyncset.done $0x0  }
0x82: {  	[sflag:s31] =	ssyncadd.s32 $0xFFFFFF80  }
0x83: {  	[spmem:s2] =	stream.indirect.scatter.add.f32 [tilespmem:s23], [sflag:$0x5], $0x80, s25, s26, $0xb8;
	[tilespmem:$0x1E900] =	vst v63  }
0x84: {  	_ =	swait.ge [sflag:s1], $0x4000  }
0x85: {  	[sflag:s1] =	ssyncset.done $0x0  }
0x86: {  	s18 =	sadd.s32 $0x40, s18;
	[sflag:s1] =	ssyncadd.s32 $0xFFFFC000  }
0x87: {  	s18 =	sand.u32 $0x60, s18;
	_ =	swait.ge [sflag:s0], $0x4000  }
0x88: {  	s18 =	sadd.s32 s6, s18;
	[sflag:s0] =	ssyncset.done $0x0  }
0x89: {  	s18 =	sadd.s32 s19, s18;
	[sflag:s0] =	ssyncadd.s32 $0xFFFFC000  }
0x8a: {  	[tilespmem:s25], [sflag:$0x1] =	stream.linear.gather [hbm4b:s18+s3], $0x80, $0x38;
	[tilespmem:$0x1E900] =	vst v63  }
.Ltmp1:
0x8b: {  	s18 =	sadd.s32 $0x80, s17;
	(pc) =	sbr.rel @p0 .LBB2_4-.Ltmp1, $4  }
0x8c: {  	[tilespmem:s23], [sflag:$0x3] =	stream.indirect.gather [hbm4b:s5+s26], $0x80, s18, s26, $0xb8;
	[tilespmem:$0x1E900] =	vst v63  }
0x8d: {  	_ =	swait.ge [sflag:s8], $0x80  }
0x8e: {  	[sflag:s8] =	ssyncset.done $0x0  }
0x8f: {  	s17 =	sadd.s32 $0x100, s17;
	[sflag:s8] =	ssyncadd.s32 $0xFFFFFF80  }
0x90: {  	[spmem:s2] =	stream.indirect.scatter.add.f32 [tilespmem:s30], [sflag:$0x6], $0x80, s29, s26, $0xb8;
	[tilespmem:$0x1E900] =	vst v63  }
0x91: {  	_ =	swait.ge [sflag:s28], $0x4000  }
0x92: {  	[sflag:s28] =	ssyncset.done $0x0  }
0x93: {  	[sflag:s28] =	ssyncadd.s32 $0xFFFFC000  }
0x94: {  	_ =	swait.ge [sflag:s10], $0x4000  }
0x95: {  	[sflag:s10] =	ssyncset.done $0x0  }
0x96: {  	[sflag:s10] =	ssyncadd.s32 $0xFFFFC000  }
0x97: {  	[tilespmem:s29], [sflag:$0x2] =	stream.linear.gather [hbm4b:s22+s3], $0x80, $0x38;
	[tilespmem:$0x1E900] =	vst v63  }
0x98: {  	s16 =	simm.s32 $0x2780  }
0x99: {  	[tilespmem:s30], [sflag:$0x4] =	stream.indirect.gather [hbm4b:s5+s26], $0x80, s16, s26, $0xb8;
	[tilespmem:$0x1E900] =	vst v63  }
0x9a: {  	_ =	swait.ge [sflag:s31], $0x80  }
0x9b: {  	[sflag:s31] =	ssyncset.done $0x0  }
0x9c: {  	[sflag:s31] =	ssyncadd.s32 $0xFFFFFF80  }
0x9d: {  	[spmem:s2] =	stream.indirect.scatter.add.f32 [tilespmem:s23], [sflag:$0x5], $0x80, s25, s26, $0xb8;
	[tilespmem:$0x1E900] =	vst v63  }
0x9e: {  	_ =	swait.ge [sflag:s1], $0x4000  }
0x9f: {  	[sflag:s1] =	ssyncset.done $0x0  }
0xa0: {  	[sflag:s1] =	ssyncadd.s32 $0xFFFFC000  }
0xa1: {  	_ =	swait.ge [sflag:s0], $0x4000  }
0xa2: {  	[sflag:s0] =	ssyncset.done $0x0  }
0xa3: {  	[sflag:s0] =	ssyncadd.s32 $0xFFFFC000  }
0xa4: {  	_ =	swait.ge [sflag:s8], $0x80  }
0xa5: {  	[sflag:s8] =	ssyncset.done $0x0  }
0xa6: {  	[sflag:s8] =	ssyncadd.s32 $0xFFFFFF80  }
0xa7: {  	[spmem:s2] =	stream.indirect.scatter.add.f32 [tilespmem:s30], [sflag:$0x6], $0x80, s29, s26, $0xb8;
	[tilespmem:$0x1E900] =	vst v63  }
0xa8: {  	_ =	swait.ge [sflag:s10], $0x4000  }
0xa9: {  	[sflag:s10] =	ssyncset.done $0x0  }
0xaa: {  	s19 =	stileid.u32;
	[sflag:s10] =	ssyncadd.s32 $0xFFFFC000  }
0xab: {  	s16 =	sshll.u32 s19, $0x6;
	[bflag:$0x0] =	sbarrier.arrive $0xFFFF  }
0xac: {  	s17 =	sshrl.u32 s7, $0x3;
	s16 =	sor.u32 $0x1C07, s16;
	s18 =	rddreg [dreg:$0x4]  }
0xad: {  	[hbm:s18], [sflag:s16] =	dma.local [spmem:s17], $0x800  }
0xae: {  	_ =	swait.ge [sflag:s24], $0x800  }
0xaf: {  	[sflag:s24] =	ssyncset.done $0x0  }
0xb0: {  	s20 =	sshrl.u32 s12, $0x3;
	s21 =	rddreg [dreg:$0x8];
	[sflag:s24] =	ssyncadd.s32 $0xFFFFF800  }
0xb1: {  	[hbm:s21], [sflag:s16] =	dma.local [spmem:s20], $0x800  }
0xb2: {  	_ =	swait.ge [sflag:s24], $0x800  }
0xb3: {  	[sflag:s24] =	ssyncset.done $0x0  }
0xb4: {  	s18 =	sshrl.u32 s13, $0x3;
	s19 =	rddreg [dreg:$0x9];
	[sflag:s24] =	ssyncadd.s32 $0xFFFFF800  }
0xb5: {  	[hbm:s19], [sflag:s16] =	dma.local [spmem:s18], $0x800  }
0xb6: {  	_ =	swait.ge [sflag:s24], $0x800  }
0xb7: {  	[sflag:s24] =	ssyncset.done $0x0  }
0xb8: {  	s20 =	sshrl.u32 s14, $0x3;
	s21 =	rddreg [dreg:$0xa];
	[sflag:s24] =	ssyncadd.s32 $0xFFFFF800  }
0xb9: {  	[hbm:s21], [sflag:s16] =	dma.local [spmem:s20], $0x800  }
0xba: {  	_ =	swait.ge [sflag:s24], $0x800  }
0xbb: {  	[sflag:s24] =	ssyncset.done $0x0  }
0xbc: {  	s19 =	sshrl.u32 s15, $0x3;
	s20 =	rddreg [dreg:$0xb];
	[sflag:s24] =	ssyncadd.s32 $0xFFFFF800  }
0xbd: {  	[hbm:s20], [sflag:s16] =	dma.local [spmem:s19], $0x800  }
0xbe: {  	_ =	swait.ge [sflag:s24], $0x800  }
0xbf: {  	s11 =	sadd.s32 $0x1, s11;
	s21 =	rddreg [dreg:$0x5]  }
0xc0: {  	p0 =	sne.s32 s11, s21  }
.Ltmp2:
0xc1: {  	_ = 	snop;
	(pc) =	sbr.rel @p0 .LBB2_1-.Ltmp2, $3  }
0xc2: {  	_ =	sdelay $0x1  }
0xc3: {  	[sflag:s24] =	ssyncset.done $0x0  }
0xc4: {  	[sflag:s24] =	ssyncadd.s32 $0xFFFFF800  }
0xc5: {  	_ =	sfence.sel $0x180000  }
0xc6: {  	[bflag:$0x0] =	sbarrier.arrive $0xFFFF  }
0xc7: {  	_ =	strace $0x9000004D  }
0xc8: {  	s0 =	stileid.u32;
	[bflag:$0x2] =	sbarrier.arrive $0xFFFF  }
0xc9: {  	p0 =	sne.s32 s0, $0x0;
	s0 =	rddreg [dreg:$0x2]  }
0xca: {  	s0 =	sadd.s32 @!p0 $0x100000, s0  }
0xcb: {  	[sflag:s0] =	ssyncadd.tile.s32 @!p0 $0x1;
	_ =	shalt  }
.Lfunc_end2:
_tile_overlayer_lowered:
.L_overlay_start_2:
0xcc: {  	(tag) =	ssettag $0x2  }
0xcd: {  	s0 =	rddreg [dreg:$0x0];
	s2 =	stileid.u32  }
0xce: {  	s1 =	rddreg [dreg:$0x1];
	p0 =	sne.s32 s2, $0x0  }
0xcf: {  	s3 =	rddreg [dreg:$0x2];
	[bflag:$0x3] =	sbarrier.arrive $0xFFFF;
	s2 =	simm.s32 @!p0 $0x1C07  }
0xd0: {  	[timem:s3], [sflag:s2] =	dma.local @!p0 [hbm:s0], s1  }
0xd1: {  	s0 =	simm.s32 @!p0 $0x7  }
0xd2: {  	_ =	swait.ge @!p0 [sflag:s0], s1  }
0xd3: {  	s1 =	ssub.s32 @!p0 $0x0, s1;
	[sflag:s0] =	ssyncset.done @!p0 $0x0  }
0xd4: {  	[sflag:s0] =	ssyncadd.s32 @!p0 s1  }
0xd5: {  	[bflag:$0x3] =	sbarrier.arrive $0xFFFF  }
0xd6: {  	_ =	shalt  }

// kernel: kernel.9.cloned.1.call-start
scs
__scs_entry_jumppad:
0x0: {  	(pc) =	sbr.rel $0x88, $3  }
0x1: {  	(tag) =	ssettag $0x0;
	lr =	simm.s32 $0x1  }
0x2: {  	[smem:$0x3F99] =	sst lr;
	_ =	strace $0xD0000000  }
0x3: {  	_ = 	snop  }
0x4: {  	_ = 	snop  }
0x5: {  	_ = 	snop  }
0x6: {  	_ = 	snop  }
0x7: {  	_ = 	snop  }
__scs_overlays_trampoline_lowered:
0x8: {  	[smem:$0x3FA8] =	sst s0  }
0x9: {  	[smem:$0x3FA9] =	sst s1  }
0xa: {  	[smem:$0x3FAA] =	sst s2  }
0xb: {  	[smem:$0x3FAB] =	sst s3  }
0xc: {  	[smem:$0x3FAC] =	sst s4  }
0xd: {  	[smem:$0x3FAD] =	sst s5  }
0xe: {  	[smem:$0x3FAE] =	sst s6  }
0xf: {  	[smem:$0x3FAF] =	sst s7  }
0x10: {  	[smem:$0x3FB0] =	sst s8  }
0x11: {  	[smem:$0x3FB1] =	sst s9;
	s0 =	simm.s32 @!p0 $0x0  }
0x12: {  	s1 =	sld [smem:$0x3F97];
	s0 =	simm.s32 @p0 $0x1  }
0x13: {  	[smem:$0x3FB2] =	sst s0;
	s0 =	simm.s32 @!p1 $0x0  }
0x14: {  	s2 =	sld [smem:$0x3F96];
	s0 =	simm.s32 @p1 $0x1  }
0x15: {  	[smem:$0x3FB3] =	sst s0;
	s0 =	simm.s32 @!p2 $0x0  }
0x16: {  	s3 =	sld [smem:$0x3FDB];
	s0 =	simm.s32 @p2 $0x1  }
0x17: {  	s4 =	simm.s32 $0x1BF5;
	[smem:$0x3FB5] =	sst s0  }
0x18: {  	s0 =	sld [smem:$0x3F98];
	_ =	swait.ge [sflag:s4], $0x0  }
0x19: {  	s7 =	sld [smem:$0x3F99]  }
0x1a: {  	s8 =	sadd.s32 $0xFFFFE003, lr  }
0x1b: {  	s9 =	sadd.s32 $0xFFFFFEF7, lr;
	s5 =	simm.s32 $0xFFFFFFFF;
	p2 =	slt.u32 s8, $0xFFFFF086  }
0x1c: {  	p1 =	slt.u32 s9, $0xF7A;
	s5 =	simm.s32 @!p2 $0x0  }
0x1d: {  	s5 =	simm.s32 @p1 $0x1;
	p0 =	seq.s32 s7, s2  }
0x1e: {  	s7 =	smul.u32 @!p0 $0xF7A, s2;
	p2 =	seq.s32 @!p0 s5, $0x0  }
0x1f: {  	s9 =	smul.u32 $0xF7A, s1;
	s8 =	simm.s32 @!p0 $0x1BF5;
	p2 =	por !p2, p0  }
0x20: {  	[sflag:s8] =	ssyncset.s32 @!p0 $0xFFFFF086;
	s6 =	sadd.s32 @!p0 s3, s7;
	s7 =	simm.s32 @!p0 $0x108  }
0x21: {  	s3 =	sadd.s32 s3, s9;
	s6 =	sadd.s32 @!p0 $0x88, s6;
	s7 =	simm.s32 @p2 $0x1082  }
0x22: {  	[simem:s7], [sflag:s8] =	dma.local @!p0 [hbm:s6], $0xF7A  }
0x23: {  	s9 =	sor.u32 $0xD0000000, s2;
	s6 =	simm.s32 $0x108;
	_ =	swait.ge @!p0 [sflag:s8], $0x0  }
0x24: {  	s3 =	sadd.s32 $0x88, s3;
	s6 =	simm.s32 @!p1 $0x1082;
	[sflag:s4] =	ssyncset.s32 $0xFFFFF086  }
0x25: {  	[simem:s6], [sflag:s4] =	dma.local [hbm:s3], $0xF7A  }
0x26: {  	[smem:$0x3F99] =	sst s1;
	(tag) =	ssettag s2;
	_ =	strace s9  }
0x27: {  	s1 =	sld [smem:$0x3FA9]  }
0x28: {  	s2 =	sld [smem:$0x3FAA]  }
0x29: {  	s4 =	sld [smem:$0x3FAC]  }
0x2a: {  	p0 =	seq.s32 s5, $0x0;
	s5 =	sld [smem:$0x3FAD]  }
0x2b: {  	s6 =	sld [smem:$0x3FAE]  }
0x2c: {  	s7 =	sld [smem:$0x3FAF]  }
0x2d: {  	s3 =	simm.s32 $0x108;
	s8 =	sld [smem:$0x3FB0]  }
0x2e: {  	s3 =	simm.s32 @!p0 $0x1082;
	s9 =	sld [smem:$0x3FB1]  }
0x2f: {  	lr =	sadd.s32 s0, s3;
	s0 =	sld [smem:$0x3FA8]  }
0x30: {  	s3 =	sld [smem:$0x3FAB]  }
0x31: {  	[smem:$0x3FB4] =	sst s10  }
0x32: {  	s10 =	sld [smem:$0x3FB2];
	_ =	sdelay $0x3  }
0x33: {  	p0 =	seq.s32 s10, $0x1;
	s10 =	sld [smem:$0x3FB4];
	_ =	sdelay $0x3  }
0x34: {  	[smem:$0x3FB4] =	sst s10  }
0x35: {  	s10 =	sld [smem:$0x3FB3];
	_ =	sdelay $0x3  }
0x36: {  	p1 =	seq.s32 s10, $0x1;
	s10 =	sld [smem:$0x3FB4];
	_ =	sdelay $0x3  }
0x37: {  	[smem:$0x3FB4] =	sst s10  }
0x38: {  	s10 =	sld [smem:$0x3FB5]  }
0x39: {  	_ = 	snop;
	(pc) =	sbr.ind lr, $3  }
0x3a: {  	_ = 	snop  }
0x3b: {  	_ = 	snop  }
0x3c: {  	p2 =	seq.s32 s10, $0x1;
	s10 =	sld [smem:$0x3FB4]  }
0x3d: {  	_ =	shalt  }
0x3e: {  	_ =	shalt  }
0x3f: {  	_ =	shalt  }
0x40: {  	_ =	shalt  }
0x41: {  	_ =	shalt  }
0x42: {  	_ =	shalt  }
0x43: {  	_ =	shalt  }
0x44: {  	_ =	shalt  }
0x45: {  	_ =	shalt  }
0x46: {  	_ =	shalt  }
0x47: {  	_ =	shalt  }
0x48: {  	_ =	shalt  }
0x49: {  	_ =	shalt  }
0x4a: {  	_ =	shalt  }
0x4b: {  	_ =	shalt  }
0x4c: {  	_ =	shalt  }
0x4d: {  	_ =	shalt  }
0x4e: {  	_ =	shalt  }
0x4f: {  	_ =	shalt  }
0x50: {  	_ =	shalt  }
0x51: {  	_ =	shalt  }
0x52: {  	_ =	shalt  }
0x53: {  	_ =	shalt  }
0x54: {  	_ =	shalt  }
0x55: {  	_ =	shalt  }
0x56: {  	_ =	shalt  }
0x57: {  	_ =	shalt  }
0x58: {  	_ =	shalt  }
0x59: {  	_ =	shalt  }
0x5a: {  	_ =	shalt  }
0x5b: {  	_ =	shalt  }
0x5c: {  	_ =	shalt  }
0x5d: {  	_ =	shalt  }
0x5e: {  	_ =	shalt  }
0x5f: {  	_ =	shalt  }
0x60: {  	_ =	shalt  }
0x61: {  	_ =	shalt  }
0x62: {  	_ =	shalt  }
0x63: {  	_ =	shalt  }
0x64: {  	_ =	shalt  }
0x65: {  	_ =	shalt  }
0x66: {  	_ =	shalt  }
0x67: {  	_ =	shalt  }
0x68: {  	_ =	shalt  }
0x69: {  	_ =	shalt  }
0x6a: {  	_ =	shalt  }
0x6b: {  	_ =	shalt  }
0x6c: {  	_ =	shalt  }
0x6d: {  	_ =	shalt  }
0x6e: {  	_ =	shalt  }
0x6f: {  	_ =	shalt  }
0x70: {  	_ =	shalt  }
0x71: {  	_ =	shalt  }
0x72: {  	_ =	shalt  }
0x73: {  	_ =	shalt  }
0x74: {  	_ =	shalt  }
0x75: {  	_ =	shalt  }
0x76: {  	_ =	shalt  }
0x77: {  	_ =	shalt  }
0x78: {  	_ =	shalt  }
0x79: {  	_ =	shalt  }
0x7a: {  	_ =	shalt  }
0x7b: {  	_ =	shalt  }
0x7c: {  	_ =	shalt  }
0x7d: {  	_ =	shalt  }
0x7e: {  	_ =	shalt  }
0x7f: {  	_ =	shalt  }
0x80: {  	_ =	shalt  }
0x81: {  	_ =	shalt  }
0x82: {  	_ =	shalt  }
0x83: {  	_ =	shalt  }
0x84: {  	_ =	shalt  }
0x85: {  	_ =	shalt  }
0x86: {  	_ =	shalt  }
0x87: {  	_ =	shalt  }
.Lfunc_end0:
.L_simem_size_0:
called_computation_lowered:
.L_overlay_start_0:
0x88: {  	s2 =	sld [smem:$0x3FD9]  }
0x89: {  	s3 =	sld [smem:$0x3FFE];
	_ =	sdelay $0x1  }
0x8a: {  	s1 =	srdreg.scid  }
0x8b: {  	s0 =	sand.u32 $0x1, s1  }
0x8c: {  	s17 =	sshll.u32 s0, $0xA;
	s2 =	sadd.s32 s3, s2  }
0x8d: {  	s2 =	sadd.s32 s2, s17  }
0x8e: {  	[smem:$0x3FC0] =	sst s2  }
0x8f: {  	_ = 	snop  }
0x90: {  	s2 =	sld [smem:$0x3FD0];
	(tm) =	ssettm $0x1  }
0x91: {  	s18 =	sld [smem:$0x3FFB];
	_ =	sdelay $0x3  }
0x92: {  	_ =	strace s18  }
0x93: {  	s3 =	sld [smem:$0x3FFC];
	_ =	sdelay $0x3  }
0x94: {  	_ =	strace s3  }
0x95: {  	s3 =	sld [smem:$0x3FFD];
	_ =	sdelay $0x3  }
0x96: {  	_ =	strace s3  }
0x97: {  	_ =	strace $0x8FFFFFFF  }
0x98: {  	s19 =	sld [smem:$0x3FDB];
	_ =	sdelay $0x1  }
0x99: {  	s4 =	simm.s32 $_scs_section_size  }
0x9a: {  	s5 =	simm.s32 $_size__tile_overlayer_lowered;
	s6 =	simm.s32 $_tile_overlayer_lowered  }
0x9b: {  	s22 =	simm.s32 $0x1BFF;
	s21 =	sshll.u32 s6, $0x1;
	s3 =	sadd.s32 s4, s19  }
0x9c: {  	s7 =	simm.s32 $0x0;
	s20 =	sshll.u32 s5, $0x1;
	s5 =	sadd.s32 s21, s3  }
0x9d: {  	[timem:s7], [sflag:s22] =	dma.local [hbm:s5], s20  }
0x9e: {  	_ =	swait.ge [sflag:s22], s20  }
0x9f: {  	s4 =	ssub.s32 $0x0, s20;
	[sflag:s22] =	ssyncset.done $0x0  }
0xa0: {  	[sflag:s22] =	ssyncadd.s32 s4;
	_ =	sdelay $0x1  }
0xa1: {  	s23 =	simm.s32 $0x1B8B  }
0xa2: {  	_ =	swait.ge [sflag:s23], $0x1  }
0xa3: {  	[sflag:s23] =	ssyncset.done $0x0  }
0xa4: {  	s25 =	simm.s32 $0x1B8E;
	s24 =	sld [smem:$0x3FFE];
	[sflag:s23] =	ssyncadd.s32 $0xFFFFFFFF  }
0xa5: {  	s26 =	simm.s32 $execute0_lowered;
	[smem:$0x3FD2] =	sst s25  }
0xa6: {  	s5 =	sshll.u32 s26, $0x1;
	_ =	strace $0x80000046;
	[dreg:$0x1] =	wrdreg $0xFFFFFFFF  }
0xa7: {  	s28 =	simm.s32 $_size_execute0_lowered;
	s3 =	sadd.s32 s3, s5;
	[dreg:$0x0] =	wrdreg $0x0  }
0xa8: {  	s5 =	sshll.u32 s28, $0x1;
	[dreg:$0x2] =	wrdreg s3  }
0xa9: {  	[dreg:$0x3] =	wrdreg s5  }
0xaa: {  	[dreg:$0x4] =	wrdreg $0xC0  }
0xab: {  	_ =	task [dreg:s7], $0x5FFFF  }
0xac: {  	[dreg:$0x1] =	wrdreg $0xFFFFFFFF  }
0xad: {  	[dreg:$0x0] =	wrdreg $0x60  }
0xae: {  	[dreg:$0x2] =	wrdreg s24  }
0xaf: {  	[dreg:$0x3] =	wrdreg s2  }
0xb0: {  	[dreg:$0x4] =	wrdreg $0x2B000  }
0xb1: {  	[dreg:$0x5] =	wrdreg $0x9  }
0xb2: {  	_ =	task.clear_ibuf [dreg:s7], $0x6FFFF;
	_ =	strace $0x90000046  }
0xb3: {  	s29 =	simm.s32 $0x9;
	_ =	strace $0x80000048  }
0xb4: {  	_ =	swait.ge [sflag:s29], $0x1  }
0xb5: {  	[sflag:s29] =	ssyncadd.s32 $0xFFFFFFFF  }
0xb6: {  	_ =	strace $0x90000048  }
0xb7: {  	_ =	sfence  }
0xb8: {  	s30 =	sld [smem:$0x0];
	_ =	sdelay $0x2  }
0xb9: {  	s31 =	sshll.u32 s1, $0xD;
	s1 =	sshrl.u32 s1, $0x2  }
0xba: {  	s3 =	sand.u32 $0x4000, s31;
	s1 =	sadd.s32 s1, s30  }
0xbb: {  	s0 =	sor.u32 s3, s0;
	s1 =	sshll.u32 s1, $0x11  }
0xbc: {  	s0 =	sor.u32 s1, s0  }
0xbd: {  	s0 =	sadd.s32 $0x8F2B, s0  }
0xbe: {  	[sflag:s0] =	ssyncadd.remote.s32 $0x1  }
0xbf: {  	_ =	sfence.sel $0xFFFF  }
0xc0: {  	[dreg:$0x0] =	wrdreg $0xFFFFFFFF;
	(pc) =	sbr.abs _section_cstart, $3  }
0xc1: {  	[dreg:$0x1] =	wrdreg $0xFFFFFFFF  }
0xc2: {  	_ =	task.clear_ibuf [dreg:s7], $0x2FFFF;
	_ =	strace $0x9FFFFFFF  }
0xc3: {  	(tm) =	ssettm $0x7FFFFFFF  }
tec
execute0_lowered:
.L_overlay_start_1:
0x0: {  	(tag) =	ssettag $0x1  }
0x1: {  	s4 =	rddreg [dreg:$0x0]  }
0x2: {  	s6 =	rddreg [dreg:$0x1];
	s0 =	srdreg.scid  }
0x3: {  	s2 =	rddreg [dreg:$0x2];
	s1 =	stileid.u32;
	s3 =	simm.s32 $0x0  }
0x4: {  	s11 =	simm.s32 $0x2800;
	s12 =	simm.s32 $0x0;
	s5 =	sand.u32 $0x1, s0  }
0x5: {  	s0 =	rddreg [dreg:$0x3];
	s8 =	smul.u32 $0x280, s1;
	s7 =	sshll.u32 s5, $0x4  }
0x6: {  	s9 =	smul.u32 $0x2800, s5;
	s5 =	ssub.s32 $0x2, s5;
	s7 =	sor.u32 s1, s7  }
0x7: {  	[smem:$0x7FF] =	sst s3;
	s10 =	sshrl.u32 s5, $0x1;
	s7 =	smul.u32 $0x500, s7  }
0x8: {  	_ =	strace $0x80000047;
	s9 =	sadd.s32 s8, s9;
	s10 =	ssub.s32 s5, s10  }
0x9: {  	s9 =	sshrl.u32 s9, $0x3;
	s7 =	sadd.s32 s7, s4;
	s4 =	sadd.s32 s8, s2  }
0xa: {  	s6 =	sadd.s32 s6, s9;
	s8 =	simm.s32 $0x2880;
	s9 =	simm.s32 $0x1  }
0xb: {  	v0 =	vimm.f32 $0.0e+00;
	v1 =	vimm.f32 $1.000000000e+00;
	s5 =	sadd.s32 $0xCC00, s7;
	s7 =	smax.u32 s10, $0x1;
	s10 =	simm.s32 $0x80  }
.LBB2_1:
0xc: {  	[tilespmem:$0x2880] =	vst v0  }
0xd: {  	[tilespmem:$0x2890] =	vst v0  }
0xe: {  	[tilespmem:$0x28A0] =	vst v0  }
0xf: {  	[tilespmem:$0x28B0] =	vst v0  }
0x10: {  	[tilespmem:$0x28C0] =	vst v0  }
0x11: {  	[tilespmem:$0x28D0] =	vst v0  }
0x12: {  	[tilespmem:$0x28E0] =	vst v0  }
0x13: {  	[tilespmem:$0x28F0] =	vst v0  }
0x14: {  	[tilespmem:$0x2900] =	vst v0  }
0x15: {  	[tilespmem:$0x2910] =	vst v0  }
0x16: {  	[tilespmem:$0x2920] =	vst v0  }
0x17: {  	[tilespmem:$0x2930] =	vst v0  }
0x18: {  	[tilespmem:$0x2940] =	vst v0  }
0x19: {  	[tilespmem:$0x2950] =	vst v0  }
0x1a: {  	[tilespmem:$0x2960] =	vst v0  }
0x1b: {  	[tilespmem:$0x2970] =	vst v0  }
0x1c: {  	[tilespmem:$0x2980] =	vst v0  }
0x1d: {  	[tilespmem:$0x2990] =	vst v0  }
0x1e: {  	[tilespmem:$0x29A0] =	vst v0  }
0x1f: {  	[tilespmem:$0x29B0] =	vst v0  }
0x20: {  	[tilespmem:$0x29C0] =	vst v0  }
0x21: {  	[tilespmem:$0x29D0] =	vst v0  }
0x22: {  	[tilespmem:$0x29E0] =	vst v0  }
0x23: {  	[tilespmem:$0x29F0] =	vst v0  }
0x24: {  	[tilespmem:$0x2A00] =	vst v0  }
0x25: {  	[tilespmem:$0x2A10] =	vst v0  }
0x26: {  	[tilespmem:$0x2A20] =	vst v0  }
0x27: {  	[tilespmem:$0x2A30] =	vst v0  }
0x28: {  	[tilespmem:$0x2A40] =	vst v0  }
0x29: {  	[tilespmem:$0x2A50] =	vst v0  }
0x2a: {  	[tilespmem:$0x2A60] =	vst v0  }
0x2b: {  	[tilespmem:$0x2A70] =	vst v0  }
0x2c: {  	[tilespmem:$0x2A80] =	vst v0  }
0x2d: {  	[tilespmem:$0x2A90] =	vst v0  }
0x2e: {  	[tilespmem:$0x2AA0] =	vst v0  }
0x2f: {  	[tilespmem:$0x2AB0] =	vst v0  }
0x30: {  	[tilespmem:$0x2AC0] =	vst v0  }
0x31: {  	[tilespmem:$0x2AD0] =	vst v0  }
0x32: {  	[tilespmem:$0x2AE0] =	vst v0  }
0x33: {  	[tilespmem:$0x2AF0] =	vst v0  }
0x34: {  	[tilespmem:$0x2800] =	vst v1  }
0x35: {  	[tilespmem:$0x2810] =	vst v1  }
0x36: {  	[tilespmem:$0x2820] =	vst v1  }
0x37: {  	[tilespmem:$0x2830] =	vst v1  }
0x38: {  	[tilespmem:$0x2840] =	vst v1  }
0x39: {  	[tilespmem:$0x2850] =	vst v1  }
0x3a: {  	[tilespmem:$0x2860] =	vst v1  }
0x3b: {  	[tilespmem:$0x2870] =	vst v1  }
0x3c: {  	[spmem:s4] =	stream.linear.scatter [tilespmem:s8], [sflag:$0x1], $0x280, $0x38;
	[tilespmem:$0x2D80] =	vst v63  }
0x3d: {  	_ =	swait.ge [sflag:s9], $0x280  }
0x3e: {  	[sflag:s9] =	ssyncset.done $0x0  }
0x3f: {  	[sflag:s9] =	ssyncadd.s32 $0xFFFFFD80  }
0x40: {  	[tilespmem:s3], [sflag:$0x1] =	stream.linear.gather [hbm4b:s5+s3], $0x2800, $0x38;
	[tilespmem:$0x2D80] =	vst v63  }
0x41: {  	_ =	swait.ge [sflag:s9], $0x2800  }
0x42: {  	[sflag:s9] =	ssyncset.done $0x0  }
0x43: {  	[sflag:s9] =	ssyncadd.s32 $0xFFFFD800  }
0x44: {  	s13 =	simm.s32 $0x0;
	[bflag:$0x0] =	sbarrier.arrive $0xFFFF  }
0x45: {  	[spmem:s2] =	stream.indirect.scatter.add.f32 [tilespmem:s11], [sflag:$0x1], $0x1, s13, s10, $0xb8;
	[tilespmem:$0x2D80] =	vst v63  }
0x46: {  	_ =	swait.ge [sflag:s9], $0x80  }
0x47: {  	s13 =	simm.s32 $0x200;
	[sflag:s9] =	ssyncset.done $0x0  }
.LBB2_2:
0x48: {  	s14 =	sshra.s32 s13, $0x2;
	[sflag:s9] =	ssyncadd.s32 $0xFFFFFF80;
	p0 =	sne.s32 s13, $0x9E00  }
0x49: {  	[spmem:s2] =	stream.indirect.scatter.add.f32 [tilespmem:s11], [sflag:$0x1], $0x1, s14, s10, $0xb8;
	[tilespmem:$0x2D80] =	vst v63  }
.Ltmp0:
0x4a: {  	_ = 	snop;
	(pc) =	sbr.rel @p0 .LBB2_2-.Ltmp0, $4  }
0x4b: {  	_ = 	snop  }
0x4c: {  	s13 =	sadd.s32 $0x200, s13  }
0x4d: {  	_ =	swait.ge [sflag:s9], $0x80  }
0x4e: {  	[sflag:s9] =	ssyncset.done $0x0  }
0x4f: {  	[sflag:s9] =	ssyncadd.s32 $0xFFFFFF80  }
0x50: {  	[bflag:$0x0] =	sbarrier.arrive $0xFFFF  }
0x51: {  	[tilespmem:s8], [sflag:$0x1] =	stream.linear.gather [spmem:s4], $0x280, $0x38;
	[tilespmem:$0x2D80] =	vst v63  }
0x52: {  	s12 =	sadd.s32 $0x1, s12;
	_ =	swait.ge [sflag:s9], $0x280  }
0x53: {  	p0 =	sne.s32 s12, s7;
	[sflag:s9] =	ssyncset.done $0x0  }
.Ltmp1:
0x54: {  	[sflag:s9] =	ssyncadd.s32 $0xFFFFFD80;
	(pc) =	sbr.rel @p0 .LBB2_1-.Ltmp1, $4  }
0x55: {  	[hbm4b:s6+s3] =	stream.linear.scatter [tilespmem:s8], [sflag:$0x1], $0x280, $0x38;
	[tilespmem:$0x2D80] =	vst v63  }
0x56: {  	_ =	swait.ge [sflag:s9], $0x280  }
0x57: {  	[sflag:s9] =	ssyncset.done $0x0  }
0x58: {  	[sflag:s9] =	ssyncadd.s32 $0xFFFFFD80  }
0x59: {  	_ =	sfence.sel $0x180000  }
0x5a: {  	[bflag:$0x0] =	sbarrier.arrive $0xFFFF  }
0x5b: {  	p0 =	sne.s32 s1, $0x0;
	_ =	strace $0x90000047  }
0x5c: {  	s0 =	sadd.s32 @!p0 $0x100000, s0;
	[bflag:$0x2] =	sbarrier.arrive $0xFFFF  }
0x5d: {  	[sflag:s0] =	ssyncadd.tile.s32 @!p0 $0x1;
	_ =	shalt  }
.Lfunc_end2:
_tile_overlayer_lowered:
.L_overlay_start_2:
0x5e: {  	(tag) =	ssettag $0x2  }
0x5f: {  	s0 =	rddreg [dreg:$0x0];
	s2 =	stileid.u32  }
0x60: {  	s1 =	rddreg [dreg:$0x1];
	p0 =	sne.s32 s2, $0x0  }
0x61: {  	s3 =	rddreg [dreg:$0x2];
	[bflag:$0x3] =	sbarrier.arrive $0xFFFF;
	s2 =	simm.s32 @!p0 $0x1C01  }
0x62: {  	[timem:s3], [sflag:s2] =	dma.local @!p0 [hbm:s0], s1  }
0x63: {  	s0 =	simm.s32 @!p0 $0x1  }
0x64: {  	_ =	swait.ge @!p0 [sflag:s0], s1  }
0x65: {  	s1 =	ssub.s32 @!p0 $0x0, s1;
	[sflag:s0] =	ssyncset.done @!p0 $0x0  }
0x66: {  	[sflag:s0] =	ssyncadd.s32 @!p0 s1  }
0x67: {  	[bflag:$0x3] =	sbarrier.arrive $0xFFFF  }
0x68: {  	_ =	shalt  }

</sc_bundles>
